<compile_context>
chip_gen: v7x
topology: tpu7x:2x2x1
jax: 0.10.2.dev20260603
libtpu: 0.0.44.dev20260713+nightly
codegen_flags: <defaults>
</compile_context>

<pallas_src>
import jax
import jax.numpy as jnp
from jax import lax
from jax.experimental import pallas as pl
from jax.experimental.pallas import tpu as pltpu, tpu_sc as plsc

_NC = 2
_NS = 16
_NW = _NC * _NS
_L = 16

_BATCH = 16384
_DIM = 32
_NROWS = 1000000
_BW = _BATCH // _NW
_G = 8


def _rec_mf_body(users_hbm, items_hbm, u_tab_hbm, i_tab_hbm, out_hbm,
                 idx_us, idx_is, ublk, iblk, out_v, sem):
    wid = lax.axis_index("s") * _NC + lax.axis_index("c")
    base = wid * _BW

    pltpu.sync_copy(users_hbm.at[pl.ds(base, _BW)], idx_us)
    pltpu.sync_copy(items_hbm.at[pl.ds(base, _BW)], idx_is)

    lane_iota = lax.iota(jnp.int32, _L)
    lo_rows = lane_iota
    hi_rows = lane_iota + _L

    def tile_group(t, _):
        uvec = idx_us[pl.ds(t * _L, _L)]
        ivec = idx_is[pl.ds(t * _L, _L)]
        bu_vec = uvec & -128
        bi_vec = ivec & -128
        lu_vec = uvec - bu_vec
        li_vec = ivec - bi_vec
        acc = jnp.zeros((_L,), jnp.float32)
        for p in range(_L // _G):
            lanes = []
            copies = []
            for r in range(_G):
                ln = p * _G + r
                bu = pl.multiple_of(bu_vec[ln], 128)
                bi = pl.multiple_of(bi_vec[ln], 128)
                lanes.append((lu_vec[ln], li_vec[ln]))
                copies.append(pltpu.async_copy(
                    u_tab_hbm.at[:, pl.ds(bu, 128)], ublk.at[r], sem))
                copies.append(pltpu.async_copy(
                    i_tab_hbm.at[:, pl.ds(bi, 128)], iblk.at[r], sem))
            for cp in copies:
                cp.wait()
            for r in range(_G):
                lu, li = lanes[r]
                lu_v = jnp.full((_L,), lu, jnp.int32)
                li_v = jnp.full((_L,), li, jnp.int32)
                a_lo = plsc.load_gather(ublk.at[r], [lo_rows, lu_v])
                a_hi = plsc.load_gather(ublk.at[r], [hi_rows, lu_v])
                b_lo = plsc.load_gather(iblk.at[r], [lo_rows, li_v])
                b_hi = plsc.load_gather(iblk.at[r], [hi_rows, li_v])
                s = a_lo * b_lo + a_hi * b_hi
                acc = acc + jnp.where(lane_iota == p * _G + r,
                                      jnp.sum(s, axis=0), 0.0)
        out_v[pl.ds(t * _L, _L)] = 1.0 / (1.0 + jnp.exp(-acc))
        return 0

    lax.fori_loop(0, _BW // _L, tile_group, 0)

    pltpu.sync_copy(out_v, out_hbm.at[pl.ds(base, _BW)])


@jax.jit
def kernel(users, items, user_table, item_table):
    mesh = plsc.VectorSubcoreMesh(
        core_axis_name="c", subcore_axis_name="s",
        num_cores=_NC, num_subcores=_NS)
    f = pl.kernel(
        _rec_mf_body,
        out_type=jax.ShapeDtypeStruct((_BATCH,), jnp.float32),
        mesh=mesh,
        compiler_params=pltpu.CompilerParams(needs_layout_passes=False),
        scratch_types=[
            pltpu.VMEM((_BW,), jnp.int32),
            pltpu.VMEM((_BW,), jnp.int32),
            pltpu.VMEM((_G, _DIM, 128), jnp.float32),
            pltpu.VMEM((_G, _DIM, 128), jnp.float32),
            pltpu.VMEM((_BW,), jnp.float32),
            pltpu.SemaphoreType.DMA,
        ],
    )
    return f(users, items, user_table.T, item_table.T)

# --- scband reference (transcript-rebuilt; emitter-appended) ---
"""Pipeline reference for scband-rec-mf-13056700580258 (READ-ONLY COPY).

The authoritative reference and input builder live on the scoring server;
editing this copy changes nothing except your own understanding.
"""

import jax, jax.numpy as jnp
import numpy as np

NUM_USERS = 1000000
NUM_ITEMS = 1000000
LATENT_DIM = 32
BATCH = 16384

def setup_inputs(seed: int = 0) -> dict:
    key = jax.random.key(seed)
    k1, k2, k3, k4 = jax.random.split(key, 4)
    users = jax.random.randint(k1, (BATCH,), 0, NUM_USERS, dtype=jnp.int64 if jax.config.jax_enable_x64 else jnp.int32).astype(jnp.int32)
    items = jax.random.randint(k2, (BATCH,), 0, NUM_ITEMS, dtype=jnp.int32)
    user_table = jax.random.normal(k3, (NUM_USERS, LATENT_DIM), dtype=jnp.float32)
    item_table = jax.random.normal(k4, (NUM_ITEMS, LATENT_DIM), dtype=jnp.float32)
    return {"users": users, "items": items, "user_table": user_table, "item_table": item_table}

def reference(users, items, user_table, item_table):
    users_emb = jnp.take(user_table, users, axis=0)
    items_emb = jnp.take(item_table, items, axis=0)
    inner_pro = users_emb * items_emb
    rating = jax.nn.sigmoid(jnp.sum(inner_pro, axis=1))
    return rating

if __name__ == "__main__":
    import jax
    _d = setup_inputs()
    print(jax.jit(kernel)(*tuple(_d.values())))

</pallas_src>

<mosaic_0001>
#map = affine_map<(d0, d1) -> (0)>
#map1 = affine_map<(d0, d1) -> (0, 0)>
module attributes {stable_mosaic.version = 14 : i64} {
  func.func @_rec_mf_body(%arg0: i32, %arg1: i32, %arg2: memref<16384xi32, #tpu.memory_space<hbm>>, %arg3: memref<16384xi32, #tpu.memory_space<hbm>>, %arg4: memref<32x1000000xf32, #tpu.memory_space<hbm>>, %arg5: memref<32x1000000xf32, #tpu.memory_space<hbm>>, %arg6: memref<16384xf32, #tpu.memory_space<hbm>>, %arg7: memref<512xi32, #tpu.memory_space<vmem>>, %arg8: memref<512xi32, #tpu.memory_space<vmem>>, %arg9: memref<8x32x128xf32, #tpu.memory_space<vmem>>, %arg10: memref<8x32x128xf32, #tpu.memory_space<vmem>>, %arg11: memref<512xf32, #tpu.memory_space<vmem>>, %arg12: memref<!tpu.dma_semaphore, #tpu.memory_space<semaphore_mem>>) attributes {dimension_semantics = [#tpu.dimension_semantics<core_parallel>, #tpu.dimension_semantics<subcore_parallel>], iteration_bounds = array<i64: 2, 16>, scalar_prefetch = 0 : i64, scratch_operands = 6 : i64, tpu.core_type = #tpu.core_type<sc_vector_subcore>, window_params = [{transform_indices = #map}, {transform_indices = #map}, {transform_indices = #map1}, {transform_indices = #map1}, {transform_indices = #map}]} {
    %mul3A = arith.constant 2 : i32
    %mul3A_0 = arith.muli %arg1, %mul3A : i32
    %add3A = arith.addi %mul3A_0, %arg0 : i32
    %mul3A_1 = arith.constant 512 : i32
    %mul3A_2 = arith.muli %add3A, %mul3A_1 : i32
    "tpu.region"() ({
      %run_scoped3A = tpu.sem_alloc : memref<!tpu.dma_semaphore, #tpu.memory_space<semaphore_mem>>
      %dma_start3A = tpu.memref_slice %arg2[%mul3A_2] : memref<16384xi32, #tpu.memory_space<hbm>> -> memref<512xi32, #tpu.memory_space<hbm>>
      %dma_start3A_12 = tpu.memref_slice %arg2[%mul3A_2] : memref<16384xi32, #tpu.memory_space<hbm>> -> memref<512xi32, #tpu.memory_space<hbm>>
      tpu.enqueue_dma source(%dma_start3A_12 : memref<512xi32, #tpu.memory_space<hbm>>) target(%arg7 : memref<512xi32, #tpu.memory_space<vmem>>) target_semaphore(%run_scoped3A : memref<!tpu.dma_semaphore, #tpu.memory_space<semaphore_mem>>)
      %dma_wait3A = tpu.memref_slice %arg2[%mul3A_2] : memref<16384xi32, #tpu.memory_space<hbm>> -> memref<512xi32, #tpu.memory_space<hbm>>
      %dma_wait3A_13 = tpu.memref_slice %arg2[%mul3A_2] : memref<16384xi32, #tpu.memory_space<hbm>> -> memref<512xi32, #tpu.memory_space<hbm>>
      tpu.wait_dma2 semaphore(%run_scoped3A : memref<!tpu.dma_semaphore, #tpu.memory_space<semaphore_mem>>) src(%dma_wait3A_13 : memref<512xi32, #tpu.memory_space<hbm>>) dst(%arg7 : memref<512xi32, #tpu.memory_space<vmem>>)
      tpu.yield
    }) : () -> ()
    "tpu.region"() ({
      %run_scoped3A = tpu.sem_alloc : memref<!tpu.dma_semaphore, #tpu.memory_space<semaphore_mem>>
      %dma_start3A = tpu.memref_slice %arg3[%mul3A_2] : memref<16384xi32, #tpu.memory_space<hbm>> -> memref<512xi32, #tpu.memory_space<hbm>>
      %dma_start3A_12 = tpu.memref_slice %arg3[%mul3A_2] : memref<16384xi32, #tpu.memory_space<hbm>> -> memref<512xi32, #tpu.memory_space<hbm>>
      tpu.enqueue_dma source(%dma_start3A_12 : memref<512xi32, #tpu.memory_space<hbm>>) target(%arg8 : memref<512xi32, #tpu.memory_space<vmem>>) target_semaphore(%run_scoped3A : memref<!tpu.dma_semaphore, #tpu.memory_space<semaphore_mem>>)
      %dma_wait3A = tpu.memref_slice %arg3[%mul3A_2] : memref<16384xi32, #tpu.memory_space<hbm>> -> memref<512xi32, #tpu.memory_space<hbm>>
      %dma_wait3A_13 = tpu.memref_slice %arg3[%mul3A_2] : memref<16384xi32, #tpu.memory_space<hbm>> -> memref<512xi32, #tpu.memory_space<hbm>>
      tpu.wait_dma2 semaphore(%run_scoped3A : memref<!tpu.dma_semaphore, #tpu.memory_space<semaphore_mem>>) src(%dma_wait3A_13 : memref<512xi32, #tpu.memory_space<hbm>>) dst(%arg8 : memref<512xi32, #tpu.memory_space<vmem>>)
      tpu.yield
    }) : () -> ()
    %iota3A = tpu.iota {dimensions = array<i32: 0>} : vector<16xi32>
    %add3A_3 = arith.constant 16 : i32
    %add3A_4 = vector.broadcast %add3A_3 : i32 to vector<16xi32>
    %add3A_5 = arith.addi %iota3A, %add3A_4 : vector<16xi32>
    %scan3A = arith.constant 0 : i32
    %scan3A_6 = arith.constant 0 : i32
    %scan3A_7 = arith.constant 32 : i32
    %scan3A_8 = arith.addi %scan3A_6, %scan3A_7 : i32
    %scan3A_9 = arith.constant 1 : i32
    %scan3A_10 = scf.for %scan3A_12 = %scan3A_6 to %scan3A_8 step %scan3A_9 iter_args(%scan3A_13 = %scan3A) -> (i32)  : i32 {
      %mul3A_14 = arith.constant 16 : i32
      %mul3A_15 = arith.muli %scan3A_12, %mul3A_14 : i32
      %get3A = arith.index_cast %mul3A_15 : i32 to index
      %get3A_16 = tpu.vector_load %arg7[%get3A] {strides = array<i32>} : memref<512xi32, #tpu.memory_space<vmem>>, vector<16xi32>,
      %mul3A_17 = arith.constant 16 : i32
      %mul3A_18 = arith.muli %scan3A_12, %mul3A_17 : i32
      %get3A_19 = arith.index_cast %mul3A_18 : i32 to index
      %get3A_20 = tpu.vector_load %arg8[%get3A_19] {strides = array<i32>} : memref<512xi32, #tpu.memory_space<vmem>>, vector<16xi32>,
      %and3A = arith.constant -128 : i32
      %and3A_21 = vector.broadcast %and3A : i32 to vector<16xi32>
      %and3A_22 = arith.andi %get3A_16, %and3A_21 : vector<16xi32>
      %and3A_23 = arith.constant -128 : i32
      %and3A_24 = vector.broadcast %and3A_23 : i32 to vector<16xi32>
      %and3A_25 = arith.andi %get3A_20, %and3A_24 : vector<16xi32>
      %sub3A = arith.subi %get3A_16, %and3A_22 : vector<16xi32>
      %sub3A_26 = arith.subi %get3A_20, %and3A_25 : vector<16xi32>
      %broadcast_in_dim3A = arith.constant 0.000000e+00 : f32
      %broadcast_in_dim3A_27 = vector.broadcast %broadcast_in_dim3A : f32 to vector<16xf32>
      %slice3A = vector.extract_strided_slice %and3A_22 {offsets = [0], sizes = [1], strides = [1]} : vector<16xi32> to vector<1xi32>
      %squeeze3A = vector.extract %slice3A[0] : i32 from vector<1xi32>
      %multiple_of3A = tpu.assume_multiple %squeeze3A, 128 : i32
      %slice3A_28 = vector.extract_strided_slice %and3A_25 {offsets = [0], sizes = [1], strides = [1]} : vector<16xi32> to vector<1xi32>
      %squeeze3A_29 = vector.extract %slice3A_28[0] : i32 from vector<1xi32>
      %multiple_of3A_30 = tpu.assume_multiple %squeeze3A_29, 128 : i32
      %slice3A_31 = vector.extract_strided_slice %sub3A {offsets = [0], sizes = [1], strides = [1]} : vector<16xi32> to vector<1xi32>
      %squeeze3A_32 = vector.extract %slice3A_31[0] : i32 from vector<1xi32>
      %slice3A_33 = vector.extract_strided_slice %sub3A_26 {offsets = [0], sizes = [1], strides = [1]} : vector<16xi32> to vector<1xi32>
      %squeeze3A_34 = vector.extract %slice3A_33[0] : i32 from vector<1xi32>
      %dma_start3A = arith.constant 0 : i32
      %dma_start3A_35 = arith.constant 0 : i32
      %dma_start3A_36 = arith.constant 0 : i32
      %dma_start3A_37 = tpu.memref_slice %arg9[%dma_start3A, %dma_start3A_35, %dma_start3A_36] : memref<8x32x128xf32, #tpu.memory_space<vmem>> -> memref<1x32x128xf32, #tpu.memory_space<vmem>>
      %dma_start3A_38 = tpu.memref_squeeze %dma_start3A_37 : memref<1x32x128xf32, #tpu.memory_space<vmem>> -> memref<32x128xf32, #tpu.memory_space<vmem>>
      %dma_start3A_39 = arith.constant 0 : i32
      %dma_start3A_40 = tpu.memref_slice %arg4[%dma_start3A_39, %multiple_of3A] : memref<32x1000000xf32, #tpu.memory_space<hbm>> -> memref<32x128xf32, #tpu.memory_space<hbm>>
      %dma_start3A_41 = arith.constant 0 : i32
      %dma_start3A_42 = arith.constant 0 : i32
      %dma_start3A_43 = tpu.memref_slice %arg9[%dma_start3A, %dma_start3A_41, %dma_start3A_42] : memref<8x32x128xf32, #tpu.memory_space<vmem>> -> memref<1x32x128xf32, #tpu.memory_space<vmem>>
      %dma_start3A_44 = tpu.memref_squeeze %dma_start3A_43 : memref<1x32x128xf32, #tpu.memory_space<vmem>> -> memref<32x128xf32, #tpu.memory_space<vmem>>
      %dma_start3A_45 = arith.constant 0 : i32
      %dma_start3A_46 = tpu.memref_slice %arg4[%dma_start3A_45, %multiple_of3A] : memref<32x1000000xf32, #tpu.memory_space<hbm>> -> memref<32x128xf32, #tpu.memory_space<hbm>>
      tpu.enqueue_dma source(%dma_start3A_46 : memref<32x128xf32, #tpu.memory_space<hbm>>) target(%dma_start3A_44 : memref<32x128xf32, #tpu.memory_space<vmem>>) target_semaphore(%arg12 : memref<!tpu.dma_semaphore, #tpu.memory_space<semaphore_mem>>)
      %dma_start3A_47 = arith.constant 0 : i32
      %dma_start3A_48 = arith.constant 0 : i32
      %dma_start3A_49 = arith.constant 0 : i32
      %dma_start3A_50 = tpu.memref_slice %arg10[%dma_start3A_47, %dma_start3A_48, %dma_start3A_49] : memref<8x32x128xf32, #tpu.memory_space<vmem>> -> memref<1x32x128xf32, #tpu.memory_space<vmem>>
      %dma_start3A_51 = tpu.memref_squeeze %dma_start3A_50 : memref<1x32x128xf32, #tpu.memory_space<vmem>> -> memref<32x128xf32, #tpu.memory_space<vmem>>
      %dma_start3A_52 = arith.constant 0 : i32
      %dma_start3A_53 = tpu.memref_slice %arg5[%dma_start3A_52, %multiple_of3A_30] : memref<32x1000000xf32, #tpu.memory_space<hbm>> -> memref<32x128xf32, #tpu.memory_space<hbm>>
      %dma_start3A_54 = arith.constant 0 : i32
      %dma_start3A_55 = arith.constant 0 : i32
      %dma_start3A_56 = tpu.memref_slice %arg10[%dma_start3A_47, %dma_start3A_54, %dma_start3A_55] : memref<8x32x128xf32, #tpu.memory_space<vmem>> -> memref<1x32x128xf32, #tpu.memory_space<vmem>>
      %dma_start3A_57 = tpu.memref_squeeze %dma_start3A_56 : memref<1x32x128xf32, #tpu.memory_space<vmem>> -> memref<32x128xf32, #tpu.memory_space<vmem>>
      %dma_start3A_58 = arith.constant 0 : i32
      %dma_start3A_59 = tpu.memref_slice %arg5[%dma_start3A_58, %multiple_of3A_30] : memref<32x1000000xf32, #tpu.memory_space<hbm>> -> memref<32x128xf32, #tpu.memory_space<hbm>>
      tpu.enqueue_dma source(%dma_start3A_59 : memref<32x128xf32, #tpu.memory_space<hbm>>) target(%dma_start3A_57 : memref<32x128xf32, #tpu.memory_space<vmem>>) target_semaphore(%arg12 : memref<!tpu.dma_semaphore, #tpu.memory_space<semaphore_mem>>)
      %slice3A_60 = vector.extract_strided_slice %and3A_22 {offsets = [1], sizes = [1], strides = [1]} : vector<16xi32> to vector<1xi32>
      %squeeze3A_61 = vector.extract %slice3A_60[0] : i32 from vector<1xi32>
      %multiple_of3A_62 = tpu.assume_multiple %squeeze3A_61, 128 : i32
      %slice3A_63 = vector.extract_strided_slice %and3A_25 {offsets = [1], sizes = [1], strides = [1]} : vector<16xi32> to vector<1xi32>
      %squeeze3A_64 = vector.extract %slice3A_63[0] : i32 from vector<1xi32>
      %multiple_of3A_65 = tpu.assume_multiple %squeeze3A_64, 128 : i32
      %slice3A_66 = vector.extract_strided_slice %sub3A {offsets = [1], sizes = [1], strides = [1]} : vector<16xi32> to vector<1xi32>
      %squeeze3A_67 = vector.extract %slice3A_66[0] : i32 from vector<1xi32>
      %slice3A_68 = vector.extract_strided_slice %sub3A_26 {offsets = [1], sizes = [1], strides = [1]} : vector<16xi32> to vector<1xi32>
      %squeeze3A_69 = vector.extract %slice3A_68[0] : i32 from vector<1xi32>
      %dma_start3A_70 = arith.constant 1 : i32
      %dma_start3A_71 = arith.constant 0 : i32
      %dma_start3A_72 = arith.constant 0 : i32
      %dma_start3A_73 = tpu.memref_slice %arg9[%dma_start3A_70, %dma_start3A_71, %dma_start3A_72] : memref<8x32x128xf32, #tpu.memory_space<vmem>> -> memref<1x32x128xf32, #tpu.memory_space<vmem>>
      %dma_start3A_74 = tpu.memref_squeeze %dma_start3A_73 : memref<1x32x128xf32, #tpu.memory_space<vmem>> -> memref<32x128xf32, #tpu.memory_space<vmem>>
      %dma_start3A_75 = arith.constant 0 : i32
      %dma_start3A_76 = tpu.memref_slice %arg4[%dma_start3A_75, %multiple_of3A_62] : memref<32x1000000xf32, #tpu.memory_space<hbm>> -> memref<32x128xf32, #tpu.memory_space<hbm>>
      %dma_start3A_77 = arith.constant 0 : i32
      %dma_start3A_78 = arith.constant 0 : i32
      %dma_start3A_79 = tpu.memref_slice %arg9[%dma_start3A_70, %dma_start3A_77, %dma_start3A_78] : memref<8x32x128xf32, #tpu.memory_space<vmem>> -> memref<1x32x128xf32, #tpu.memory_space<vmem>>
      %dma_start3A_80 = tpu.memref_squeeze %dma_start3A_79 : memref<1x32x128xf32, #tpu.memory_space<vmem>> -> memref<32x128xf32, #tpu.memory_space<vmem>>
      %dma_start3A_81 = arith.constant 0 : i32
      %dma_start3A_82 = tpu.memref_slice %arg4[%dma_start3A_81, %multiple_of3A_62] : memref<32x1000000xf32, #tpu.memory_space<hbm>> -> memref<32x128xf32, #tpu.memory_space<hbm>>
      tpu.enqueue_dma source(%dma_start3A_82 : memref<32x128xf32, #tpu.memory_space<hbm>>) target(%dma_start3A_80 : memref<32x128xf32, #tpu.memory_space<vmem>>) target_semaphore(%arg12 : memref<!tpu.dma_semaphore, #tpu.memory_space<semaphore_mem>>)
      %dma_start3A_83 = arith.constant 1 : i32
      %dma_start3A_84 = arith.constant 0 : i32
      %dma_start3A_85 = arith.constant 0 : i32
      %dma_start3A_86 = tpu.memref_slice %arg10[%dma_start3A_83, %dma_start3A_84, %dma_start3A_85] : memref<8x32x128xf32, #tpu.memory_space<vmem>> -> memref<1x32x128xf32, #tpu.memory_space<vmem>>
      %dma_start3A_87 = tpu.memref_squeeze %dma_start3A_86 : memref<1x32x128xf32, #tpu.memory_space<vmem>> -> memref<32x128xf32, #tpu.memory_space<vmem>>
      %dma_start3A_88 = arith.constant 0 : i32
      %dma_start3A_89 = tpu.memref_slice %arg5[%dma_start3A_88, %multiple_of3A_65] : memref<32x1000000xf32, #tpu.memory_space<hbm>> -> memref<32x128xf32, #tpu.memory_space<hbm>>
      %dma_start3A_90 = arith.constant 0 : i32
      %dma_start3A_91 = arith.constant 0 : i32
      %dma_start3A_92 = tpu.memref_slice %arg10[%dma_start3A_83, %dma_start3A_90, %dma_start3A_91] : memref<8x32x128xf32, #tpu.memory_space<vmem>> -> memref<1x32x128xf32, #tpu.memory_space<vmem>>
      %dma_start3A_93 = tpu.memref_squeeze %dma_start3A_92 : memref<1x32x128xf32, #tpu.memory_space<vmem>> -> memref<32x128xf32, #tpu.memory_space<vmem>>
      %dma_start3A_94 = arith.constant 0 : i32
      %dma_start3A_95 = tpu.memref_slice %arg5[%dma_start3A_94, %multiple_of3A_65] : memref<32x1000000xf32, #tpu.memory_space<hbm>> -> memref<32x128xf32, #tpu.memory_space<hbm>>
      tpu.enqueue_dma source(%dma_start3A_95 : memref<32x128xf32, #tpu.memory_space<hbm>>) target(%dma_start3A_93 : memref<32x128xf32, #tpu.memory_space<vmem>>) target_semaphore(%arg12 : memref<!tpu.dma_semaphore, #tpu.memory_space<semaphore_mem>>)
      %slice3A_96 = vector.extract_strided_slice %and3A_22 {offsets = [2], sizes = [1], strides = [1]} : vector<16xi32> to vector<1xi32>
      %squeeze3A_97 = vector.extract %slice3A_96[0] : i32 from vector<1xi32>
      %multiple_of3A_98 = tpu.assume_multiple %squeeze3A_97, 128 : i32
      %slice3A_99 = vector.extract_strided_slice %and3A_25 {offsets = [2], sizes = [1], strides = [1]} : vector<16xi32> to vector<1xi32>
      %squeeze3A_100 = vector.extract %slice3A_99[0] : i32 from vector<1xi32>
      %multiple_of3A_101 = tpu.assume_multiple %squeeze3A_100, 128 : i32
      %slice3A_102 = vector.extract_strided_slice %sub3A {offsets = [2], sizes = [1], strides = [1]} : vector<16xi32> to vector<1xi32>
      %squeeze3A_103 = vector.extract %slice3A_102[0] : i32 from vector<1xi32>
      %slice3A_104 = vector.extract_strided_slice %sub3A_26 {offsets = [2], sizes = [1], strides = [1]} : vector<16xi32> to vector<1xi32>
      %squeeze3A_105 = vector.extract %slice3A_104[0] : i32 from vector<1xi32>
      %dma_start3A_106 = arith.constant 2 : i32
      %dma_start3A_107 = arith.constant 0 : i32
      %dma_start3A_108 = arith.constant 0 : i32
      %dma_start3A_109 = tpu.memref_slice %arg9[%dma_start3A_106, %dma_start3A_107, %dma_start3A_108] : memref<8x32x128xf32, #tpu.memory_space<vmem>> -> memref<1x32x128xf32, #tpu.memory_space<vmem>>
      %dma_start3A_110 = tpu.memref_squeeze %dma_start3A_109 : memref<1x32x128xf32, #tpu.memory_space<vmem>> -> memref<32x128xf32, #tpu.memory_space<vmem>>
      %dma_start3A_111 = arith.constant 0 : i32
      %dma_start3A_112 = tpu.memref_slice %arg4[%dma_start3A_111, %multiple_of3A_98] : memref<32x1000000xf32, #tpu.memory_space<hbm>> -> memref<32x128xf32, #tpu.memory_space<hbm>>
      %dma_start3A_113 = arith.constant 0 : i32
      %dma_start3A_114 = arith.constant 0 : i32
      %dma_start3A_115 = tpu.memref_slice %arg9[%dma_start3A_106, %dma_start3A_113, %dma_start3A_114] : memref<8x32x128xf32, #tpu.memory_space<vmem>> -> memref<1x32x128xf32, #tpu.memory_space<vmem>>
      %dma_start3A_116 = tpu.memref_squeeze %dma_start3A_115 : memref<1x32x128xf32, #tpu.memory_space<vmem>> -> memref<32x128xf32, #tpu.memory_space<vmem>>
      %dma_start3A_117 = arith.constant 0 : i32
      %dma_start3A_118 = tpu.memref_slice %arg4[%dma_start3A_117, %multiple_of3A_98] : memref<32x1000000xf32, #tpu.memory_space<hbm>> -> memref<32x128xf32, #tpu.memory_space<hbm>>
      tpu.enqueue_dma source(%dma_start3A_118 : memref<32x128xf32, #tpu.memory_space<hbm>>) target(%dma_start3A_116 : memref<32x128xf32, #tpu.memory_space<vmem>>) target_semaphore(%arg12 : memref<!tpu.dma_semaphore, #tpu.memory_space<semaphore_mem>>)
      %dma_start3A_119 = arith.constant 2 : i32
      %dma_start3A_120 = arith.constant 0 : i32
      %dma_start3A_121 = arith.constant 0 : i32
      %dma_start3A_122 = tpu.memref_slice %arg10[%dma_start3A_119, %dma_start3A_120, %dma_start3A_121] : memref<8x32x128xf32, #tpu.memory_space<vmem>> -> memref<1x32x128xf32, #tpu.memory_space<vmem>>
      %dma_start3A_123 = tpu.memref_squeeze %dma_start3A_122 : memref<1x32x128xf32, #tpu.memory_space<vmem>> -> memref<32x128xf32, #tpu.memory_space<vmem>>
      %dma_start3A_124 = arith.constant 0 : i32
      %dma_start3A_125 = tpu.memref_slice %arg5[%dma_start3A_124, %multiple_of3A_101] : memref<32x1000000xf32, #tpu.memory_space<hbm>> -> memref<32x128xf32, #tpu.memory_space<hbm>>
      %dma_start3A_126 = arith.constant 0 : i32
      %dma_start3A_127 = arith.constant 0 : i32
      %dma_start3A_128 = tpu.memref_slice %arg10[%dma_start3A_119, %dma_start3A_126, %dma_start3A_127] : memref<8x32x128xf32, #tpu.memory_space<vmem>> -> memref<1x32x128xf32, #tpu.memory_space<vmem>>
      %dma_start3A_129 = tpu.memref_squeeze %dma_start3A_128 : memref<1x32x128xf32, #tpu.memory_space<vmem>> -> memref<32x128xf32, #tpu.memory_space<vmem>>
      %dma_start3A_130 = arith.constant 0 : i32
      %dma_start3A_131 = tpu.memref_slice %arg5[%dma_start3A_130, %multiple_of3A_101] : memref<32x1000000xf32, #tpu.memory_space<hbm>> -> memref<32x128xf32, #tpu.memory_space<hbm>>
      tpu.enqueue_dma source(%dma_start3A_131 : memref<32x128xf32, #tpu.memory_space<hbm>>) target(%dma_start3A_129 : memref<32x128xf32, #tpu.memory_space<vmem>>) target_semaphore(%arg12 : memref<!tpu.dma_semaphore, #tpu.memory_space<semaphore_mem>>)
      %slice3A_132 = vector.extract_strided_slice %and3A_22 {offsets = [3], sizes = [1], strides = [1]} : vector<16xi32> to vector<1xi32>
      %squeeze3A_133 = vector.extract %slice3A_132[0] : i32 from vector<1xi32>
      %multiple_of3A_134 = tpu.assume_multiple %squeeze3A_133, 128 : i32
      %slice3A_135 = vector.extract_strided_slice %and3A_25 {offsets = [3], sizes = [1], strides = [1]} : vector<16xi32> to vector<1xi32>
      %squeeze3A_136 = vector.extract %slice3A_135[0] : i32 from vector<1xi32>
      %multiple_of3A_137 = tpu.assume_multiple %squeeze3A_136, 128 : i32
      %slice3A_138 = vector.extract_strided_slice %sub3A {offsets = [3], sizes = [1], strides = [1]} : vector<16xi32> to vector<1xi32>
      %squeeze3A_139 = vector.extract %slice3A_138[0] : i32 from vector<1xi32>
      %slice3A_140 = vector.extract_strided_slice %sub3A_26 {offsets = [3], sizes = [1], strides = [1]} : vector<16xi32> to vector<1xi32>
      %squeeze3A_141 = vector.extract %slice3A_140[0] : i32 from vector<1xi32>
      %dma_start3A_142 = arith.constant 3 : i32
      %dma_start3A_143 = arith.constant 0 : i32
      %dma_start3A_144 = arith.constant 0 : i32
      %dma_start3A_145 = tpu.memref_slice %arg9[%dma_start3A_142, %dma_start3A_143, %dma_start3A_144] : memref<8x32x128xf32, #tpu.memory_space<vmem>> -> memref<1x32x128xf32, #tpu.memory_space<vmem>>
      %dma_start3A_146 = tpu.memref_squeeze %dma_start3A_145 : memref<1x32x128xf32, #tpu.memory_space<vmem>> -> memref<32x128xf32, #tpu.memory_space<vmem>>
      %dma_start3A_147 = arith.constant 0 : i32
      %dma_start3A_148 = tpu.memref_slice %arg4[%dma_start3A_147, %multiple_of3A_134] : memref<32x1000000xf32, #tpu.memory_space<hbm>> -> memref<32x128xf32, #tpu.memory_space<hbm>>
      %dma_start3A_149 = arith.constant 0 : i32
      %dma_start3A_150 = arith.constant 0 : i32
      %dma_start3A_151 = tpu.memref_slice %arg9[%dma_start3A_142, %dma_start3A_149, %dma_start3A_150] : memref<8x32x128xf32, #tpu.memory_space<vmem>> -> memref<1x32x128xf32, #tpu.memory_space<vmem>>
      %dma_start3A_152 = tpu.memref_squeeze %dma_start3A_151 : memref<1x32x128xf32, #tpu.memory_space<vmem>> -> memref<32x128xf32, #tpu.memory_space<vmem>>
      %dma_start3A_153 = arith.constant 0 : i32
      %dma_start3A_154 = tpu.memref_slice %arg4[%dma_start3A_153, %multiple_of3A_134] : memref<32x1000000xf32, #tpu.memory_space<hbm>> -> memref<32x128xf32, #tpu.memory_space<hbm>>
      tpu.enqueue_dma source(%dma_start3A_154 : memref<32x128xf32, #tpu.memory_space<hbm>>) target(%dma_start3A_152 : memref<32x128xf32, #tpu.memory_space<vmem>>) target_semaphore(%arg12 : memref<!tpu.dma_semaphore, #tpu.memory_space<semaphore_mem>>)
      %dma_start3A_155 = arith.constant 3 : i32
      %dma_start3A_156 = arith.constant 0 : i32
      %dma_start3A_157 = arith.constant 0 : i32
      %dma_start3A_158 = tpu.memref_slice %arg10[%dma_start3A_155, %dma_start3A_156, %dma_start3A_157] : memref<8x32x128xf32, #tpu.memory_space<vmem>> -> memref<1x32x128xf32, #tpu.memory_space<vmem>>
      %dma_start3A_159 = tpu.memref_squeeze %dma_start3A_158 : memref<1x32x128xf32, #tpu.memory_space<vmem>> -> memref<32x128xf32, #tpu.memory_space<vmem>>
      %dma_start3A_160 = arith.constant 0 : i32
      %dma_start3A_161 = tpu.memref_slice %arg5[%dma_start3A_160, %multiple_of3A_137] : memref<32x1000000xf32, #tpu.memory_space<hbm>> -> memref<32x128xf32, #tpu.memory_space<hbm>>
      %dma_start3A_162 = arith.constant 0 : i32
      %dma_start3A_163 = arith.constant 0 : i32
      %dma_start3A_164 = tpu.memref_slice %arg10[%dma_start3A_155, %dma_start3A_162, %dma_start3A_163] : memref<8x32x128xf32, #tpu.memory_space<vmem>> -> memref<1x32x128xf32, #tpu.memory_space<vmem>>
      %dma_start3A_165 = tpu.memref_squeeze %dma_start3A_164 : memref<1x32x128xf32, #tpu.memory_space<vmem>> -> memref<32x128xf32, #tpu.memory_space<vmem>>
      %dma_start3A_166 = arith.constant 0 : i32
      %dma_start3A_167 = tpu.memref_slice %arg5[%dma_start3A_166, %multiple_of3A_137] : memref<32x1000000xf32, #tpu.memory_space<hbm>> -> memref<32x128xf32, #tpu.memory_space<hbm>>
      tpu.enqueue_dma source(%dma_start3A_167 : memref<32x128xf32, #tpu.memory_space<hbm>>) target(%dma_start3A_165 : memref<32x128xf32, #tpu.memory_space<vmem>>) target_semaphore(%arg12 : memref<!tpu.dma_semaphore, #tpu.memory_space<semaphore_mem>>)
      %slice3A_168 = vector.extract_strided_slice %and3A_22 {offsets = [4], sizes = [1], strides = [1]} : vector<16xi32> to vector<1xi32>
      %squeeze3A_169 = vector.extract %slice3A_168[0] : i32 from vector<1xi32>
      %multiple_of3A_170 = tpu.assume_multiple %squeeze3A_169, 128 : i32
      %slice3A_171 = vector.extract_strided_slice %and3A_25 {offsets = [4], sizes = [1], strides = [1]} : vector<16xi32> to vector<1xi32>
      %squeeze3A_172 = vector.extract %slice3A_171[0] : i32 from vector<1xi32>
      %multiple_of3A_173 = tpu.assume_multiple %squeeze3A_172, 128 : i32
      %slice3A_174 = vector.extract_strided_slice %sub3A {offsets = [4], sizes = [1], strides = [1]} : vector<16xi32> to vector<1xi32>
      %squeeze3A_175 = vector.extract %slice3A_174[0] : i32 from vector<1xi32>
      %slice3A_176 = vector.extract_strided_slice %sub3A_26 {offsets = [4], sizes = [1], strides = [1]} : vector<16xi32> to vector<1xi32>
      %squeeze3A_177 = vector.extract %slice3A_176[0] : i32 from vector<1xi32>
      %dma_start3A_178 = arith.constant 4 : i32
      %dma_start3A_179 = arith.constant 0 : i32
      %dma_start3A_180 = arith.constant 0 : i32
      %dma_start3A_181 = tpu.memref_slice %arg9[%dma_start3A_178, %dma_start3A_179, %dma_start3A_180] : memref<8x32x128xf32, #tpu.memory_space<vmem>> -> memref<1x32x128xf32, #tpu.memory_space<vmem>>
      %dma_start3A_182 = tpu.memref_squeeze %dma_start3A_181 : memref<1x32x128xf32, #tpu.memory_space<vmem>> -> memref<32x128xf32, #tpu.memory_space<vmem>>
      %dma_start3A_183 = arith.constant 0 : i32
      %dma_start3A_184 = tpu.memref_slice %arg4[%dma_start3A_183, %multiple_of3A_170] : memref<32x1000000xf32, #tpu.memory_space<hbm>> -> memref<32x128xf32, #tpu.memory_space<hbm>>
      %dma_start3A_185 = arith.constant 0 : i32
      %dma_start3A_186 = arith.constant 0 : i32
      %dma_start3A_187 = tpu.memref_slice %arg9[%dma_start3A_178, %dma_start3A_185, %dma_start3A_186] : memref<8x32x128xf32, #tpu.memory_space<vmem>> -> memref<1x32x128xf32, #tpu.memory_space<vmem>>
      %dma_start3A_188 = tpu.memref_squeeze %dma_start3A_187 : memref<1x32x128xf32, #tpu.memory_space<vmem>> -> memref<32x128xf32, #tpu.memory_space<vmem>>
      %dma_start3A_189 = arith.constant 0 : i32
      %dma_start3A_190 = tpu.memref_slice %arg4[%dma_start3A_189, %multiple_of3A_170] : memref<32x1000000xf32, #tpu.memory_space<hbm>> -> memref<32x128xf32, #tpu.memory_space<hbm>>
      tpu.enqueue_dma source(%dma_start3A_190 : memref<32x128xf32, #tpu.memory_space<hbm>>) target(%dma_start3A_188 : memref<32x128xf32, #tpu.memory_space<vmem>>) target_semaphore(%arg12 : memref<!tpu.dma_semaphore, #tpu.memory_space<semaphore_mem>>)
      %dma_start3A_191 = arith.constant 4 : i32
      %dma_start3A_192 = arith.constant 0 : i32
      %dma_start3A_193 = arith.constant 0 : i32
      %dma_start3A_194 = tpu.memref_slice %arg10[%dma_start3A_191, %dma_start3A_192, %dma_start3A_193] : memref<8x32x128xf32, #tpu.memory_space<vmem>> -> memref<1x32x128xf32, #tpu.memory_space<vmem>>
      %dma_start3A_195 = tpu.memref_squeeze %dma_start3A_194 : memref<1x32x128xf32, #tpu.memory_space<vmem>> -> memref<32x128xf32, #tpu.memory_space<vmem>>
      %dma_start3A_196 = arith.constant 0 : i32
      %dma_start3A_197 = tpu.memref_slice %arg5[%dma_start3A_196, %multiple_of3A_173] : memref<32x1000000xf32, #tpu.memory_space<hbm>> -> memref<32x128xf32, #tpu.memory_space<hbm>>
      %dma_start3A_198 = arith.constant 0 : i32
      %dma_start3A_199 = arith.constant 0 : i32
      %dma_start3A_200 = tpu.memref_slice %arg10[%dma_start3A_191, %dma_start3A_198, %dma_start3A_199] : memref<8x32x128xf32, #tpu.memory_space<vmem>> -> memref<1x32x128xf32, #tpu.memory_space<vmem>>
      %dma_start3A_201 = tpu.memref_squeeze %dma_start3A_200 : memref<1x32x128xf32, #tpu.memory_space<vmem>> -> memref<32x128xf32, #tpu.memory_space<vmem>>
      %dma_start3A_202 = arith.constant 0 : i32
      %dma_start3A_203 = tpu.memref_slice %arg5[%dma_start3A_202, %multiple_of3A_173] : memref<32x1000000xf32, #tpu.memory_space<hbm>> -> memref<32x128xf32, #tpu.memory_space<hbm>>
      tpu.enqueue_dma source(%dma_start3A_203 : memref<32x128xf32, #tpu.memory_space<hbm>>) target(%dma_start3A_201 : memref<32x128xf32, #tpu.memory_space<vmem>>) target_semaphore(%arg12 : memref<!tpu.dma_semaphore, #tpu.memory_space<semaphore_mem>>)
      %slice3A_204 = vector.extract_strided_slice %and3A_22 {offsets = [5], sizes = [1], strides = [1]} : vector<16xi32> to vector<1xi32>
      %squeeze3A_205 = vector.extract %slice3A_204[0] : i32 from vector<1xi32>
      %multiple_of3A_206 = tpu.assume_multiple %squeeze3A_205, 128 : i32
      %slice3A_207 = vector.extract_strided_slice %and3A_25 {offsets = [5], sizes = [1], strides = [1]} : vector<16xi32> to vector<1xi32>
      %squeeze3A_208 = vector.extract %slice3A_207[0] : i32 from vector<1xi32>
      %multiple_of3A_209 = tpu.assume_multiple %squeeze3A_208, 128 : i32
      %slice3A_210 = vector.extract_strided_slice %sub3A {offsets = [5], sizes = [1], strides = [1]} : vector<16xi32> to vector<1xi32>
      %squeeze3A_211 = vector.extract %slice3A_210[0] : i32 from vector<1xi32>
      %slice3A_212 = vector.extract_strided_slice %sub3A_26 {offsets = [5], sizes = [1], strides = [1]} : vector<16xi32> to vector<1xi32>
      %squeeze3A_213 = vector.extract %slice3A_212[0] : i32 from vector<1xi32>
      %dma_start3A_214 = arith.constant 5 : i32
      %dma_start3A_215 = arith.constant 0 : i32
      %dma_start3A_216 = arith.constant 0 : i32
      %dma_start3A_217 = tpu.memref_slice %arg9[%dma_start3A_214, %dma_start3A_215, %dma_start3A_216] : memref<8x32x128xf32, #tpu.memory_space<vmem>> -> memref<1x32x128xf32, #tpu.memory_space<vmem>>
      %dma_start3A_218 = tpu.memref_squeeze %dma_start3A_217 : memref<1x32x128xf32, #tpu.memory_space<vmem>> -> memref<32x128xf32, #tpu.memory_space<vmem>>
      %dma_start3A_219 = arith.constant 0 : i32
      %dma_start3A_220 = tpu.memref_slice %arg4[%dma_start3A_219, %multiple_of3A_206] : memref<32x1000000xf32, #tpu.memory_space<hbm>> -> memref<32x128xf32, #tpu.memory_space<hbm>>
      %dma_start3A_221 = arith.constant 0 : i32
      %dma_start3A_222 = arith.constant 0 : i32
      %dma_start3A_223 = tpu.memref_slice %arg9[%dma_start3A_214, %dma_start3A_221, %dma_start3A_222] : memref<8x32x128xf32, #tpu.memory_space<vmem>> -> memref<1x32x128xf32, #tpu.memory_space<vmem>>
      %dma_start3A_224 = tpu.memref_squeeze %dma_start3A_223 : memref<1x32x128xf32, #tpu.memory_space<vmem>> -> memref<32x128xf32, #tpu.memory_space<vmem>>
      %dma_start3A_225 = arith.constant 0 : i32
      %dma_start3A_226 = tpu.memref_slice %arg4[%dma_start3A_225, %multiple_of3A_206] : memref<32x1000000xf32, #tpu.memory_space<hbm>> -> memref<32x128xf32, #tpu.memory_space<hbm>>
      tpu.enqueue_dma source(%dma_start3A_226 : memref<32x128xf32, #tpu.memory_space<hbm>>) target(%dma_start3A_224 : memref<32x128xf32, #tpu.memory_space<vmem>>) target_semaphore(%arg12 : memref<!tpu.dma_semaphore, #tpu.memory_space<semaphore_mem>>)
      %dma_start3A_227 = arith.constant 5 : i32
      %dma_start3A_228 = arith.constant 0 : i32
      %dma_start3A_229 = arith.constant 0 : i32
      %dma_start3A_230 = tpu.memref_slice %arg10[%dma_start3A_227, %dma_start3A_228, %dma_start3A_229] : memref<8x32x128xf32, #tpu.memory_space<vmem>> -> memref<1x32x128xf32, #tpu.memory_space<vmem>>
      %dma_start3A_231 = tpu.memref_squeeze %dma_start3A_230 : memref<1x32x128xf32, #tpu.memory_space<vmem>> -> memref<32x128xf32, #tpu.memory_space<vmem>>
      %dma_start3A_232 = arith.constant 0 : i32
      %dma_start3A_233 = tpu.memref_slice %arg5[%dma_start3A_232, %multiple_of3A_209] : memref<32x1000000xf32, #tpu.memory_space<hbm>> -> memref<32x128xf32, #tpu.memory_space<hbm>>
      %dma_start3A_234 = arith.constant 0 : i32
      %dma_start3A_235 = arith.constant 0 : i32
      %dma_start3A_236 = tpu.memref_slice %arg10[%dma_start3A_227, %dma_start3A_234, %dma_start3A_235] : memref<8x32x128xf32, #tpu.memory_space<vmem>> -> memref<1x32x128xf32, #tpu.memory_space<vmem>>
      %dma_start3A_237 = tpu.memref_squeeze %dma_start3A_236 : memref<1x32x128xf32, #tpu.memory_space<vmem>> -> memref<32x128xf32, #tpu.memory_space<vmem>>
      %dma_start3A_238 = arith.constant 0 : i32
      %dma_start3A_239 = tpu.memref_slice %arg5[%dma_start3A_238, %multiple_of3A_209] : memref<32x1000000xf32, #tpu.memory_space<hbm>> -> memref<32x128xf32, #tpu.memory_space<hbm>>
      tpu.enqueue_dma source(%dma_start3A_239 : memref<32x128xf32, #tpu.memory_space<hbm>>) target(%dma_start3A_237 : memref<32x128xf32, #tpu.memory_space<vmem>>) target_semaphore(%arg12 : memref<!tpu.dma_semaphore, #tpu.memory_space<semaphore_mem>>)
      %slice3A_240 = vector.extract_strided_slice %and3A_22 {offsets = [6], sizes = [1], strides = [1]} : vector<16xi32> to vector<1xi32>
      %squeeze3A_241 = vector.extract %slice3A_240[0] : i32 from vector<1xi32>
      %multiple_of3A_242 = tpu.assume_multiple %squeeze3A_241, 128 : i32
      %slice3A_243 = vector.extract_strided_slice %and3A_25 {offsets = [6], sizes = [1], strides = [1]} : vector<16xi32> to vector<1xi32>
      %squeeze3A_244 = vector.extract %slice3A_243[0] : i32 from vector<1xi32>
      %multiple_of3A_245 = tpu.assume_multiple %squeeze3A_244, 128 : i32
      %slice3A_246 = vector.extract_strided_slice %sub3A {offsets = [6], sizes = [1], strides = [1]} : vector<16xi32> to vector<1xi32>
      %squeeze3A_247 = vector.extract %slice3A_246[0] : i32 from vector<1xi32>
      %slice3A_248 = vector.extract_strided_slice %sub3A_26 {offsets = [6], sizes = [1], strides = [1]} : vector<16xi32> to vector<1xi32>
      %squeeze3A_249 = vector.extract %slice3A_248[0] : i32 from vector<1xi32>
      %dma_start3A_250 = arith.constant 6 : i32
      %dma_start3A_251 = arith.constant 0 : i32
      %dma_start3A_252 = arith.constant 0 : i32
      %dma_start3A_253 = tpu.memref_slice %arg9[%dma_start3A_250, %dma_start3A_251, %dma_start3A_252] : memref<8x32x128xf32, #tpu.memory_space<vmem>> -> memref<1x32x128xf32, #tpu.memory_space<vmem>>
      %dma_start3A_254 = tpu.memref_squeeze %dma_start3A_253 : memref<1x32x128xf32, #tpu.memory_space<vmem>> -> memref<32x128xf32, #tpu.memory_space<vmem>>
      %dma_start3A_255 = arith.constant 0 : i32
      %dma_start3A_256 = tpu.memref_slice %arg4[%dma_start3A_255, %multiple_of3A_242] : memref<32x1000000xf32, #tpu.memory_space<hbm>> -> memref<32x128xf32, #tpu.memory_space<hbm>>
      %dma_start3A_257 = arith.constant 0 : i32
      %dma_start3A_258 = arith.constant 0 : i32
      %dma_start3A_259 = tpu.memref_slice %arg9[%dma_start3A_250, %dma_start3A_257, %dma_start3A_258] : memref<8x32x128xf32, #tpu.memory_space<vmem>> -> memref<1x32x128xf32, #tpu.memory_space<vmem>>
      %dma_start3A_260 = tpu.memref_squeeze %dma_start3A_259 : memref<1x32x128xf32, #tpu.memory_space<vmem>> -> memref<32x128xf32, #tpu.memory_space<vmem>>
      %dma_start3A_261 = arith.constant 0 : i32
      %dma_start3A_262 = tpu.memref_slice %arg4[%dma_start3A_261, %multiple_of3A_242] : memref<32x1000000xf32, #tpu.memory_space<hbm>> -> memref<32x128xf32, #tpu.memory_space<hbm>>
      tpu.enqueue_dma source(%dma_start3A_262 : memref<32x128xf32, #tpu.memory_space<hbm>>) target(%dma_start3A_260 : memref<32x128xf32, #tpu.memory_space<vmem>>) target_semaphore(%arg12 : memref<!tpu.dma_semaphore, #tpu.memory_space<semaphore_mem>>)
      %dma_start3A_263 = arith.constant 6 : i32
      %dma_start3A_264 = arith.constant 0 : i32
      %dma_start3A_265 = arith.constant 0 : i32
      %dma_start3A_266 = tpu.memref_slice %arg10[%dma_start3A_263, %dma_start3A_264, %dma_start3A_265] : memref<8x32x128xf32, #tpu.memory_space<vmem>> -> memref<1x32x128xf32, #tpu.memory_space<vmem>>
      %dma_start3A_267 = tpu.memref_squeeze %dma_start3A_266 : memref<1x32x128xf32, #tpu.memory_space<vmem>> -> memref<32x128xf32, #tpu.memory_space<vmem>>
      %dma_start3A_268 = arith.constant 0 : i32
      %dma_start3A_269 = tpu.memref_slice %arg5[%dma_start3A_268, %multiple_of3A_245] : memref<32x1000000xf32, #tpu.memory_space<hbm>> -> memref<32x128xf32, #tpu.memory_space<hbm>>
      %dma_start3A_270 = arith.constant 0 : i32
      %dma_start3A_271 = arith.constant 0 : i32
      %dma_start3A_272 = tpu.memref_slice %arg10[%dma_start3A_263, %dma_start3A_270, %dma_start3A_271] : memref<8x32x128xf32, #tpu.memory_space<vmem>> -> memref<1x32x128xf32, #tpu.memory_space<vmem>>
      %dma_start3A_273 = tpu.memref_squeeze %dma_start3A_272 : memref<1x32x128xf32, #tpu.memory_space<vmem>> -> memref<32x128xf32, #tpu.memory_space<vmem>>
      %dma_start3A_274 = arith.constant 0 : i32
      %dma_start3A_275 = tpu.memref_slice %arg5[%dma_start3A_274, %multiple_of3A_245] : memref<32x1000000xf32, #tpu.memory_space<hbm>> -> memref<32x128xf32, #tpu.memory_space<hbm>>
      tpu.enqueue_dma source(%dma_start3A_275 : memref<32x128xf32, #tpu.memory_space<hbm>>) target(%dma_start3A_273 : memref<32x128xf32, #tpu.memory_space<vmem>>) target_semaphore(%arg12 : memref<!tpu.dma_semaphore, #tpu.memory_space<semaphore_mem>>)
      %slice3A_276 = vector.extract_strided_slice %and3A_22 {offsets = [7], sizes = [1], strides = [1]} : vector<16xi32> to vector<1xi32>
      %squeeze3A_277 = vector.extract %slice3A_276[0] : i32 from vector<1xi32>
      %multiple_of3A_278 = tpu.assume_multiple %squeeze3A_277, 128 : i32
      %slice3A_279 = vector.extract_strided_slice %and3A_25 {offsets = [7], sizes = [1], strides = [1]} : vector<16xi32> to vector<1xi32>
      %squeeze3A_280 = vector.extract %slice3A_279[0] : i32 from vector<1xi32>
      %multiple_of3A_281 = tpu.assume_multiple %squeeze3A_280, 128 : i32
      %slice3A_282 = vector.extract_strided_slice %sub3A {offsets = [7], sizes = [1], strides = [1]} : vector<16xi32> to vector<1xi32>
      %squeeze3A_283 = vector.extract %slice3A_282[0] : i32 from vector<1xi32>
      %slice3A_284 = vector.extract_strided_slice %sub3A_26 {offsets = [7], sizes = [1], strides = [1]} : vector<16xi32> to vector<1xi32>
      %squeeze3A_285 = vector.extract %slice3A_284[0] : i32 from vector<1xi32>
      %dma_start3A_286 = arith.constant 7 : i32
      %dma_start3A_287 = arith.constant 0 : i32
      %dma_start3A_288 = arith.constant 0 : i32
      %dma_start3A_289 = tpu.memref_slice %arg9[%dma_start3A_286, %dma_start3A_287, %dma_start3A_288] : memref<8x32x128xf32, #tpu.memory_space<vmem>> -> memref<1x32x128xf32, #tpu.memory_space<vmem>>
      %dma_start3A_290 = tpu.memref_squeeze %dma_start3A_289 : memref<1x32x128xf32, #tpu.memory_space<vmem>> -> memref<32x128xf32, #tpu.memory_space<vmem>>
      %dma_start3A_291 = arith.constant 0 : i32
      %dma_start3A_292 = tpu.memref_slice %arg4[%dma_start3A_291, %multiple_of3A_278] : memref<32x1000000xf32, #tpu.memory_space<hbm>> -> memref<32x128xf32, #tpu.memory_space<hbm>>
      %dma_start3A_293 = arith.constant 0 : i32
      %dma_start3A_294 = arith.constant 0 : i32
      %dma_start3A_295 = tpu.memref_slice %arg9[%dma_start3A_286, %dma_start3A_293, %dma_start3A_294] : memref<8x32x128xf32, #tpu.memory_space<vmem>> -> memref<1x32x128xf32, #tpu.memory_space<vmem>>
      %dma_start3A_296 = tpu.memref_squeeze %dma_start3A_295 : memref<1x32x128xf32, #tpu.memory_space<vmem>> -> memref<32x128xf32, #tpu.memory_space<vmem>>
      %dma_start3A_297 = arith.constant 0 : i32
      %dma_start3A_298 = tpu.memref_slice %arg4[%dma_start3A_297, %multiple_of3A_278] : memref<32x1000000xf32, #tpu.memory_space<hbm>> -> memref<32x128xf32, #tpu.memory_space<hbm>>
      tpu.enqueue_dma source(%dma_start3A_298 : memref<32x128xf32, #tpu.memory_space<hbm>>) target(%dma_start3A_296 : memref<32x128xf32, #tpu.memory_space<vmem>>) target_semaphore(%arg12 : memref<!tpu.dma_semaphore, #tpu.memory_space<semaphore_mem>>)
      %dma_start3A_299 = arith.constant 7 : i32
      %dma_start3A_300 = arith.constant 0 : i32
      %dma_start3A_301 = arith.constant 0 : i32
      %dma_start3A_302 = tpu.memref_slice %arg10[%dma_start3A_299, %dma_start3A_300, %dma_start3A_301] : memref<8x32x128xf32, #tpu.memory_space<vmem>> -> memref<1x32x128xf32, #tpu.memory_space<vmem>>
      %dma_start3A_303 = tpu.memref_squeeze %dma_start3A_302 : memref<1x32x128xf32, #tpu.memory_space<vmem>> -> memref<32x128xf32, #tpu.memory_space<vmem>>
      %dma_start3A_304 = arith.constant 0 : i32
      %dma_start3A_305 = tpu.memref_slice %arg5[%dma_start3A_304, %multiple_of3A_281] : memref<32x1000000xf32, #tpu.memory_space<hbm>> -> memref<32x128xf32, #tpu.memory_space<hbm>>
      %dma_start3A_306 = arith.constant 0 : i32
      %dma_start3A_307 = arith.constant 0 : i32
      %dma_start3A_308 = tpu.memref_slice %arg10[%dma_start3A_299, %dma_start3A_306, %dma_start3A_307] : memref<8x32x128xf32, #tpu.memory_space<vmem>> -> memref<1x32x128xf32, #tpu.memory_space<vmem>>
      %dma_start3A_309 = tpu.memref_squeeze %dma_start3A_308 : memref<1x32x128xf32, #tpu.memory_space<vmem>> -> memref<32x128xf32, #tpu.memory_space<vmem>>
      %dma_start3A_310 = arith.constant 0 : i32
      %dma_start3A_311 = tpu.memref_slice %arg5[%dma_start3A_310, %multiple_of3A_281] : memref<32x1000000xf32, #tpu.memory_space<hbm>> -> memref<32x128xf32, #tpu.memory_space<hbm>>
      tpu.enqueue_dma source(%dma_start3A_311 : memref<32x128xf32, #tpu.memory_space<hbm>>) target(%dma_start3A_309 : memref<32x128xf32, #tpu.memory_space<vmem>>) target_semaphore(%arg12 : memref<!tpu.dma_semaphore, #tpu.memory_space<semaphore_mem>>)
      %dma_wait3A = arith.constant 0 : i32
      %dma_wait3A_312 = arith.constant 0 : i32
      %dma_wait3A_313 = arith.constant 0 : i32
      %dma_wait3A_314 = tpu.memref_slice %arg9[%dma_wait3A, %dma_wait3A_312, %dma_wait3A_313] : memref<8x32x128xf32, #tpu.memory_space<vmem>> -> memref<1x32x128xf32, #tpu.memory_space<vmem>>
      %dma_wait3A_315 = tpu.memref_squeeze %dma_wait3A_314 : memref<1x32x128xf32, #tpu.memory_space<vmem>> -> memref<32x128xf32, #tpu.memory_space<vmem>>
      %dma_wait3A_316 = arith.constant 0 : i32
      %dma_wait3A_317 = tpu.memref_slice %arg4[%dma_wait3A_316, %multiple_of3A] : memref<32x1000000xf32, #tpu.memory_space<hbm>> -> memref<32x128xf32, #tpu.memory_space<hbm>>
      %dma_wait3A_318 = arith.constant 0 : i32
      %dma_wait3A_319 = arith.constant 0 : i32
      %dma_wait3A_320 = tpu.memref_slice %arg9[%dma_wait3A, %dma_wait3A_318, %dma_wait3A_319] : memref<8x32x128xf32, #tpu.memory_space<vmem>> -> memref<1x32x128xf32, #tpu.memory_space<vmem>>
      %dma_wait3A_321 = tpu.memref_squeeze %dma_wait3A_320 : memref<1x32x128xf32, #tpu.memory_space<vmem>> -> memref<32x128xf32, #tpu.memory_space<vmem>>
      %dma_wait3A_322 = arith.constant 0 : i32
      %dma_wait3A_323 = tpu.memref_slice %arg4[%dma_wait3A_322, %multiple_of3A] : memref<32x1000000xf32, #tpu.memory_space<hbm>> -> memref<32x128xf32, #tpu.memory_space<hbm>>
      tpu.wait_dma2 semaphore(%arg12 : memref<!tpu.dma_semaphore, #tpu.memory_space<semaphore_mem>>) src(%dma_wait3A_323 : memref<32x128xf32, #tpu.memory_space<hbm>>) dst(%dma_wait3A_321 : memref<32x128xf32, #tpu.memory_space<vmem>>)
      %dma_wait3A_324 = arith.constant 0 : i32
      %dma_wait3A_325 = arith.constant 0 : i32
      %dma_wait3A_326 = arith.constant 0 : i32
      %dma_wait3A_327 = tpu.memref_slice %arg10[%dma_wait3A_324, %dma_wait3A_325, %dma_wait3A_326] : memref<8x32x128xf32, #tpu.memory_space<vmem>> -> memref<1x32x128xf32, #tpu.memory_space<vmem>>
      %dma_wait3A_328 = tpu.memref_squeeze %dma_wait3A_327 : memref<1x32x128xf32, #tpu.memory_space<vmem>> -> memref<32x128xf32, #tpu.memory_space<vmem>>
      %dma_wait3A_329 = arith.constant 0 : i32
      %dma_wait3A_330 = tpu.memref_slice %arg5[%dma_wait3A_329, %multiple_of3A_30] : memref<32x1000000xf32, #tpu.memory_space<hbm>> -> memref<32x128xf32, #tpu.memory_space<hbm>>
      %dma_wait3A_331 = arith.constant 0 : i32
      %dma_wait3A_332 = arith.constant 0 : i32
      %dma_wait3A_333 = tpu.memref_slice %arg10[%dma_wait3A_324, %dma_wait3A_331, %dma_wait3A_332] : memref<8x32x128xf32, #tpu.memory_space<vmem>> -> memref<1x32x128xf32, #tpu.memory_space<vmem>>
      %dma_wait3A_334 = tpu.memref_squeeze %dma_wait3A_333 : memref<1x32x128xf32, #tpu.memory_space<vmem>> -> memref<32x128xf32, #tpu.memory_space<vmem>>
      %dma_wait3A_335 = arith.constant 0 : i32
      %dma_wait3A_336 = tpu.memref_slice %arg5[%dma_wait3A_335, %multiple_of3A_30] : memref<32x1000000xf32, #tpu.memory_space<hbm>> -> memref<32x128xf32, #tpu.memory_space<hbm>>
      tpu.wait_dma2 semaphore(%arg12 : memref<!tpu.dma_semaphore, #tpu.memory_space<semaphore_mem>>) src(%dma_wait3A_336 : memref<32x128xf32, #tpu.memory_space<hbm>>) dst(%dma_wait3A_334 : memref<32x128xf32, #tpu.memory_space<vmem>>)
      %dma_wait3A_337 = arith.constant 1 : i32
      %dma_wait3A_338 = arith.constant 0 : i32
      %dma_wait3A_339 = arith.constant 0 : i32
      %dma_wait3A_340 = tpu.memref_slice %arg9[%dma_wait3A_337, %dma_wait3A_338, %dma_wait3A_339] : memref<8x32x128xf32, #tpu.memory_space<vmem>> -> memref<1x32x128xf32, #tpu.memory_space<vmem>>
      %dma_wait3A_341 = tpu.memref_squeeze %dma_wait3A_340 : memref<1x32x128xf32, #tpu.memory_space<vmem>> -> memref<32x128xf32, #tpu.memory_space<vmem>>
      %dma_wait3A_342 = arith.constant 0 : i32
      %dma_wait3A_343 = tpu.memref_slice %arg4[%dma_wait3A_342, %multiple_of3A_62] : memref<32x1000000xf32, #tpu.memory_space<hbm>> -> memref<32x128xf32, #tpu.memory_space<hbm>>
      %dma_wait3A_344 = arith.constant 0 : i32
      %dma_wait3A_345 = arith.constant 0 : i32
      %dma_wait3A_346 = tpu.memref_slice %arg9[%dma_wait3A_337, %dma_wait3A_344, %dma_wait3A_345] : memref<8x32x128xf32, #tpu.memory_space<vmem>> -> memref<1x32x128xf32, #tpu.memory_space<vmem>>
      %dma_wait3A_347 = tpu.memref_squeeze %dma_wait3A_346 : memref<1x32x128xf32, #tpu.memory_space<vmem>> -> memref<32x128xf32, #tpu.memory_space<vmem>>
      %dma_wait3A_348 = arith.constant 0 : i32
      %dma_wait3A_349 = tpu.memref_slice %arg4[%dma_wait3A_348, %multiple_of3A_62] : memref<32x1000000xf32, #tpu.memory_space<hbm>> -> memref<32x128xf32, #tpu.memory_space<hbm>>
      tpu.wait_dma2 semaphore(%arg12 : memref<!tpu.dma_semaphore, #tpu.memory_space<semaphore_mem>>) src(%dma_wait3A_349 : memref<32x128xf32, #tpu.memory_space<hbm>>) dst(%dma_wait3A_347 : memref<32x128xf32, #tpu.memory_space<vmem>>)
      %dma_wait3A_350 = arith.constant 1 : i32
      %dma_wait3A_351 = arith.constant 0 : i32
      %dma_wait3A_352 = arith.constant 0 : i32
      %dma_wait3A_353 = tpu.memref_slice %arg10[%dma_wait3A_350, %dma_wait3A_351, %dma_wait3A_352] : memref<8x32x128xf32, #tpu.memory_space<vmem>> -> memref<1x32x128xf32, #tpu.memory_space<vmem>>
      %dma_wait3A_354 = tpu.memref_squeeze %dma_wait3A_353 : memref<1x32x128xf32, #tpu.memory_space<vmem>> -> memref<32x128xf32, #tpu.memory_space<vmem>>
      %dma_wait3A_355 = arith.constant 0 : i32
      %dma_wait3A_356 = tpu.memref_slice %arg5[%dma_wait3A_355, %multiple_of3A_65] : memref<32x1000000xf32, #tpu.memory_space<hbm>> -> memref<32x128xf32, #tpu.memory_space<hbm>>
      %dma_wait3A_357 = arith.constant 0 : i32
      %dma_wait3A_358 = arith.constant 0 : i32
      %dma_wait3A_359 = tpu.memref_slice %arg10[%dma_wait3A_350, %dma_wait3A_357, %dma_wait3A_358] : memref<8x32x128xf32, #tpu.memory_space<vmem>> -> memref<1x32x128xf32, #tpu.memory_space<vmem>>
      %dma_wait3A_360 = tpu.memref_squeeze %dma_wait3A_359 : memref<1x32x128xf32, #tpu.memory_space<vmem>> -> memref<32x128xf32, #tpu.memory_space<vmem>>
      %dma_wait3A_361 = arith.constant 0 : i32
      %dma_wait3A_362 = tpu.memref_slice %arg5[%dma_wait3A_361, %multiple_of3A_65] : memref<32x1000000xf32, #tpu.memory_space<hbm>> -> memref<32x128xf32, #tpu.memory_space<hbm>>
      tpu.wait_dma2 semaphore(%arg12 : memref<!tpu.dma_semaphore, #tpu.memory_space<semaphore_mem>>) src(%dma_wait3A_362 : memref<32x128xf32, #tpu.memory_space<hbm>>) dst(%dma_wait3A_360 : memref<32x128xf32, #tpu.memory_space<vmem>>)
      %dma_wait3A_363 = arith.constant 2 : i32
      %dma_wait3A_364 = arith.constant 0 : i32
      %dma_wait3A_365 = arith.constant 0 : i32
      %dma_wait3A_366 = tpu.memref_slice %arg9[%dma_wait3A_363, %dma_wait3A_364, %dma_wait3A_365] : memref<8x32x128xf32, #tpu.memory_space<vmem>> -> memref<1x32x128xf32, #tpu.memory_space<vmem>>
      %dma_wait3A_367 = tpu.memref_squeeze %dma_wait3A_366 : memref<1x32x128xf32, #tpu.memory_space<vmem>> -> memref<32x128xf32, #tpu.memory_space<vmem>>
      %dma_wait3A_368 = arith.constant 0 : i32
      %dma_wait3A_369 = tpu.memref_slice %arg4[%dma_wait3A_368, %multiple_of3A_98] : memref<32x1000000xf32, #tpu.memory_space<hbm>> -> memref<32x128xf32, #tpu.memory_space<hbm>>
      %dma_wait3A_370 = arith.constant 0 : i32
      %dma_wait3A_371 = arith.constant 0 : i32
      %dma_wait3A_372 = tpu.memref_slice %arg9[%dma_wait3A_363, %dma_wait3A_370, %dma_wait3A_371] : memref<8x32x128xf32, #tpu.memory_space<vmem>> -> memref<1x32x128xf32, #tpu.memory_space<vmem>>
      %dma_wait3A_373 = tpu.memref_squeeze %dma_wait3A_372 : memref<1x32x128xf32, #tpu.memory_space<vmem>> -> memref<32x128xf32, #tpu.memory_space<vmem>>
      %dma_wait3A_374 = arith.constant 0 : i32
      %dma_wait3A_375 = tpu.memref_slice %arg4[%dma_wait3A_374, %multiple_of3A_98] : memref<32x1000000xf32, #tpu.memory_space<hbm>> -> memref<32x128xf32, #tpu.memory_space<hbm>>
      tpu.wait_dma2 semaphore(%arg12 : memref<!tpu.dma_semaphore, #tpu.memory_space<semaphore_mem>>) src(%dma_wait3A_375 : memref<32x128xf32, #tpu.memory_space<hbm>>) dst(%dma_wait3A_373 : memref<32x128xf32, #tpu.memory_space<vmem>>)
      %dma_wait3A_376 = arith.constant 2 : i32
      %dma_wait3A_377 = arith.constant 0 : i32
      %dma_wait3A_378 = arith.constant 0 : i32
      %dma_wait3A_379 = tpu.memref_slice %arg10[%dma_wait3A_376, %dma_wait3A_377, %dma_wait3A_378] : memref<8x32x128xf32, #tpu.memory_space<vmem>> -> memref<1x32x128xf32, #tpu.memory_space<vmem>>
      %dma_wait3A_380 = tpu.memref_squeeze %dma_wait3A_379 : memref<1x32x128xf32, #tpu.memory_space<vmem>> -> memref<32x128xf32, #tpu.memory_space<vmem>>
      %dma_wait3A_381 = arith.constant 0 : i32
      %dma_wait3A_382 = tpu.memref_slice %arg5[%dma_wait3A_381, %multiple_of3A_101] : memref<32x1000000xf32, #tpu.memory_space<hbm>> -> memref<32x128xf32, #tpu.memory_space<hbm>>
      %dma_wait3A_383 = arith.constant 0 : i32
      %dma_wait3A_384 = arith.constant 0 : i32
      %dma_wait3A_385 = tpu.memref_slice %arg10[%dma_wait3A_376, %dma_wait3A_383, %dma_wait3A_384] : memref<8x32x128xf32, #tpu.memory_space<vmem>> -> memref<1x32x128xf32, #tpu.memory_space<vmem>>
      %dma_wait3A_386 = tpu.memref_squeeze %dma_wait3A_385 : memref<1x32x128xf32, #tpu.memory_space<vmem>> -> memref<32x128xf32, #tpu.memory_space<vmem>>
      %dma_wait3A_387 = arith.constant 0 : i32
      %dma_wait3A_388 = tpu.memref_slice %arg5[%dma_wait3A_387, %multiple_of3A_101] : memref<32x1000000xf32, #tpu.memory_space<hbm>> -> memref<32x128xf32, #tpu.memory_space<hbm>>
      tpu.wait_dma2 semaphore(%arg12 : memref<!tpu.dma_semaphore, #tpu.memory_space<semaphore_mem>>) src(%dma_wait3A_388 : memref<32x128xf32, #tpu.memory_space<hbm>>) dst(%dma_wait3A_386 : memref<32x128xf32, #tpu.memory_space<vmem>>)
      %dma_wait3A_389 = arith.constant 3 : i32
      %dma_wait3A_390 = arith.constant 0 : i32
      %dma_wait3A_391 = arith.constant 0 : i32
      %dma_wait3A_392 = tpu.memref_slice %arg9[%dma_wait3A_389, %dma_wait3A_390, %dma_wait3A_391] : memref<8x32x128xf32, #tpu.memory_space<vmem>> -> memref<1x32x128xf32, #tpu.memory_space<vmem>>
      %dma_wait3A_393 = tpu.memref_squeeze %dma_wait3A_392 : memref<1x32x128xf32, #tpu.memory_space<vmem>> -> memref<32x128xf32, #tpu.memory_space<vmem>>
      %dma_wait3A_394 = arith.constant 0 : i32
      %dma_wait3A_395 = tpu.memref_slice %arg4[%dma_wait3A_394, %multiple_of3A_134] : memref<32x1000000xf32, #tpu.memory_space<hbm>> -> memref<32x128xf32, #tpu.memory_space<hbm>>
      %dma_wait3A_396 = arith.constant 0 : i32
      %dma_wait3A_397 = arith.constant 0 : i32
      %dma_wait3A_398 = tpu.memref_slice %arg9[%dma_wait3A_389, %dma_wait3A_396, %dma_wait3A_397] : memref<8x32x128xf32, #tpu.memory_space<vmem>> -> memref<1x32x128xf32, #tpu.memory_space<vmem>>
      %dma_wait3A_399 = tpu.memref_squeeze %dma_wait3A_398 : memref<1x32x128xf32, #tpu.memory_space<vmem>> -> memref<32x128xf32, #tpu.memory_space<vmem>>
      %dma_wait3A_400 = arith.constant 0 : i32
      %dma_wait3A_401 = tpu.memref_slice %arg4[%dma_wait3A_400, %multiple_of3A_134] : memref<32x1000000xf32, #tpu.memory_space<hbm>> -> memref<32x128xf32, #tpu.memory_space<hbm>>
      tpu.wait_dma2 semaphore(%arg12 : memref<!tpu.dma_semaphore, #tpu.memory_space<semaphore_mem>>) src(%dma_wait3A_401 : memref<32x128xf32, #tpu.memory_space<hbm>>) dst(%dma_wait3A_399 : memref<32x128xf32, #tpu.memory_space<vmem>>)
      %dma_wait3A_402 = arith.constant 3 : i32
      %dma_wait3A_403 = arith.constant 0 : i32
      %dma_wait3A_404 = arith.constant 0 : i32
      %dma_wait3A_405 = tpu.memref_slice %arg10[%dma_wait3A_402, %dma_wait3A_403, %dma_wait3A_404] : memref<8x32x128xf32, #tpu.memory_space<vmem>> -> memref<1x32x128xf32, #tpu.memory_space<vmem>>
      %dma_wait3A_406 = tpu.memref_squeeze %dma_wait3A_405 : memref<1x32x128xf32, #tpu.memory_space<vmem>> -> memref<32x128xf32, #tpu.memory_space<vmem>>
      %dma_wait3A_407 = arith.constant 0 : i32
      %dma_wait3A_408 = tpu.memref_slice %arg5[%dma_wait3A_407, %multiple_of3A_137] : memref<32x1000000xf32, #tpu.memory_space<hbm>> -> memref<32x128xf32, #tpu.memory_space<hbm>>
      %dma_wait3A_409 = arith.constant 0 : i32
      %dma_wait3A_410 = arith.constant 0 : i32
      %dma_wait3A_411 = tpu.memref_slice %arg10[%dma_wait3A_402, %dma_wait3A_409, %dma_wait3A_410] : memref<8x32x128xf32, #tpu.memory_space<vmem>> -> memref<1x32x128xf32, #tpu.memory_space<vmem>>
      %dma_wait3A_412 = tpu.memref_squeeze %dma_wait3A_411 : memref<1x32x128xf32, #tpu.memory_space<vmem>> -> memref<32x128xf32, #tpu.memory_space<vmem>>
      %dma_wait3A_413 = arith.constant 0 : i32
      %dma_wait3A_414 = tpu.memref_slice %arg5[%dma_wait3A_413, %multiple_of3A_137] : memref<32x1000000xf32, #tpu.memory_space<hbm>> -> memref<32x128xf32, #tpu.memory_space<hbm>>
      tpu.wait_dma2 semaphore(%arg12 : memref<!tpu.dma_semaphore, #tpu.memory_space<semaphore_mem>>) src(%dma_wait3A_414 : memref<32x128xf32, #tpu.memory_space<hbm>>) dst(%dma_wait3A_412 : memref<32x128xf32, #tpu.memory_space<vmem>>)
      %dma_wait3A_415 = arith.constant 4 : i32
      %dma_wait3A_416 = arith.constant 0 : i32
      %dma_wait3A_417 = arith.constant 0 : i32
      %dma_wait3A_418 = tpu.memref_slice %arg9[%dma_wait3A_415, %dma_wait3A_416, %dma_wait3A_417] : memref<8x32x128xf32, #tpu.memory_space<vmem>> -> memref<1x32x128xf32, #tpu.memory_space<vmem>>
      %dma_wait3A_419 = tpu.memref_squeeze %dma_wait3A_418 : memref<1x32x128xf32, #tpu.memory_space<vmem>> -> memref<32x128xf32, #tpu.memory_space<vmem>>
      %dma_wait3A_420 = arith.constant 0 : i32
      %dma_wait3A_421 = tpu.memref_slice %arg4[%dma_wait3A_420, %multiple_of3A_170] : memref<32x1000000xf32, #tpu.memory_space<hbm>> -> memref<32x128xf32, #tpu.memory_space<hbm>>
      %dma_wait3A_422 = arith.constant 0 : i32
      %dma_wait3A_423 = arith.constant 0 : i32
      %dma_wait3A_424 = tpu.memref_slice %arg9[%dma_wait3A_415, %dma_wait3A_422, %dma_wait3A_423] : memref<8x32x128xf32, #tpu.memory_space<vmem>> -> memref<1x32x128xf32, #tpu.memory_space<vmem>>
      %dma_wait3A_425 = tpu.memref_squeeze %dma_wait3A_424 : memref<1x32x128xf32, #tpu.memory_space<vmem>> -> memref<32x128xf32, #tpu.memory_space<vmem>>
      %dma_wait3A_426 = arith.constant 0 : i32
      %dma_wait3A_427 = tpu.memref_slice %arg4[%dma_wait3A_426, %multiple_of3A_170] : memref<32x1000000xf32, #tpu.memory_space<hbm>> -> memref<32x128xf32, #tpu.memory_space<hbm>>
      tpu.wait_dma2 semaphore(%arg12 : memref<!tpu.dma_semaphore, #tpu.memory_space<semaphore_mem>>) src(%dma_wait3A_427 : memref<32x128xf32, #tpu.memory_space<hbm>>) dst(%dma_wait3A_425 : memref<32x128xf32, #tpu.memory_space<vmem>>)
      %dma_wait3A_428 = arith.constant 4 : i32
      %dma_wait3A_429 = arith.constant 0 : i32
      %dma_wait3A_430 = arith.constant 0 : i32
      %dma_wait3A_431 = tpu.memref_slice %arg10[%dma_wait3A_428, %dma_wait3A_429, %dma_wait3A_430] : memref<8x32x128xf32, #tpu.memory_space<vmem>> -> memref<1x32x128xf32, #tpu.memory_space<vmem>>
      %dma_wait3A_432 = tpu.memref_squeeze %dma_wait3A_431 : memref<1x32x128xf32, #tpu.memory_space<vmem>> -> memref<32x128xf32, #tpu.memory_space<vmem>>
      %dma_wait3A_433 = arith.constant 0 : i32
      %dma_wait3A_434 = tpu.memref_slice %arg5[%dma_wait3A_433, %multiple_of3A_173] : memref<32x1000000xf32, #tpu.memory_space<hbm>> -> memref<32x128xf32, #tpu.memory_space<hbm>>
      %dma_wait3A_435 = arith.constant 0 : i32
      %dma_wait3A_436 = arith.constant 0 : i32
      %dma_wait3A_437 = tpu.memref_slice %arg10[%dma_wait3A_428, %dma_wait3A_435, %dma_wait3A_436] : memref<8x32x128xf32, #tpu.memory_space<vmem>> -> memref<1x32x128xf32, #tpu.memory_space<vmem>>
      %dma_wait3A_438 = tpu.memref_squeeze %dma_wait3A_437 : memref<1x32x128xf32, #tpu.memory_space<vmem>> -> memref<32x128xf32, #tpu.memory_space<vmem>>
      %dma_wait3A_439 = arith.constant 0 : i32
      %dma_wait3A_440 = tpu.memref_slice %arg5[%dma_wait3A_439, %multiple_of3A_173] : memref<32x1000000xf32, #tpu.memory_space<hbm>> -> memref<32x128xf32, #tpu.memory_space<hbm>>
      tpu.wait_dma2 semaphore(%arg12 : memref<!tpu.dma_semaphore, #tpu.memory_space<semaphore_mem>>) src(%dma_wait3A_440 : memref<32x128xf32, #tpu.memory_space<hbm>>) dst(%dma_wait3A_438 : memref<32x128xf32, #tpu.memory_space<vmem>>)
      %dma_wait3A_441 = arith.constant 5 : i32
      %dma_wait3A_442 = arith.constant 0 : i32
      %dma_wait3A_443 = arith.constant 0 : i32
      %dma_wait3A_444 = tpu.memref_slice %arg9[%dma_wait3A_441, %dma_wait3A_442, %dma_wait3A_443] : memref<8x32x128xf32, #tpu.memory_space<vmem>> -> memref<1x32x128xf32, #tpu.memory_space<vmem>>
      %dma_wait3A_445 = tpu.memref_squeeze %dma_wait3A_444 : memref<1x32x128xf32, #tpu.memory_space<vmem>> -> memref<32x128xf32, #tpu.memory_space<vmem>>
      %dma_wait3A_446 = arith.constant 0 : i32
      %dma_wait3A_447 = tpu.memref_slice %arg4[%dma_wait3A_446, %multiple_of3A_206] : memref<32x1000000xf32, #tpu.memory_space<hbm>> -> memref<32x128xf32, #tpu.memory_space<hbm>>
      %dma_wait3A_448 = arith.constant 0 : i32
      %dma_wait3A_449 = arith.constant 0 : i32
      %dma_wait3A_450 = tpu.memref_slice %arg9[%dma_wait3A_441, %dma_wait3A_448, %dma_wait3A_449] : memref<8x32x128xf32, #tpu.memory_space<vmem>> -> memref<1x32x128xf32, #tpu.memory_space<vmem>>
      %dma_wait3A_451 = tpu.memref_squeeze %dma_wait3A_450 : memref<1x32x128xf32, #tpu.memory_space<vmem>> -> memref<32x128xf32, #tpu.memory_space<vmem>>
      %dma_wait3A_452 = arith.constant 0 : i32
      %dma_wait3A_453 = tpu.memref_slice %arg4[%dma_wait3A_452, %multiple_of3A_206] : memref<32x1000000xf32, #tpu.memory_space<hbm>> -> memref<32x128xf32, #tpu.memory_space<hbm>>
      tpu.wait_dma2 semaphore(%arg12 : memref<!tpu.dma_semaphore, #tpu.memory_space<semaphore_mem>>) src(%dma_wait3A_453 : memref<32x128xf32, #tpu.memory_space<hbm>>) dst(%dma_wait3A_451 : memref<32x128xf32, #tpu.memory_space<vmem>>)
      %dma_wait3A_454 = arith.constant 5 : i32
      %dma_wait3A_455 = arith.constant 0 : i32
      %dma_wait3A_456 = arith.constant 0 : i32
      %dma_wait3A_457 = tpu.memref_slice %arg10[%dma_wait3A_454, %dma_wait3A_455, %dma_wait3A_456] : memref<8x32x128xf32, #tpu.memory_space<vmem>> -> memref<1x32x128xf32, #tpu.memory_space<vmem>>
      %dma_wait3A_458 = tpu.memref_squeeze %dma_wait3A_457 : memref<1x32x128xf32, #tpu.memory_space<vmem>> -> memref<32x128xf32, #tpu.memory_space<vmem>>
      %dma_wait3A_459 = arith.constant 0 : i32
      %dma_wait3A_460 = tpu.memref_slice %arg5[%dma_wait3A_459, %multiple_of3A_209] : memref<32x1000000xf32, #tpu.memory_space<hbm>> -> memref<32x128xf32, #tpu.memory_space<hbm>>
      %dma_wait3A_461 = arith.constant 0 : i32
      %dma_wait3A_462 = arith.constant 0 : i32
      %dma_wait3A_463 = tpu.memref_slice %arg10[%dma_wait3A_454, %dma_wait3A_461, %dma_wait3A_462] : memref<8x32x128xf32, #tpu.memory_space<vmem>> -> memref<1x32x128xf32, #tpu.memory_space<vmem>>
      %dma_wait3A_464 = tpu.memref_squeeze %dma_wait3A_463 : memref<1x32x128xf32, #tpu.memory_space<vmem>> -> memref<32x128xf32, #tpu.memory_space<vmem>>
      %dma_wait3A_465 = arith.constant 0 : i32
      %dma_wait3A_466 = tpu.memref_slice %arg5[%dma_wait3A_465, %multiple_of3A_209] : memref<32x1000000xf32, #tpu.memory_space<hbm>> -> memref<32x128xf32, #tpu.memory_space<hbm>>
      tpu.wait_dma2 semaphore(%arg12 : memref<!tpu.dma_semaphore, #tpu.memory_space<semaphore_mem>>) src(%dma_wait3A_466 : memref<32x128xf32, #tpu.memory_space<hbm>>) dst(%dma_wait3A_464 : memref<32x128xf32, #tpu.memory_space<vmem>>)
      %dma_wait3A_467 = arith.constant 6 : i32
      %dma_wait3A_468 = arith.constant 0 : i32
      %dma_wait3A_469 = arith.constant 0 : i32
      %dma_wait3A_470 = tpu.memref_slice %arg9[%dma_wait3A_467, %dma_wait3A_468, %dma_wait3A_469] : memref<8x32x128xf32, #tpu.memory_space<vmem>> -> memref<1x32x128xf32, #tpu.memory_space<vmem>>
      %dma_wait3A_471 = tpu.memref_squeeze %dma_wait3A_470 : memref<1x32x128xf32, #tpu.memory_space<vmem>> -> memref<32x128xf32, #tpu.memory_space<vmem>>
      %dma_wait3A_472 = arith.constant 0 : i32
      %dma_wait3A_473 = tpu.memref_slice %arg4[%dma_wait3A_472, %multiple_of3A_242] : memref<32x1000000xf32, #tpu.memory_space<hbm>> -> memref<32x128xf32, #tpu.memory_space<hbm>>
      %dma_wait3A_474 = arith.constant 0 : i32
      %dma_wait3A_475 = arith.constant 0 : i32
      %dma_wait3A_476 = tpu.memref_slice %arg9[%dma_wait3A_467, %dma_wait3A_474, %dma_wait3A_475] : memref<8x32x128xf32, #tpu.memory_space<vmem>> -> memref<1x32x128xf32, #tpu.memory_space<vmem>>
      %dma_wait3A_477 = tpu.memref_squeeze %dma_wait3A_476 : memref<1x32x128xf32, #tpu.memory_space<vmem>> -> memref<32x128xf32, #tpu.memory_space<vmem>>
      %dma_wait3A_478 = arith.constant 0 : i32
      %dma_wait3A_479 = tpu.memref_slice %arg4[%dma_wait3A_478, %multiple_of3A_242] : memref<32x1000000xf32, #tpu.memory_space<hbm>> -> memref<32x128xf32, #tpu.memory_space<hbm>>
      tpu.wait_dma2 semaphore(%arg12 : memref<!tpu.dma_semaphore, #tpu.memory_space<semaphore_mem>>) src(%dma_wait3A_479 : memref<32x128xf32, #tpu.memory_space<hbm>>) dst(%dma_wait3A_477 : memref<32x128xf32, #tpu.memory_space<vmem>>)
      %dma_wait3A_480 = arith.constant 6 : i32
      %dma_wait3A_481 = arith.constant 0 : i32
      %dma_wait3A_482 = arith.constant 0 : i32
      %dma_wait3A_483 = tpu.memref_slice %arg10[%dma_wait3A_480, %dma_wait3A_481, %dma_wait3A_482] : memref<8x32x128xf32, #tpu.memory_space<vmem>> -> memref<1x32x128xf32, #tpu.memory_space<vmem>>
      %dma_wait3A_484 = tpu.memref_squeeze %dma_wait3A_483 : memref<1x32x128xf32, #tpu.memory_space<vmem>> -> memref<32x128xf32, #tpu.memory_space<vmem>>
      %dma_wait3A_485 = arith.constant 0 : i32
      %dma_wait3A_486 = tpu.memref_slice %arg5[%dma_wait3A_485, %multiple_of3A_245] : memref<32x1000000xf32, #tpu.memory_space<hbm>> -> memref<32x128xf32, #tpu.memory_space<hbm>>
      %dma_wait3A_487 = arith.constant 0 : i32
      %dma_wait3A_488 = arith.constant 0 : i32
      %dma_wait3A_489 = tpu.memref_slice %arg10[%dma_wait3A_480, %dma_wait3A_487, %dma_wait3A_488] : memref<8x32x128xf32, #tpu.memory_space<vmem>> -> memref<1x32x128xf32, #tpu.memory_space<vmem>>
      %dma_wait3A_490 = tpu.memref_squeeze %dma_wait3A_489 : memref<1x32x128xf32, #tpu.memory_space<vmem>> -> memref<32x128xf32, #tpu.memory_space<vmem>>
      %dma_wait3A_491 = arith.constant 0 : i32
      %dma_wait3A_492 = tpu.memref_slice %arg5[%dma_wait3A_491, %multiple_of3A_245] : memref<32x1000000xf32, #tpu.memory_space<hbm>> -> memref<32x128xf32, #tpu.memory_space<hbm>>
      tpu.wait_dma2 semaphore(%arg12 : memref<!tpu.dma_semaphore, #tpu.memory_space<semaphore_mem>>) src(%dma_wait3A_492 : memref<32x128xf32, #tpu.memory_space<hbm>>) dst(%dma_wait3A_490 : memref<32x128xf32, #tpu.memory_space<vmem>>)
      %dma_wait3A_493 = arith.constant 7 : i32
      %dma_wait3A_494 = arith.constant 0 : i32
      %dma_wait3A_495 = arith.constant 0 : i32
      %dma_wait3A_496 = tpu.memref_slice %arg9[%dma_wait3A_493, %dma_wait3A_494, %dma_wait3A_495] : memref<8x32x128xf32, #tpu.memory_space<vmem>> -> memref<1x32x128xf32, #tpu.memory_space<vmem>>
      %dma_wait3A_497 = tpu.memref_squeeze %dma_wait3A_496 : memref<1x32x128xf32, #tpu.memory_space<vmem>> -> memref<32x128xf32, #tpu.memory_space<vmem>>
      %dma_wait3A_498 = arith.constant 0 : i32
      %dma_wait3A_499 = tpu.memref_slice %arg4[%dma_wait3A_498, %multiple_of3A_278] : memref<32x1000000xf32, #tpu.memory_space<hbm>> -> memref<32x128xf32, #tpu.memory_space<hbm>>
      %dma_wait3A_500 = arith.constant 0 : i32
      %dma_wait3A_501 = arith.constant 0 : i32
      %dma_wait3A_502 = tpu.memref_slice %arg9[%dma_wait3A_493, %dma_wait3A_500, %dma_wait3A_501] : memref<8x32x128xf32, #tpu.memory_space<vmem>> -> memref<1x32x128xf32, #tpu.memory_space<vmem>>
      %dma_wait3A_503 = tpu.memref_squeeze %dma_wait3A_502 : memref<1x32x128xf32, #tpu.memory_space<vmem>> -> memref<32x128xf32, #tpu.memory_space<vmem>>
      %dma_wait3A_504 = arith.constant 0 : i32
      %dma_wait3A_505 = tpu.memref_slice %arg4[%dma_wait3A_504, %multiple_of3A_278] : memref<32x1000000xf32, #tpu.memory_space<hbm>> -> memref<32x128xf32, #tpu.memory_space<hbm>>
      tpu.wait_dma2 semaphore(%arg12 : memref<!tpu.dma_semaphore, #tpu.memory_space<semaphore_mem>>) src(%dma_wait3A_505 : memref<32x128xf32, #tpu.memory_space<hbm>>) dst(%dma_wait3A_503 : memref<32x128xf32, #tpu.memory_space<vmem>>)
      %dma_wait3A_506 = arith.constant 7 : i32
      %dma_wait3A_507 = arith.constant 0 : i32
      %dma_wait3A_508 = arith.constant 0 : i32
      %dma_wait3A_509 = tpu.memref_slice %arg10[%dma_wait3A_506, %dma_wait3A_507, %dma_wait3A_508] : memref<8x32x128xf32, #tpu.memory_space<vmem>> -> memref<1x32x128xf32, #tpu.memory_space<vmem>>
      %dma_wait3A_510 = tpu.memref_squeeze %dma_wait3A_509 : memref<1x32x128xf32, #tpu.memory_space<vmem>> -> memref<32x128xf32, #tpu.memory_space<vmem>>
      %dma_wait3A_511 = arith.constant 0 : i32
      %dma_wait3A_512 = tpu.memref_slice %arg5[%dma_wait3A_511, %multiple_of3A_281] : memref<32x1000000xf32, #tpu.memory_space<hbm>> -> memref<32x128xf32, #tpu.memory_space<hbm>>
      %dma_wait3A_513 = arith.constant 0 : i32
      %dma_wait3A_514 = arith.constant 0 : i32
      %dma_wait3A_515 = tpu.memref_slice %arg10[%dma_wait3A_506, %dma_wait3A_513, %dma_wait3A_514] : memref<8x32x128xf32, #tpu.memory_space<vmem>> -> memref<1x32x128xf32, #tpu.memory_space<vmem>>
      %dma_wait3A_516 = tpu.memref_squeeze %dma_wait3A_515 : memref<1x32x128xf32, #tpu.memory_space<vmem>> -> memref<32x128xf32, #tpu.memory_space<vmem>>
      %dma_wait3A_517 = arith.constant 0 : i32
      %dma_wait3A_518 = tpu.memref_slice %arg5[%dma_wait3A_517, %multiple_of3A_281] : memref<32x1000000xf32, #tpu.memory_space<hbm>> -> memref<32x128xf32, #tpu.memory_space<hbm>>
      tpu.wait_dma2 semaphore(%arg12 : memref<!tpu.dma_semaphore, #tpu.memory_space<semaphore_mem>>) src(%dma_wait3A_518 : memref<32x128xf32, #tpu.memory_space<hbm>>) dst(%dma_wait3A_516 : memref<32x128xf32, #tpu.memory_space<vmem>>)
      %broadcast_in_dim3A_519 = vector.broadcast %squeeze3A_32 : i32 to vector<16xi32>
      %broadcast_in_dim3A_520 = vector.broadcast %squeeze3A_34 : i32 to vector<16xi32>
      %gather3A = arith.constant 0 : i32
      %gather3A_521 = arith.constant 0 : i32
      %gather3A_522 = arith.constant 0 : i32
      %gather3A_523 = tpu.memref_slice %arg9[%gather3A, %gather3A_521, %gather3A_522] : memref<8x32x128xf32, #tpu.memory_space<vmem>> -> memref<1x32x128xf32, #tpu.memory_space<vmem>>
      %gather3A_524 = tpu.memref_squeeze %gather3A_523 : memref<1x32x128xf32, #tpu.memory_space<vmem>> -> memref<32x128xf32, #tpu.memory_space<vmem>>
      %gather3A_525 = tpu.vector_load_idx %gather3A_524[%iota3A, %broadcast_in_dim3A_519] : memref<32x128xf32, #tpu.memory_space<vmem>>[vector<16xi32>, vector<16xi32>], vector<16xf32>,
      %gather3A_526 = arith.constant 0 : i32
      %gather3A_527 = arith.constant 0 : i32
      %gather3A_528 = arith.constant 0 : i32
      %gather3A_529 = tpu.memref_slice %arg9[%gather3A_526, %gather3A_527, %gather3A_528] : memref<8x32x128xf32, #tpu.memory_space<vmem>> -> memref<1x32x128xf32, #tpu.memory_space<vmem>>
      %gather3A_530 = tpu.memref_squeeze %gather3A_529 : memref<1x32x128xf32, #tpu.memory_space<vmem>> -> memref<32x128xf32, #tpu.memory_space<vmem>>
      %gather3A_531 = tpu.vector_load_idx %gather3A_530[%add3A_5, %broadcast_in_dim3A_519] : memref<32x128xf32, #tpu.memory_space<vmem>>[vector<16xi32>, vector<16xi32>], vector<16xf32>,
      %gather3A_532 = arith.constant 0 : i32
      %gather3A_533 = arith.constant 0 : i32
      %gather3A_534 = arith.constant 0 : i32
      %gather3A_535 = tpu.memref_slice %arg10[%gather3A_532, %gather3A_533, %gather3A_534] : memref<8x32x128xf32, #tpu.memory_space<vmem>> -> memref<1x32x128xf32, #tpu.memory_space<vmem>>
      %gather3A_536 = tpu.memref_squeeze %gather3A_535 : memref<1x32x128xf32, #tpu.memory_space<vmem>> -> memref<32x128xf32, #tpu.memory_space<vmem>>
      %gather3A_537 = tpu.vector_load_idx %gather3A_536[%iota3A, %broadcast_in_dim3A_520] : memref<32x128xf32, #tpu.memory_space<vmem>>[vector<16xi32>, vector<16xi32>], vector<16xf32>,
      %gather3A_538 = arith.constant 0 : i32
      %gather3A_539 = arith.constant 0 : i32
      %gather3A_540 = arith.constant 0 : i32
      %gather3A_541 = tpu.memref_slice %arg10[%gather3A_538, %gather3A_539, %gather3A_540] : memref<8x32x128xf32, #tpu.memory_space<vmem>> -> memref<1x32x128xf32, #tpu.memory_space<vmem>>
      %gather3A_542 = tpu.memref_squeeze %gather3A_541 : memref<1x32x128xf32, #tpu.memory_space<vmem>> -> memref<32x128xf32, #tpu.memory_space<vmem>>
      %gather3A_543 = tpu.vector_load_idx %gather3A_542[%add3A_5, %broadcast_in_dim3A_520] : memref<32x128xf32, #tpu.memory_space<vmem>>[vector<16xi32>, vector<16xi32>], vector<16xf32>,
      %mul3A_544 = arith.mulf %gather3A_525, %gather3A_537 : vector<16xf32>
      %mul3A_545 = arith.mulf %gather3A_531, %gather3A_543 : vector<16xf32>
      %add3A_546 = arith.addf %mul3A_544, %mul3A_545 : vector<16xf32>
      %eq3A = arith.constant 0 : i32
      %eq3A_547 = vector.broadcast %eq3A : i32 to vector<16xi32>
      %eq3A_548 = arith.cmpi eq, %iota3A, %eq3A_547 : vector<16xi32>
      %reduce_sum3A = arith.constant true
      %reduce_sum3A_549 = vector.broadcast %reduce_sum3A : i1 to vector<16xi1>
      %reduce_sum3A_550 = tpu.scan <sum>, %add3A_546 masked %reduce_sum3A_549 : vector<16xf32>, vector<16xi1> -> vector<16xf32>
      %reduce_sum3A_551 = vector.extract %reduce_sum3A_550[15] : f32 from vector<16xf32>
      %jit3A = arith.constant 0.000000e+00 : f32
      %broadcast_in_dim3A_552 = vector.broadcast %reduce_sum3A_551 : f32 to vector<16xf32>
      %broadcast_in_dim3A_553 = vector.broadcast %jit3A : f32 to vector<16xf32>
      %select_n3A = arith.select %eq3A_548, %broadcast_in_dim3A_552, %broadcast_in_dim3A_553 : vector<16xi1>, vector<16xf32>
      %add3A_554 = arith.addf %broadcast_in_dim3A_27, %select_n3A : vector<16xf32>
      %broadcast_in_dim3A_555 = vector.broadcast %squeeze3A_67 : i32 to vector<16xi32>
      %broadcast_in_dim3A_556 = vector.broadcast %squeeze3A_69 : i32 to vector<16xi32>
      %gather3A_557 = arith.constant 1 : i32
      %gather3A_558 = arith.constant 0 : i32
      %gather3A_559 = arith.constant 0 : i32
      %gather3A_560 = tpu.memref_slice %arg9[%gather3A_557, %gather3A_558, %gather3A_559] : memref<8x32x128xf32, #tpu.memory_space<vmem>> -> memref<1x32x128xf32, #tpu.memory_space<vmem>>
      %gather3A_561 = tpu.memref_squeeze %gather3A_560 : memref<1x32x128xf32, #tpu.memory_space<vmem>> -> memref<32x128xf32, #tpu.memory_space<vmem>>
      %gather3A_562 = tpu.vector_load_idx %gather3A_561[%iota3A, %broadcast_in_dim3A_555] : memref<32x128xf32, #tpu.memory_space<vmem>>[vector<16xi32>, vector<16xi32>], vector<16xf32>,
      %gather3A_563 = arith.constant 1 : i32
      %gather3A_564 = arith.constant 0 : i32
      %gather3A_565 = arith.constant 0 : i32
      %gather3A_566 = tpu.memref_slice %arg9[%gather3A_563, %gather3A_564, %gather3A_565] : memref<8x32x128xf32, #tpu.memory_space<vmem>> -> memref<1x32x128xf32, #tpu.memory_space<vmem>>
      %gather3A_567 = tpu.memref_squeeze %gather3A_566 : memref<1x32x128xf32, #tpu.memory_space<vmem>> -> memref<32x128xf32, #tpu.memory_space<vmem>>
      %gather3A_568 = tpu.vector_load_idx %gather3A_567[%add3A_5, %broadcast_in_dim3A_555] : memref<32x128xf32, #tpu.memory_space<vmem>>[vector<16xi32>, vector<16xi32>], vector<16xf32>,
      %gather3A_569 = arith.constant 1 : i32
      %gather3A_570 = arith.constant 0 : i32
      %gather3A_571 = arith.constant 0 : i32
      %gather3A_572 = tpu.memref_slice %arg10[%gather3A_569, %gather3A_570, %gather3A_571] : memref<8x32x128xf32, #tpu.memory_space<vmem>> -> memref<1x32x128xf32, #tpu.memory_space<vmem>>
      %gather3A_573 = tpu.memref_squeeze %gather3A_572 : memref<1x32x128xf32, #tpu.memory_space<vmem>> -> memref<32x128xf32, #tpu.memory_space<vmem>>
      %gather3A_574 = tpu.vector_load_idx %gather3A_573[%iota3A, %broadcast_in_dim3A_556] : memref<32x128xf32, #tpu.memory_space<vmem>>[vector<16xi32>, vector<16xi32>], vector<16xf32>,
      %gather3A_575 = arith.constant 1 : i32
      %gather3A_576 = arith.constant 0 : i32
      %gather3A_577 = arith.constant 0 : i32
      %gather3A_578 = tpu.memref_slice %arg10[%gather3A_575, %gather3A_576, %gather3A_577] : memref<8x32x128xf32, #tpu.memory_space<vmem>> -> memref<1x32x128xf32, #tpu.memory_space<vmem>>
      %gather3A_579 = tpu.memref_squeeze %gather3A_578 : memref<1x32x128xf32, #tpu.memory_space<vmem>> -> memref<32x128xf32, #tpu.memory_space<vmem>>
      %gather3A_580 = tpu.vector_load_idx %gather3A_579[%add3A_5, %broadcast_in_dim3A_556] : memref<32x128xf32, #tpu.memory_space<vmem>>[vector<16xi32>, vector<16xi32>], vector<16xf32>,
      %mul3A_581 = arith.mulf %gather3A_562, %gather3A_574 : vector<16xf32>
      %mul3A_582 = arith.mulf %gather3A_568, %gather3A_580 : vector<16xf32>
      %add3A_583 = arith.addf %mul3A_581, %mul3A_582 : vector<16xf32>
      %eq3A_584 = arith.constant 1 : i32
      %eq3A_585 = vector.broadcast %eq3A_584 : i32 to vector<16xi32>
      %eq3A_586 = arith.cmpi eq, %iota3A, %eq3A_585 : vector<16xi32>
      %reduce_sum3A_587 = arith.constant true
      %reduce_sum3A_588 = vector.broadcast %reduce_sum3A_587 : i1 to vector<16xi1>
      %reduce_sum3A_589 = tpu.scan <sum>, %add3A_583 masked %reduce_sum3A_588 : vector<16xf32>, vector<16xi1> -> vector<16xf32>
      %reduce_sum3A_590 = vector.extract %reduce_sum3A_589[15] : f32 from vector<16xf32>
      %jit3A_591 = arith.constant 0.000000e+00 : f32
      %broadcast_in_dim3A_592 = vector.broadcast %reduce_sum3A_590 : f32 to vector<16xf32>
      %broadcast_in_dim3A_593 = vector.broadcast %jit3A_591 : f32 to vector<16xf32>
      %select_n3A_594 = arith.select %eq3A_586, %broadcast_in_dim3A_592, %broadcast_in_dim3A_593 : vector<16xi1>, vector<16xf32>
      %add3A_595 = arith.addf %add3A_554, %select_n3A_594 : vector<16xf32>
      %broadcast_in_dim3A_596 = vector.broadcast %squeeze3A_103 : i32 to vector<16xi32>
      %broadcast_in_dim3A_597 = vector.broadcast %squeeze3A_105 : i32 to vector<16xi32>
      %gather3A_598 = arith.constant 2 : i32
      %gather3A_599 = arith.constant 0 : i32
      %gather3A_600 = arith.constant 0 : i32
      %gather3A_601 = tpu.memref_slice %arg9[%gather3A_598, %gather3A_599, %gather3A_600] : memref<8x32x128xf32, #tpu.memory_space<vmem>> -> memref<1x32x128xf32, #tpu.memory_space<vmem>>
      %gather3A_602 = tpu.memref_squeeze %gather3A_601 : memref<1x32x128xf32, #tpu.memory_space<vmem>> -> memref<32x128xf32, #tpu.memory_space<vmem>>
      %gather3A_603 = tpu.vector_load_idx %gather3A_602[%iota3A, %broadcast_in_dim3A_596] : memref<32x128xf32, #tpu.memory_space<vmem>>[vector<16xi32>, vector<16xi32>], vector<16xf32>,
      %gather3A_604 = arith.constant 2 : i32
      %gather3A_605 = arith.constant 0 : i32
      %gather3A_606 = arith.constant 0 : i32
      %gather3A_607 = tpu.memref_slice %arg9[%gather3A_604, %gather3A_605, %gather3A_606] : memref<8x32x128xf32, #tpu.memory_space<vmem>> -> memref<1x32x128xf32, #tpu.memory_space<vmem>>
      %gather3A_608 = tpu.memref_squeeze %gather3A_607 : memref<1x32x128xf32, #tpu.memory_space<vmem>> -> memref<32x128xf32, #tpu.memory_space<vmem>>
      %gather3A_609 = tpu.vector_load_idx %gather3A_608[%add3A_5, %broadcast_in_dim3A_596] : memref<32x128xf32, #tpu.memory_space<vmem>>[vector<16xi32>, vector<16xi32>], vector<16xf32>,
      %gather3A_610 = arith.constant 2 : i32
      %gather3A_611 = arith.constant 0 : i32
      %gather3A_612 = arith.constant 0 : i32
      %gather3A_613 = tpu.memref_slice %arg10[%gather3A_610, %gather3A_611, %gather3A_612] : memref<8x32x128xf32, #tpu.memory_space<vmem>> -> memref<1x32x128xf32, #tpu.memory_space<vmem>>
      %gather3A_614 = tpu.memref_squeeze %gather3A_613 : memref<1x32x128xf32, #tpu.memory_space<vmem>> -> memref<32x128xf32, #tpu.memory_space<vmem>>
      %gather3A_615 = tpu.vector_load_idx %gather3A_614[%iota3A, %broadcast_in_dim3A_597] : memref<32x128xf32, #tpu.memory_space<vmem>>[vector<16xi32>, vector<16xi32>], vector<16xf32>,
      %gather3A_616 = arith.constant 2 : i32
      %gather3A_617 = arith.constant 0 : i32
      %gather3A_618 = arith.constant 0 : i32
      %gather3A_619 = tpu.memref_slice %arg10[%gather3A_616, %gather3A_617, %gather3A_618] : memref<8x32x128xf32, #tpu.memory_space<vmem>> -> memref<1x32x128xf32, #tpu.memory_space<vmem>>
      %gather3A_620 = tpu.memref_squeeze %gather3A_619 : memref<1x32x128xf32, #tpu.memory_space<vmem>> -> memref<32x128xf32, #tpu.memory_space<vmem>>
      %gather3A_621 = tpu.vector_load_idx %gather3A_620[%add3A_5, %broadcast_in_dim3A_597] : memref<32x128xf32, #tpu.memory_space<vmem>>[vector<16xi32>, vector<16xi32>], vector<16xf32>,
      %mul3A_622 = arith.mulf %gather3A_603, %gather3A_615 : vector<16xf32>
      %mul3A_623 = arith.mulf %gather3A_609, %gather3A_621 : vector<16xf32>
      %add3A_624 = arith.addf %mul3A_622, %mul3A_623 : vector<16xf32>
      %eq3A_625 = arith.constant 2 : i32
      %eq3A_626 = vector.broadcast %eq3A_625 : i32 to vector<16xi32>
      %eq3A_627 = arith.cmpi eq, %iota3A, %eq3A_626 : vector<16xi32>
      %reduce_sum3A_628 = arith.constant true
      %reduce_sum3A_629 = vector.broadcast %reduce_sum3A_628 : i1 to vector<16xi1>
      %reduce_sum3A_630 = tpu.scan <sum>, %add3A_624 masked %reduce_sum3A_629 : vector<16xf32>, vector<16xi1> -> vector<16xf32>
      %reduce_sum3A_631 = vector.extract %reduce_sum3A_630[15] : f32 from vector<16xf32>
      %jit3A_632 = arith.constant 0.000000e+00 : f32
      %broadcast_in_dim3A_633 = vector.broadcast %reduce_sum3A_631 : f32 to vector<16xf32>
      %broadcast_in_dim3A_634 = vector.broadcast %jit3A_632 : f32 to vector<16xf32>
      %select_n3A_635 = arith.select %eq3A_627, %broadcast_in_dim3A_633, %broadcast_in_dim3A_634 : vector<16xi1>, vector<16xf32>
      %add3A_636 = arith.addf %add3A_595, %select_n3A_635 : vector<16xf32>
      %broadcast_in_dim3A_637 = vector.broadcast %squeeze3A_139 : i32 to vector<16xi32>
      %broadcast_in_dim3A_638 = vector.broadcast %squeeze3A_141 : i32 to vector<16xi32>
      %gather3A_639 = arith.constant 3 : i32
      %gather3A_640 = arith.constant 0 : i32
      %gather3A_641 = arith.constant 0 : i32
      %gather3A_642 = tpu.memref_slice %arg9[%gather3A_639, %gather3A_640, %gather3A_641] : memref<8x32x128xf32, #tpu.memory_space<vmem>> -> memref<1x32x128xf32, #tpu.memory_space<vmem>>
      %gather3A_643 = tpu.memref_squeeze %gather3A_642 : memref<1x32x128xf32, #tpu.memory_space<vmem>> -> memref<32x128xf32, #tpu.memory_space<vmem>>
      %gather3A_644 = tpu.vector_load_idx %gather3A_643[%iota3A, %broadcast_in_dim3A_637] : memref<32x128xf32, #tpu.memory_space<vmem>>[vector<16xi32>, vector<16xi32>], vector<16xf32>,
      %gather3A_645 = arith.constant 3 : i32
      %gather3A_646 = arith.constant 0 : i32
      %gather3A_647 = arith.constant 0 : i32
      %gather3A_648 = tpu.memref_slice %arg9[%gather3A_645, %gather3A_646, %gather3A_647] : memref<8x32x128xf32, #tpu.memory_space<vmem>> -> memref<1x32x128xf32, #tpu.memory_space<vmem>>
      %gather3A_649 = tpu.memref_squeeze %gather3A_648 : memref<1x32x128xf32, #tpu.memory_space<vmem>> -> memref<32x128xf32, #tpu.memory_space<vmem>>
      %gather3A_650 = tpu.vector_load_idx %gather3A_649[%add3A_5, %broadcast_in_dim3A_637] : memref<32x128xf32, #tpu.memory_space<vmem>>[vector<16xi32>, vector<16xi32>], vector<16xf32>,
      %gather3A_651 = arith.constant 3 : i32
      %gather3A_652 = arith.constant 0 : i32
      %gather3A_653 = arith.constant 0 : i32
      %gather3A_654 = tpu.memref_slice %arg10[%gather3A_651, %gather3A_652, %gather3A_653] : memref<8x32x128xf32, #tpu.memory_space<vmem>> -> memref<1x32x128xf32, #tpu.memory_space<vmem>>
      %gather3A_655 = tpu.memref_squeeze %gather3A_654 : memref<1x32x128xf32, #tpu.memory_space<vmem>> -> memref<32x128xf32, #tpu.memory_space<vmem>>
      %gather3A_656 = tpu.vector_load_idx %gather3A_655[%iota3A, %broadcast_in_dim3A_638] : memref<32x128xf32, #tpu.memory_space<vmem>>[vector<16xi32>, vector<16xi32>], vector<16xf32>,
      %gather3A_657 = arith.constant 3 : i32
      %gather3A_658 = arith.constant 0 : i32
      %gather3A_659 = arith.constant 0 : i32
      %gather3A_660 = tpu.memref_slice %arg10[%gather3A_657, %gather3A_658, %gather3A_659] : memref<8x32x128xf32, #tpu.memory_space<vmem>> -> memref<1x32x128xf32, #tpu.memory_space<vmem>>
      %gather3A_661 = tpu.memref_squeeze %gather3A_660 : memref<1x32x128xf32, #tpu.memory_space<vmem>> -> memref<32x128xf32, #tpu.memory_space<vmem>>
      %gather3A_662 = tpu.vector_load_idx %gather3A_661[%add3A_5, %broadcast_in_dim3A_638] : memref<32x128xf32, #tpu.memory_space<vmem>>[vector<16xi32>, vector<16xi32>], vector<16xf32>,
      %mul3A_663 = arith.mulf %gather3A_644, %gather3A_656 : vector<16xf32>
      %mul3A_664 = arith.mulf %gather3A_650, %gather3A_662 : vector<16xf32>
      %add3A_665 = arith.addf %mul3A_663, %mul3A_664 : vector<16xf32>
      %eq3A_666 = arith.constant 3 : i32
      %eq3A_667 = vector.broadcast %eq3A_666 : i32 to vector<16xi32>
      %eq3A_668 = arith.cmpi eq, %iota3A, %eq3A_667 : vector<16xi32>
      %reduce_sum3A_669 = arith.constant true
      %reduce_sum3A_670 = vector.broadcast %reduce_sum3A_669 : i1 to vector<16xi1>
      %reduce_sum3A_671 = tpu.scan <sum>, %add3A_665 masked %reduce_sum3A_670 : vector<16xf32>, vector<16xi1> -> vector<16xf32>
      %reduce_sum3A_672 = vector.extract %reduce_sum3A_671[15] : f32 from vector<16xf32>
      %jit3A_673 = arith.constant 0.000000e+00 : f32
      %broadcast_in_dim3A_674 = vector.broadcast %reduce_sum3A_672 : f32 to vector<16xf32>
      %broadcast_in_dim3A_675 = vector.broadcast %jit3A_673 : f32 to vector<16xf32>
      %select_n3A_676 = arith.select %eq3A_668, %broadcast_in_dim3A_674, %broadcast_in_dim3A_675 : vector<16xi1>, vector<16xf32>
      %add3A_677 = arith.addf %add3A_636, %select_n3A_676 : vector<16xf32>
      %broadcast_in_dim3A_678 = vector.broadcast %squeeze3A_175 : i32 to vector<16xi32>
      %broadcast_in_dim3A_679 = vector.broadcast %squeeze3A_177 : i32 to vector<16xi32>
      %gather3A_680 = arith.constant 4 : i32
      %gather3A_681 = arith.constant 0 : i32
      %gather3A_682 = arith.constant 0 : i32
      %gather3A_683 = tpu.memref_slice %arg9[%gather3A_680, %gather3A_681, %gather3A_682] : memref<8x32x128xf32, #tpu.memory_space<vmem>> -> memref<1x32x128xf32, #tpu.memory_space<vmem>>
      %gather3A_684 = tpu.memref_squeeze %gather3A_683 : memref<1x32x128xf32, #tpu.memory_space<vmem>> -> memref<32x128xf32, #tpu.memory_space<vmem>>
      %gather3A_685 = tpu.vector_load_idx %gather3A_684[%iota3A, %broadcast_in_dim3A_678] : memref<32x128xf32, #tpu.memory_space<vmem>>[vector<16xi32>, vector<16xi32>], vector<16xf32>,
      %gather3A_686 = arith.constant 4 : i32
      %gather3A_687 = arith.constant 0 : i32
      %gather3A_688 = arith.constant 0 : i32
      %gather3A_689 = tpu.memref_slice %arg9[%gather3A_686, %gather3A_687, %gather3A_688] : memref<8x32x128xf32, #tpu.memory_space<vmem>> -> memref<1x32x128xf32, #tpu.memory_space<vmem>>
      %gather3A_690 = tpu.memref_squeeze %gather3A_689 : memref<1x32x128xf32, #tpu.memory_space<vmem>> -> memref<32x128xf32, #tpu.memory_space<vmem>>
      %gather3A_691 = tpu.vector_load_idx %gather3A_690[%add3A_5, %broadcast_in_dim3A_678] : memref<32x128xf32, #tpu.memory_space<vmem>>[vector<16xi32>, vector<16xi32>], vector<16xf32>,
      %gather3A_692 = arith.constant 4 : i32
      %gather3A_693 = arith.constant 0 : i32
      %gather3A_694 = arith.constant 0 : i32
      %gather3A_695 = tpu.memref_slice %arg10[%gather3A_692, %gather3A_693, %gather3A_694] : memref<8x32x128xf32, #tpu.memory_space<vmem>> -> memref<1x32x128xf32, #tpu.memory_space<vmem>>
      %gather3A_696 = tpu.memref_squeeze %gather3A_695 : memref<1x32x128xf32, #tpu.memory_space<vmem>> -> memref<32x128xf32, #tpu.memory_space<vmem>>
      %gather3A_697 = tpu.vector_load_idx %gather3A_696[%iota3A, %broadcast_in_dim3A_679] : memref<32x128xf32, #tpu.memory_space<vmem>>[vector<16xi32>, vector<16xi32>], vector<16xf32>,
      %gather3A_698 = arith.constant 4 : i32
      %gather3A_699 = arith.constant 0 : i32
      %gather3A_700 = arith.constant 0 : i32
      %gather3A_701 = tpu.memref_slice %arg10[%gather3A_698, %gather3A_699, %gather3A_700] : memref<8x32x128xf32, #tpu.memory_space<vmem>> -> memref<1x32x128xf32, #tpu.memory_space<vmem>>
      %gather3A_702 = tpu.memref_squeeze %gather3A_701 : memref<1x32x128xf32, #tpu.memory_space<vmem>> -> memref<32x128xf32, #tpu.memory_space<vmem>>
      %gather3A_703 = tpu.vector_load_idx %gather3A_702[%add3A_5, %broadcast_in_dim3A_679] : memref<32x128xf32, #tpu.memory_space<vmem>>[vector<16xi32>, vector<16xi32>], vector<16xf32>,
      %mul3A_704 = arith.mulf %gather3A_685, %gather3A_697 : vector<16xf32>
      %mul3A_705 = arith.mulf %gather3A_691, %gather3A_703 : vector<16xf32>
      %add3A_706 = arith.addf %mul3A_704, %mul3A_705 : vector<16xf32>
      %eq3A_707 = arith.constant 4 : i32
      %eq3A_708 = vector.broadcast %eq3A_707 : i32 to vector<16xi32>
      %eq3A_709 = arith.cmpi eq, %iota3A, %eq3A_708 : vector<16xi32>
      %reduce_sum3A_710 = arith.constant true
      %reduce_sum3A_711 = vector.broadcast %reduce_sum3A_710 : i1 to vector<16xi1>
      %reduce_sum3A_712 = tpu.scan <sum>, %add3A_706 masked %reduce_sum3A_711 : vector<16xf32>, vector<16xi1> -> vector<16xf32>
      %reduce_sum3A_713 = vector.extract %reduce_sum3A_712[15] : f32 from vector<16xf32>
      %jit3A_714 = arith.constant 0.000000e+00 : f32
      %broadcast_in_dim3A_715 = vector.broadcast %reduce_sum3A_713 : f32 to vector<16xf32>
      %broadcast_in_dim3A_716 = vector.broadcast %jit3A_714 : f32 to vector<16xf32>
      %select_n3A_717 = arith.select %eq3A_709, %broadcast_in_dim3A_715, %broadcast_in_dim3A_716 : vector<16xi1>, vector<16xf32>
      %add3A_718 = arith.addf %add3A_677, %select_n3A_717 : vector<16xf32>
      %broadcast_in_dim3A_719 = vector.broadcast %squeeze3A_211 : i32 to vector<16xi32>
      %broadcast_in_dim3A_720 = vector.broadcast %squeeze3A_213 : i32 to vector<16xi32>
      %gather3A_721 = arith.constant 5 : i32
      %gather3A_722 = arith.constant 0 : i32
      %gather3A_723 = arith.constant 0 : i32
      %gather3A_724 = tpu.memref_slice %arg9[%gather3A_721, %gather3A_722, %gather3A_723] : memref<8x32x128xf32, #tpu.memory_space<vmem>> -> memref<1x32x128xf32, #tpu.memory_space<vmem>>
      %gather3A_725 = tpu.memref_squeeze %gather3A_724 : memref<1x32x128xf32, #tpu.memory_space<vmem>> -> memref<32x128xf32, #tpu.memory_space<vmem>>
      %gather3A_726 = tpu.vector_load_idx %gather3A_725[%iota3A, %broadcast_in_dim3A_719] : memref<32x128xf32, #tpu.memory_space<vmem>>[vector<16xi32>, vector<16xi32>], vector<16xf32>,
      %gather3A_727 = arith.constant 5 : i32
      %gather3A_728 = arith.constant 0 : i32
      %gather3A_729 = arith.constant 0 : i32
      %gather3A_730 = tpu.memref_slice %arg9[%gather3A_727, %gather3A_728, %gather3A_729] : memref<8x32x128xf32, #tpu.memory_space<vmem>> -> memref<1x32x128xf32, #tpu.memory_space<vmem>>
      %gather3A_731 = tpu.memref_squeeze %gather3A_730 : memref<1x32x128xf32, #tpu.memory_space<vmem>> -> memref<32x128xf32, #tpu.memory_space<vmem>>
      %gather3A_732 = tpu.vector_load_idx %gather3A_731[%add3A_5, %broadcast_in_dim3A_719] : memref<32x128xf32, #tpu.memory_space<vmem>>[vector<16xi32>, vector<16xi32>], vector<16xf32>,
      %gather3A_733 = arith.constant 5 : i32
      %gather3A_734 = arith.constant 0 : i32
      %gather3A_735 = arith.constant 0 : i32
      %gather3A_736 = tpu.memref_slice %arg10[%gather3A_733, %gather3A_734, %gather3A_735] : memref<8x32x128xf32, #tpu.memory_space<vmem>> -> memref<1x32x128xf32, #tpu.memory_space<vmem>>
      %gather3A_737 = tpu.memref_squeeze %gather3A_736 : memref<1x32x128xf32, #tpu.memory_space<vmem>> -> memref<32x128xf32, #tpu.memory_space<vmem>>
      %gather3A_738 = tpu.vector_load_idx %gather3A_737[%iota3A, %broadcast_in_dim3A_720] : memref<32x128xf32, #tpu.memory_space<vmem>>[vector<16xi32>, vector<16xi32>], vector<16xf32>,
      %gather3A_739 = arith.constant 5 : i32
      %gather3A_740 = arith.constant 0 : i32
      %gather3A_741 = arith.constant 0 : i32
      %gather3A_742 = tpu.memref_slice %arg10[%gather3A_739, %gather3A_740, %gather3A_741] : memref<8x32x128xf32, #tpu.memory_space<vmem>> -> memref<1x32x128xf32, #tpu.memory_space<vmem>>
      %gather3A_743 = tpu.memref_squeeze %gather3A_742 : memref<1x32x128xf32, #tpu.memory_space<vmem>> -> memref<32x128xf32, #tpu.memory_space<vmem>>
      %gather3A_744 = tpu.vector_load_idx %gather3A_743[%add3A_5, %broadcast_in_dim3A_720] : memref<32x128xf32, #tpu.memory_space<vmem>>[vector<16xi32>, vector<16xi32>], vector<16xf32>,
      %mul3A_745 = arith.mulf %gather3A_726, %gather3A_738 : vector<16xf32>
      %mul3A_746 = arith.mulf %gather3A_732, %gather3A_744 : vector<16xf32>
      %add3A_747 = arith.addf %mul3A_745, %mul3A_746 : vector<16xf32>
      %eq3A_748 = arith.constant 5 : i32
      %eq3A_749 = vector.broadcast %eq3A_748 : i32 to vector<16xi32>
      %eq3A_750 = arith.cmpi eq, %iota3A, %eq3A_749 : vector<16xi32>
      %reduce_sum3A_751 = arith.constant true
      %reduce_sum3A_752 = vector.broadcast %reduce_sum3A_751 : i1 to vector<16xi1>
      %reduce_sum3A_753 = tpu.scan <sum>, %add3A_747 masked %reduce_sum3A_752 : vector<16xf32>, vector<16xi1> -> vector<16xf32>
      %reduce_sum3A_754 = vector.extract %reduce_sum3A_753[15] : f32 from vector<16xf32>
      %jit3A_755 = arith.constant 0.000000e+00 : f32
      %broadcast_in_dim3A_756 = vector.broadcast %reduce_sum3A_754 : f32 to vector<16xf32>
      %broadcast_in_dim3A_757 = vector.broadcast %jit3A_755 : f32 to vector<16xf32>
      %select_n3A_758 = arith.select %eq3A_750, %broadcast_in_dim3A_756, %broadcast_in_dim3A_757 : vector<16xi1>, vector<16xf32>
      %add3A_759 = arith.addf %add3A_718, %select_n3A_758 : vector<16xf32>
      %broadcast_in_dim3A_760 = vector.broadcast %squeeze3A_247 : i32 to vector<16xi32>
      %broadcast_in_dim3A_761 = vector.broadcast %squeeze3A_249 : i32 to vector<16xi32>
      %gather3A_762 = arith.constant 6 : i32
      %gather3A_763 = arith.constant 0 : i32
      %gather3A_764 = arith.constant 0 : i32
      %gather3A_765 = tpu.memref_slice %arg9[%gather3A_762, %gather3A_763, %gather3A_764] : memref<8x32x128xf32, #tpu.memory_space<vmem>> -> memref<1x32x128xf32, #tpu.memory_space<vmem>>
      %gather3A_766 = tpu.memref_squeeze %gather3A_765 : memref<1x32x128xf32, #tpu.memory_space<vmem>> -> memref<32x128xf32, #tpu.memory_space<vmem>>
      %gather3A_767 = tpu.vector_load_idx %gather3A_766[%iota3A, %broadcast_in_dim3A_760] : memref<32x128xf32, #tpu.memory_space<vmem>>[vector<16xi32>, vector<16xi32>], vector<16xf32>,
      %gather3A_768 = arith.constant 6 : i32
      %gather3A_769 = arith.constant 0 : i32
      %gather3A_770 = arith.constant 0 : i32
      %gather3A_771 = tpu.memref_slice %arg9[%gather3A_768, %gather3A_769, %gather3A_770] : memref<8x32x128xf32, #tpu.memory_space<vmem>> -> memref<1x32x128xf32, #tpu.memory_space<vmem>>
      %gather3A_772 = tpu.memref_squeeze %gather3A_771 : memref<1x32x128xf32, #tpu.memory_space<vmem>> -> memref<32x128xf32, #tpu.memory_space<vmem>>
      %gather3A_773 = tpu.vector_load_idx %gather3A_772[%add3A_5, %broadcast_in_dim3A_760] : memref<32x128xf32, #tpu.memory_space<vmem>>[vector<16xi32>, vector<16xi32>], vector<16xf32>,
      %gather3A_774 = arith.constant 6 : i32
      %gather3A_775 = arith.constant 0 : i32
      %gather3A_776 = arith.constant 0 : i32
      %gather3A_777 = tpu.memref_slice %arg10[%gather3A_774, %gather3A_775, %gather3A_776] : memref<8x32x128xf32, #tpu.memory_space<vmem>> -> memref<1x32x128xf32, #tpu.memory_space<vmem>>
      %gather3A_778 = tpu.memref_squeeze %gather3A_777 : memref<1x32x128xf32, #tpu.memory_space<vmem>> -> memref<32x128xf32, #tpu.memory_space<vmem>>
      %gather3A_779 = tpu.vector_load_idx %gather3A_778[%iota3A, %broadcast_in_dim3A_761] : memref<32x128xf32, #tpu.memory_space<vmem>>[vector<16xi32>, vector<16xi32>], vector<16xf32>,
      %gather3A_780 = arith.constant 6 : i32
      %gather3A_781 = arith.constant 0 : i32
      %gather3A_782 = arith.constant 0 : i32
      %gather3A_783 = tpu.memref_slice %arg10[%gather3A_780, %gather3A_781, %gather3A_782] : memref<8x32x128xf32, #tpu.memory_space<vmem>> -> memref<1x32x128xf32, #tpu.memory_space<vmem>>
      %gather3A_784 = tpu.memref_squeeze %gather3A_783 : memref<1x32x128xf32, #tpu.memory_space<vmem>> -> memref<32x128xf32, #tpu.memory_space<vmem>>
      %gather3A_785 = tpu.vector_load_idx %gather3A_784[%add3A_5, %broadcast_in_dim3A_761] : memref<32x128xf32, #tpu.memory_space<vmem>>[vector<16xi32>, vector<16xi32>], vector<16xf32>,
      %mul3A_786 = arith.mulf %gather3A_767, %gather3A_779 : vector<16xf32>
      %mul3A_787 = arith.mulf %gather3A_773, %gather3A_785 : vector<16xf32>
      %add3A_788 = arith.addf %mul3A_786, %mul3A_787 : vector<16xf32>
      %eq3A_789 = arith.constant 6 : i32
      %eq3A_790 = vector.broadcast %eq3A_789 : i32 to vector<16xi32>
      %eq3A_791 = arith.cmpi eq, %iota3A, %eq3A_790 : vector<16xi32>
      %reduce_sum3A_792 = arith.constant true
      %reduce_sum3A_793 = vector.broadcast %reduce_sum3A_792 : i1 to vector<16xi1>
      %reduce_sum3A_794 = tpu.scan <sum>, %add3A_788 masked %reduce_sum3A_793 : vector<16xf32>, vector<16xi1> -> vector<16xf32>
      %reduce_sum3A_795 = vector.extract %reduce_sum3A_794[15] : f32 from vector<16xf32>
      %jit3A_796 = arith.constant 0.000000e+00 : f32
      %broadcast_in_dim3A_797 = vector.broadcast %reduce_sum3A_795 : f32 to vector<16xf32>
      %broadcast_in_dim3A_798 = vector.broadcast %jit3A_796 : f32 to vector<16xf32>
      %select_n3A_799 = arith.select %eq3A_791, %broadcast_in_dim3A_797, %broadcast_in_dim3A_798 : vector<16xi1>, vector<16xf32>
      %add3A_800 = arith.addf %add3A_759, %select_n3A_799 : vector<16xf32>
      %broadcast_in_dim3A_801 = vector.broadcast %squeeze3A_283 : i32 to vector<16xi32>
      %broadcast_in_dim3A_802 = vector.broadcast %squeeze3A_285 : i32 to vector<16xi32>
      %gather3A_803 = arith.constant 7 : i32
      %gather3A_804 = arith.constant 0 : i32
      %gather3A_805 = arith.constant 0 : i32
      %gather3A_806 = tpu.memref_slice %arg9[%gather3A_803, %gather3A_804, %gather3A_805] : memref<8x32x128xf32, #tpu.memory_space<vmem>> -> memref<1x32x128xf32, #tpu.memory_space<vmem>>
      %gather3A_807 = tpu.memref_squeeze %gather3A_806 : memref<1x32x128xf32, #tpu.memory_space<vmem>> -> memref<32x128xf32, #tpu.memory_space<vmem>>
      %gather3A_808 = tpu.vector_load_idx %gather3A_807[%iota3A, %broadcast_in_dim3A_801] : memref<32x128xf32, #tpu.memory_space<vmem>>[vector<16xi32>, vector<16xi32>], vector<16xf32>,
      %gather3A_809 = arith.constant 7 : i32
      %gather3A_810 = arith.constant 0 : i32
      %gather3A_811 = arith.constant 0 : i32
      %gather3A_812 = tpu.memref_slice %arg9[%gather3A_809, %gather3A_810, %gather3A_811] : memref<8x32x128xf32, #tpu.memory_space<vmem>> -> memref<1x32x128xf32, #tpu.memory_space<vmem>>
      %gather3A_813 = tpu.memref_squeeze %gather3A_812 : memref<1x32x128xf32, #tpu.memory_space<vmem>> -> memref<32x128xf32, #tpu.memory_space<vmem>>
      %gather3A_814 = tpu.vector_load_idx %gather3A_813[%add3A_5, %broadcast_in_dim3A_801] : memref<32x128xf32, #tpu.memory_space<vmem>>[vector<16xi32>, vector<16xi32>], vector<16xf32>,
      %gather3A_815 = arith.constant 7 : i32
      %gather3A_816 = arith.constant 0 : i32
      %gather3A_817 = arith.constant 0 : i32
      %gather3A_818 = tpu.memref_slice %arg10[%gather3A_815, %gather3A_816, %gather3A_817] : memref<8x32x128xf32, #tpu.memory_space<vmem>> -> memref<1x32x128xf32, #tpu.memory_space<vmem>>
      %gather3A_819 = tpu.memref_squeeze %gather3A_818 : memref<1x32x128xf32, #tpu.memory_space<vmem>> -> memref<32x128xf32, #tpu.memory_space<vmem>>
      %gather3A_820 = tpu.vector_load_idx %gather3A_819[%iota3A, %broadcast_in_dim3A_802] : memref<32x128xf32, #tpu.memory_space<vmem>>[vector<16xi32>, vector<16xi32>], vector<16xf32>,
      %gather3A_821 = arith.constant 7 : i32
      %gather3A_822 = arith.constant 0 : i32
      %gather3A_823 = arith.constant 0 : i32
      %gather3A_824 = tpu.memref_slice %arg10[%gather3A_821, %gather3A_822, %gather3A_823] : memref<8x32x128xf32, #tpu.memory_space<vmem>> -> memref<1x32x128xf32, #tpu.memory_space<vmem>>
      %gather3A_825 = tpu.memref_squeeze %gather3A_824 : memref<1x32x128xf32, #tpu.memory_space<vmem>> -> memref<32x128xf32, #tpu.memory_space<vmem>>
      %gather3A_826 = tpu.vector_load_idx %gather3A_825[%add3A_5, %broadcast_in_dim3A_802] : memref<32x128xf32, #tpu.memory_space<vmem>>[vector<16xi32>, vector<16xi32>], vector<16xf32>,
      %mul3A_827 = arith.mulf %gather3A_808, %gather3A_820 : vector<16xf32>
      %mul3A_828 = arith.mulf %gather3A_814, %gather3A_826 : vector<16xf32>
      %add3A_829 = arith.addf %mul3A_827, %mul3A_828 : vector<16xf32>
      %eq3A_830 = arith.constant 7 : i32
      %eq3A_831 = vector.broadcast %eq3A_830 : i32 to vector<16xi32>
      %eq3A_832 = arith.cmpi eq, %iota3A, %eq3A_831 : vector<16xi32>
      %reduce_sum3A_833 = arith.constant true
      %reduce_sum3A_834 = vector.broadcast %reduce_sum3A_833 : i1 to vector<16xi1>
      %reduce_sum3A_835 = tpu.scan <sum>, %add3A_829 masked %reduce_sum3A_834 : vector<16xf32>, vector<16xi1> -> vector<16xf32>
      %reduce_sum3A_836 = vector.extract %reduce_sum3A_835[15] : f32 from vector<16xf32>
      %jit3A_837 = arith.constant 0.000000e+00 : f32
      %broadcast_in_dim3A_838 = vector.broadcast %reduce_sum3A_836 : f32 to vector<16xf32>
      %broadcast_in_dim3A_839 = vector.broadcast %jit3A_837 : f32 to vector<16xf32>
      %select_n3A_840 = arith.select %eq3A_832, %broadcast_in_dim3A_838, %broadcast_in_dim3A_839 : vector<16xi1>, vector<16xf32>
      %add3A_841 = arith.addf %add3A_800, %select_n3A_840 : vector<16xf32>
      %slice3A_842 = vector.extract_strided_slice %and3A_22 {offsets = [8], sizes = [1], strides = [1]} : vector<16xi32> to vector<1xi32>
      %squeeze3A_843 = vector.extract %slice3A_842[0] : i32 from vector<1xi32>
      %multiple_of3A_844 = tpu.assume_multiple %squeeze3A_843, 128 : i32
      %slice3A_845 = vector.extract_strided_slice %and3A_25 {offsets = [8], sizes = [1], strides = [1]} : vector<16xi32> to vector<1xi32>
      %squeeze3A_846 = vector.extract %slice3A_845[0] : i32 from vector<1xi32>
      %multiple_of3A_847 = tpu.assume_multiple %squeeze3A_846, 128 : i32
      %slice3A_848 = vector.extract_strided_slice %sub3A {offsets = [8], sizes = [1], strides = [1]} : vector<16xi32> to vector<1xi32>
      %squeeze3A_849 = vector.extract %slice3A_848[0] : i32 from vector<1xi32>
      %slice3A_850 = vector.extract_strided_slice %sub3A_26 {offsets = [8], sizes = [1], strides = [1]} : vector<16xi32> to vector<1xi32>
      %squeeze3A_851 = vector.extract %slice3A_850[0] : i32 from vector<1xi32>
      %dma_start3A_852 = arith.constant 0 : i32
      %dma_start3A_853 = arith.constant 0 : i32
      %dma_start3A_854 = arith.constant 0 : i32
      %dma_start3A_855 = tpu.memref_slice %arg9[%dma_start3A_852, %dma_start3A_853, %dma_start3A_854] : memref<8x32x128xf32, #tpu.memory_space<vmem>> -> memref<1x32x128xf32, #tpu.memory_space<vmem>>
      %dma_start3A_856 = tpu.memref_squeeze %dma_start3A_855 : memref<1x32x128xf32, #tpu.memory_space<vmem>> -> memref<32x128xf32, #tpu.memory_space<vmem>>
      %dma_start3A_857 = arith.constant 0 : i32
      %dma_start3A_858 = tpu.memref_slice %arg4[%dma_start3A_857, %multiple_of3A_844] : memref<32x1000000xf32, #tpu.memory_space<hbm>> -> memref<32x128xf32, #tpu.memory_space<hbm>>
      %dma_start3A_859 = arith.constant 0 : i32
      %dma_start3A_860 = arith.constant 0 : i32
      %dma_start3A_861 = tpu.memref_slice %arg9[%dma_start3A_852, %dma_start3A_859, %dma_start3A_860] : memref<8x32x128xf32, #tpu.memory_space<vmem>> -> memref<1x32x128xf32, #tpu.memory_space<vmem>>
      %dma_start3A_862 = tpu.memref_squeeze %dma_start3A_861 : memref<1x32x128xf32, #tpu.memory_space<vmem>> -> memref<32x128xf32, #tpu.memory_space<vmem>>
      %dma_start3A_863 = arith.constant 0 : i32
      %dma_start3A_864 = tpu.memref_slice %arg4[%dma_start3A_863, %multiple_of3A_844] : memref<32x1000000xf32, #tpu.memory_space<hbm>> -> memref<32x128xf32, #tpu.memory_space<hbm>>
      tpu.enqueue_dma source(%dma_start3A_864 : memref<32x128xf32, #tpu.memory_space<hbm>>) target(%dma_start3A_862 : memref<32x128xf32, #tpu.memory_space<vmem>>) target_semaphore(%arg12 : memref<!tpu.dma_semaphore, #tpu.memory_space<semaphore_mem>>)
      %dma_start3A_865 = arith.constant 0 : i32
      %dma_start3A_866 = arith.constant 0 : i32
      %dma_start3A_867 = arith.constant 0 : i32
      %dma_start3A_868 = tpu.memref_slice %arg10[%dma_start3A_865, %dma_start3A_866, %dma_start3A_867] : memref<8x32x128xf32, #tpu.memory_space<vmem>> -> memref<1x32x128xf32, #tpu.memory_space<vmem>>
      %dma_start3A_869 = tpu.memref_squeeze %dma_start3A_868 : memref<1x32x128xf32, #tpu.memory_space<vmem>> -> memref<32x128xf32, #tpu.memory_space<vmem>>
      %dma_start3A_870 = arith.constant 0 : i32
      %dma_start3A_871 = tpu.memref_slice %arg5[%dma_start3A_870, %multiple_of3A_847] : memref<32x1000000xf32, #tpu.memory_space<hbm>> -> memref<32x128xf32, #tpu.memory_space<hbm>>
      %dma_start3A_872 = arith.constant 0 : i32
      %dma_start3A_873 = arith.constant 0 : i32
      %dma_start3A_874 = tpu.memref_slice %arg10[%dma_start3A_865, %dma_start3A_872, %dma_start3A_873] : memref<8x32x128xf32, #tpu.memory_space<vmem>> -> memref<1x32x128xf32, #tpu.memory_space<vmem>>
      %dma_start3A_875 = tpu.memref_squeeze %dma_start3A_874 : memref<1x32x128xf32, #tpu.memory_space<vmem>> -> memref<32x128xf32, #tpu.memory_space<vmem>>
      %dma_start3A_876 = arith.constant 0 : i32
      %dma_start3A_877 = tpu.memref_slice %arg5[%dma_start3A_876, %multiple_of3A_847] : memref<32x1000000xf32, #tpu.memory_space<hbm>> -> memref<32x128xf32, #tpu.memory_space<hbm>>
      tpu.enqueue_dma source(%dma_start3A_877 : memref<32x128xf32, #tpu.memory_space<hbm>>) target(%dma_start3A_875 : memref<32x128xf32, #tpu.memory_space<vmem>>) target_semaphore(%arg12 : memref<!tpu.dma_semaphore, #tpu.memory_space<semaphore_mem>>)
      %slice3A_878 = vector.extract_strided_slice %and3A_22 {offsets = [9], sizes = [1], strides = [1]} : vector<16xi32> to vector<1xi32>
      %squeeze3A_879 = vector.extract %slice3A_878[0] : i32 from vector<1xi32>
      %multiple_of3A_880 = tpu.assume_multiple %squeeze3A_879, 128 : i32
      %slice3A_881 = vector.extract_strided_slice %and3A_25 {offsets = [9], sizes = [1], strides = [1]} : vector<16xi32> to vector<1xi32>
      %squeeze3A_882 = vector.extract %slice3A_881[0] : i32 from vector<1xi32>
      %multiple_of3A_883 = tpu.assume_multiple %squeeze3A_882, 128 : i32
      %slice3A_884 = vector.extract_strided_slice %sub3A {offsets = [9], sizes = [1], strides = [1]} : vector<16xi32> to vector<1xi32>
      %squeeze3A_885 = vector.extract %slice3A_884[0] : i32 from vector<1xi32>
      %slice3A_886 = vector.extract_strided_slice %sub3A_26 {offsets = [9], sizes = [1], strides = [1]} : vector<16xi32> to vector<1xi32>
      %squeeze3A_887 = vector.extract %slice3A_886[0] : i32 from vector<1xi32>
      %dma_start3A_888 = arith.constant 1 : i32
      %dma_start3A_889 = arith.constant 0 : i32
      %dma_start3A_890 = arith.constant 0 : i32
      %dma_start3A_891 = tpu.memref_slice %arg9[%dma_start3A_888, %dma_start3A_889, %dma_start3A_890] : memref<8x32x128xf32, #tpu.memory_space<vmem>> -> memref<1x32x128xf32, #tpu.memory_space<vmem>>
      %dma_start3A_892 = tpu.memref_squeeze %dma_start3A_891 : memref<1x32x128xf32, #tpu.memory_space<vmem>> -> memref<32x128xf32, #tpu.memory_space<vmem>>
      %dma_start3A_893 = arith.constant 0 : i32
      %dma_start3A_894 = tpu.memref_slice %arg4[%dma_start3A_893, %multiple_of3A_880] : memref<32x1000000xf32, #tpu.memory_space<hbm>> -> memref<32x128xf32, #tpu.memory_space<hbm>>
      %dma_start3A_895 = arith.constant 0 : i32
      %dma_start3A_896 = arith.constant 0 : i32
      %dma_start3A_897 = tpu.memref_slice %arg9[%dma_start3A_888, %dma_start3A_895, %dma_start3A_896] : memref<8x32x128xf32, #tpu.memory_space<vmem>> -> memref<1x32x128xf32, #tpu.memory_space<vmem>>
      %dma_start3A_898 = tpu.memref_squeeze %dma_start3A_897 : memref<1x32x128xf32, #tpu.memory_space<vmem>> -> memref<32x128xf32, #tpu.memory_space<vmem>>
      %dma_start3A_899 = arith.constant 0 : i32
      %dma_start3A_900 = tpu.memref_slice %arg4[%dma_start3A_899, %multiple_of3A_880] : memref<32x1000000xf32, #tpu.memory_space<hbm>> -> memref<32x128xf32, #tpu.memory_space<hbm>>
      tpu.enqueue_dma source(%dma_start3A_900 : memref<32x128xf32, #tpu.memory_space<hbm>>) target(%dma_start3A_898 : memref<32x128xf32, #tpu.memory_space<vmem>>) target_semaphore(%arg12 : memref<!tpu.dma_semaphore, #tpu.memory_space<semaphore_mem>>)
      %dma_start3A_901 = arith.constant 1 : i32
      %dma_start3A_902 = arith.constant 0 : i32
      %dma_start3A_903 = arith.constant 0 : i32
      %dma_start3A_904 = tpu.memref_slice %arg10[%dma_start3A_901, %dma_start3A_902, %dma_start3A_903] : memref<8x32x128xf32, #tpu.memory_space<vmem>> -> memref<1x32x128xf32, #tpu.memory_space<vmem>>
      %dma_start3A_905 = tpu.memref_squeeze %dma_start3A_904 : memref<1x32x128xf32, #tpu.memory_space<vmem>> -> memref<32x128xf32, #tpu.memory_space<vmem>>
      %dma_start3A_906 = arith.constant 0 : i32
      %dma_start3A_907 = tpu.memref_slice %arg5[%dma_start3A_906, %multiple_of3A_883] : memref<32x1000000xf32, #tpu.memory_space<hbm>> -> memref<32x128xf32, #tpu.memory_space<hbm>>
      %dma_start3A_908 = arith.constant 0 : i32
      %dma_start3A_909 = arith.constant 0 : i32
      %dma_start3A_910 = tpu.memref_slice %arg10[%dma_start3A_901, %dma_start3A_908, %dma_start3A_909] : memref<8x32x128xf32, #tpu.memory_space<vmem>> -> memref<1x32x128xf32, #tpu.memory_space<vmem>>
      %dma_start3A_911 = tpu.memref_squeeze %dma_start3A_910 : memref<1x32x128xf32, #tpu.memory_space<vmem>> -> memref<32x128xf32, #tpu.memory_space<vmem>>
      %dma_start3A_912 = arith.constant 0 : i32
      %dma_start3A_913 = tpu.memref_slice %arg5[%dma_start3A_912, %multiple_of3A_883] : memref<32x1000000xf32, #tpu.memory_space<hbm>> -> memref<32x128xf32, #tpu.memory_space<hbm>>
      tpu.enqueue_dma source(%dma_start3A_913 : memref<32x128xf32, #tpu.memory_space<hbm>>) target(%dma_start3A_911 : memref<32x128xf32, #tpu.memory_space<vmem>>) target_semaphore(%arg12 : memref<!tpu.dma_semaphore, #tpu.memory_space<semaphore_mem>>)
      %slice3A_914 = vector.extract_strided_slice %and3A_22 {offsets = [10], sizes = [1], strides = [1]} : vector<16xi32> to vector<1xi32>
      %squeeze3A_915 = vector.extract %slice3A_914[0] : i32 from vector<1xi32>
      %multiple_of3A_916 = tpu.assume_multiple %squeeze3A_915, 128 : i32
      %slice3A_917 = vector.extract_strided_slice %and3A_25 {offsets = [10], sizes = [1], strides = [1]} : vector<16xi32> to vector<1xi32>
      %squeeze3A_918 = vector.extract %slice3A_917[0] : i32 from vector<1xi32>
      %multiple_of3A_919 = tpu.assume_multiple %squeeze3A_918, 128 : i32
      %slice3A_920 = vector.extract_strided_slice %sub3A {offsets = [10], sizes = [1], strides = [1]} : vector<16xi32> to vector<1xi32>
      %squeeze3A_921 = vector.extract %slice3A_920[0] : i32 from vector<1xi32>
      %slice3A_922 = vector.extract_strided_slice %sub3A_26 {offsets = [10], sizes = [1], strides = [1]} : vector<16xi32> to vector<1xi32>
      %squeeze3A_923 = vector.extract %slice3A_922[0] : i32 from vector<1xi32>
      %dma_start3A_924 = arith.constant 2 : i32
      %dma_start3A_925 = arith.constant 0 : i32
      %dma_start3A_926 = arith.constant 0 : i32
      %dma_start3A_927 = tpu.memref_slice %arg9[%dma_start3A_924, %dma_start3A_925, %dma_start3A_926] : memref<8x32x128xf32, #tpu.memory_space<vmem>> -> memref<1x32x128xf32, #tpu.memory_space<vmem>>
      %dma_start3A_928 = tpu.memref_squeeze %dma_start3A_927 : memref<1x32x128xf32, #tpu.memory_space<vmem>> -> memref<32x128xf32, #tpu.memory_space<vmem>>
      %dma_start3A_929 = arith.constant 0 : i32
      %dma_start3A_930 = tpu.memref_slice %arg4[%dma_start3A_929, %multiple_of3A_916] : memref<32x1000000xf32, #tpu.memory_space<hbm>> -> memref<32x128xf32, #tpu.memory_space<hbm>>
      %dma_start3A_931 = arith.constant 0 : i32
      %dma_start3A_932 = arith.constant 0 : i32
      %dma_start3A_933 = tpu.memref_slice %arg9[%dma_start3A_924, %dma_start3A_931, %dma_start3A_932] : memref<8x32x128xf32, #tpu.memory_space<vmem>> -> memref<1x32x128xf32, #tpu.memory_space<vmem>>
      %dma_start3A_934 = tpu.memref_squeeze %dma_start3A_933 : memref<1x32x128xf32, #tpu.memory_space<vmem>> -> memref<32x128xf32, #tpu.memory_space<vmem>>
      %dma_start3A_935 = arith.constant 0 : i32
      %dma_start3A_936 = tpu.memref_slice %arg4[%dma_start3A_935, %multiple_of3A_916] : memref<32x1000000xf32, #tpu.memory_space<hbm>> -> memref<32x128xf32, #tpu.memory_space<hbm>>
      tpu.enqueue_dma source(%dma_start3A_936 : memref<32x128xf32, #tpu.memory_space<hbm>>) target(%dma_start3A_934 : memref<32x128xf32, #tpu.memory_space<vmem>>) target_semaphore(%arg12 : memref<!tpu.dma_semaphore, #tpu.memory_space<semaphore_mem>>)
      %dma_start3A_937 = arith.constant 2 : i32
      %dma_start3A_938 = arith.constant 0 : i32
      %dma_start3A_939 = arith.constant 0 : i32
      %dma_start3A_940 = tpu.memref_slice %arg10[%dma_start3A_937, %dma_start3A_938, %dma_start3A_939] : memref<8x32x128xf32, #tpu.memory_space<vmem>> -> memref<1x32x128xf32, #tpu.memory_space<vmem>>
      %dma_start3A_941 = tpu.memref_squeeze %dma_start3A_940 : memref<1x32x128xf32, #tpu.memory_space<vmem>> -> memref<32x128xf32, #tpu.memory_space<vmem>>
      %dma_start3A_942 = arith.constant 0 : i32
      %dma_start3A_943 = tpu.memref_slice %arg5[%dma_start3A_942, %multiple_of3A_919] : memref<32x1000000xf32, #tpu.memory_space<hbm>> -> memref<32x128xf32, #tpu.memory_space<hbm>>
      %dma_start3A_944 = arith.constant 0 : i32
      %dma_start3A_945 = arith.constant 0 : i32
      %dma_start3A_946 = tpu.memref_slice %arg10[%dma_start3A_937, %dma_start3A_944, %dma_start3A_945] : memref<8x32x128xf32, #tpu.memory_space<vmem>> -> memref<1x32x128xf32, #tpu.memory_space<vmem>>
      %dma_start3A_947 = tpu.memref_squeeze %dma_start3A_946 : memref<1x32x128xf32, #tpu.memory_space<vmem>> -> memref<32x128xf32, #tpu.memory_space<vmem>>
      %dma_start3A_948 = arith.constant 0 : i32
      %dma_start3A_949 = tpu.memref_slice %arg5[%dma_start3A_948, %multiple_of3A_919] : memref<32x1000000xf32, #tpu.memory_space<hbm>> -> memref<32x128xf32, #tpu.memory_space<hbm>>
      tpu.enqueue_dma source(%dma_start3A_949 : memref<32x128xf32, #tpu.memory_space<hbm>>) target(%dma_start3A_947 : memref<32x128xf32, #tpu.memory_space<vmem>>) target_semaphore(%arg12 : memref<!tpu.dma_semaphore, #tpu.memory_space<semaphore_mem>>)
      %slice3A_950 = vector.extract_strided_slice %and3A_22 {offsets = [11], sizes = [1], strides = [1]} : vector<16xi32> to vector<1xi32>
      %squeeze3A_951 = vector.extract %slice3A_950[0] : i32 from vector<1xi32>
      %multiple_of3A_952 = tpu.assume_multiple %squeeze3A_951, 128 : i32
      %slice3A_953 = vector.extract_strided_slice %and3A_25 {offsets = [11], sizes = [1], strides = [1]} : vector<16xi32> to vector<1xi32>
      %squeeze3A_954 = vector.extract %slice3A_953[0] : i32 from vector<1xi32>
      %multiple_of3A_955 = tpu.assume_multiple %squeeze3A_954, 128 : i32
      %slice3A_956 = vector.extract_strided_slice %sub3A {offsets = [11], sizes = [1], strides = [1]} : vector<16xi32> to vector<1xi32>
      %squeeze3A_957 = vector.extract %slice3A_956[0] : i32 from vector<1xi32>
      %slice3A_958 = vector.extract_strided_slice %sub3A_26 {offsets = [11], sizes = [1], strides = [1]} : vector<16xi32> to vector<1xi32>
      %squeeze3A_959 = vector.extract %slice3A_958[0] : i32 from vector<1xi32>
      %dma_start3A_960 = arith.constant 3 : i32
      %dma_start3A_961 = arith.constant 0 : i32
      %dma_start3A_962 = arith.constant 0 : i32
      %dma_start3A_963 = tpu.memref_slice %arg9[%dma_start3A_960, %dma_start3A_961, %dma_start3A_962] : memref<8x32x128xf32, #tpu.memory_space<vmem>> -> memref<1x32x128xf32, #tpu.memory_space<vmem>>
      %dma_start3A_964 = tpu.memref_squeeze %dma_start3A_963 : memref<1x32x128xf32, #tpu.memory_space<vmem>> -> memref<32x128xf32, #tpu.memory_space<vmem>>
      %dma_start3A_965 = arith.constant 0 : i32
      %dma_start3A_966 = tpu.memref_slice %arg4[%dma_start3A_965, %multiple_of3A_952] : memref<32x1000000xf32, #tpu.memory_space<hbm>> -> memref<32x128xf32, #tpu.memory_space<hbm>>
      %dma_start3A_967 = arith.constant 0 : i32
      %dma_start3A_968 = arith.constant 0 : i32
      %dma_start3A_969 = tpu.memref_slice %arg9[%dma_start3A_960, %dma_start3A_967, %dma_start3A_968] : memref<8x32x128xf32, #tpu.memory_space<vmem>> -> memref<1x32x128xf32, #tpu.memory_space<vmem>>
      %dma_start3A_970 = tpu.memref_squeeze %dma_start3A_969 : memref<1x32x128xf32, #tpu.memory_space<vmem>> -> memref<32x128xf32, #tpu.memory_space<vmem>>
      %dma_start3A_971 = arith.constant 0 : i32
      %dma_start3A_972 = tpu.memref_slice %arg4[%dma_start3A_971, %multiple_of3A_952] : memref<32x1000000xf32, #tpu.memory_space<hbm>> -> memref<32x128xf32, #tpu.memory_space<hbm>>
      tpu.enqueue_dma source(%dma_start3A_972 : memref<32x128xf32, #tpu.memory_space<hbm>>) target(%dma_start3A_970 : memref<32x128xf32, #tpu.memory_space<vmem>>) target_semaphore(%arg12 : memref<!tpu.dma_semaphore, #tpu.memory_space<semaphore_mem>>)
      %dma_start3A_973 = arith.constant 3 : i32
      %dma_start3A_974 = arith.constant 0 : i32
      %dma_start3A_975 = arith.constant 0 : i32
      %dma_start3A_976 = tpu.memref_slice %arg10[%dma_start3A_973, %dma_start3A_974, %dma_start3A_975] : memref<8x32x128xf32, #tpu.memory_space<vmem>> -> memref<1x32x128xf32, #tpu.memory_space<vmem>>
      %dma_start3A_977 = tpu.memref_squeeze %dma_start3A_976 : memref<1x32x128xf32, #tpu.memory_space<vmem>> -> memref<32x128xf32, #tpu.memory_space<vmem>>
      %dma_start3A_978 = arith.constant 0 : i32
      %dma_start3A_979 = tpu.memref_slice %arg5[%dma_start3A_978, %multiple_of3A_955] : memref<32x1000000xf32, #tpu.memory_space<hbm>> -> memref<32x128xf32, #tpu.memory_space<hbm>>
      %dma_start3A_980 = arith.constant 0 : i32
      %dma_start3A_981 = arith.constant 0 : i32
      %dma_start3A_982 = tpu.memref_slice %arg10[%dma_start3A_973, %dma_start3A_980, %dma_start3A_981] : memref<8x32x128xf32, #tpu.memory_space<vmem>> -> memref<1x32x128xf32, #tpu.memory_space<vmem>>
      %dma_start3A_983 = tpu.memref_squeeze %dma_start3A_982 : memref<1x32x128xf32, #tpu.memory_space<vmem>> -> memref<32x128xf32, #tpu.memory_space<vmem>>
      %dma_start3A_984 = arith.constant 0 : i32
      %dma_start3A_985 = tpu.memref_slice %arg5[%dma_start3A_984, %multiple_of3A_955] : memref<32x1000000xf32, #tpu.memory_space<hbm>> -> memref<32x128xf32, #tpu.memory_space<hbm>>
      tpu.enqueue_dma source(%dma_start3A_985 : memref<32x128xf32, #tpu.memory_space<hbm>>) target(%dma_start3A_983 : memref<32x128xf32, #tpu.memory_space<vmem>>) target_semaphore(%arg12 : memref<!tpu.dma_semaphore, #tpu.memory_space<semaphore_mem>>)
      %slice3A_986 = vector.extract_strided_slice %and3A_22 {offsets = [12], sizes = [1], strides = [1]} : vector<16xi32> to vector<1xi32>
      %squeeze3A_987 = vector.extract %slice3A_986[0] : i32 from vector<1xi32>
      %multiple_of3A_988 = tpu.assume_multiple %squeeze3A_987, 128 : i32
      %slice3A_989 = vector.extract_strided_slice %and3A_25 {offsets = [12], sizes = [1], strides = [1]} : vector<16xi32> to vector<1xi32>
      %squeeze3A_990 = vector.extract %slice3A_989[0] : i32 from vector<1xi32>
      %multiple_of3A_991 = tpu.assume_multiple %squeeze3A_990, 128 : i32
      %slice3A_992 = vector.extract_strided_slice %sub3A {offsets = [12], sizes = [1], strides = [1]} : vector<16xi32> to vector<1xi32>
      %squeeze3A_993 = vector.extract %slice3A_992[0] : i32 from vector<1xi32>
      %slice3A_994 = vector.extract_strided_slice %sub3A_26 {offsets = [12], sizes = [1], strides = [1]} : vector<16xi32> to vector<1xi32>
      %squeeze3A_995 = vector.extract %slice3A_994[0] : i32 from vector<1xi32>
      %dma_start3A_996 = arith.constant 4 : i32
      %dma_start3A_997 = arith.constant 0 : i32
      %dma_start3A_998 = arith.constant 0 : i32
      %dma_start3A_999 = tpu.memref_slice %arg9[%dma_start3A_996, %dma_start3A_997, %dma_start3A_998] : memref<8x32x128xf32, #tpu.memory_space<vmem>> -> memref<1x32x128xf32, #tpu.memory_space<vmem>>
      %dma_start3A_1000 = tpu.memref_squeeze %dma_start3A_999 : memref<1x32x128xf32, #tpu.memory_space<vmem>> -> memref<32x128xf32, #tpu.memory_space<vmem>>
      %dma_start3A_1001 = arith.constant 0 : i32
      %dma_start3A_1002 = tpu.memref_slice %arg4[%dma_start3A_1001, %multiple_of3A_988] : memref<32x1000000xf32, #tpu.memory_space<hbm>> -> memref<32x128xf32, #tpu.memory_space<hbm>>
      %dma_start3A_1003 = arith.constant 0 : i32
      %dma_start3A_1004 = arith.constant 0 : i32
      %dma_start3A_1005 = tpu.memref_slice %arg9[%dma_start3A_996, %dma_start3A_1003, %dma_start3A_1004] : memref<8x32x128xf32, #tpu.memory_space<vmem>> -> memref<1x32x128xf32, #tpu.memory_space<vmem>>
      %dma_start3A_1006 = tpu.memref_squeeze %dma_start3A_1005 : memref<1x32x128xf32, #tpu.memory_space<vmem>> -> memref<32x128xf32, #tpu.memory_space<vmem>>
      %dma_start3A_1007 = arith.constant 0 : i32
      %dma_start3A_1008 = tpu.memref_slice %arg4[%dma_start3A_1007, %multiple_of3A_988] : memref<32x1000000xf32, #tpu.memory_space<hbm>> -> memref<32x128xf32, #tpu.memory_space<hbm>>
      tpu.enqueue_dma source(%dma_start3A_1008 : memref<32x128xf32, #tpu.memory_space<hbm>>) target(%dma_start3A_1006 : memref<32x128xf32, #tpu.memory_space<vmem>>) target_semaphore(%arg12 : memref<!tpu.dma_semaphore, #tpu.memory_space<semaphore_mem>>)
      %dma_start3A_1009 = arith.constant 4 : i32
      %dma_start3A_1010 = arith.constant 0 : i32
      %dma_start3A_1011 = arith.constant 0 : i32
      %dma_start3A_1012 = tpu.memref_slice %arg10[%dma_start3A_1009, %dma_start3A_1010, %dma_start3A_1011] : memref<8x32x128xf32, #tpu.memory_space<vmem>> -> memref<1x32x128xf32, #tpu.memory_space<vmem>>
      %dma_start3A_1013 = tpu.memref_squeeze %dma_start3A_1012 : memref<1x32x128xf32, #tpu.memory_space<vmem>> -> memref<32x128xf32, #tpu.memory_space<vmem>>
      %dma_start3A_1014 = arith.constant 0 : i32
      %dma_start3A_1015 = tpu.memref_slice %arg5[%dma_start3A_1014, %multiple_of3A_991] : memref<32x1000000xf32, #tpu.memory_space<hbm>> -> memref<32x128xf32, #tpu.memory_space<hbm>>
      %dma_start3A_1016 = arith.constant 0 : i32
      %dma_start3A_1017 = arith.constant 0 : i32
      %dma_start3A_1018 = tpu.memref_slice %arg10[%dma_start3A_1009, %dma_start3A_1016, %dma_start3A_1017] : memref<8x32x128xf32, #tpu.memory_space<vmem>> -> memref<1x32x128xf32, #tpu.memory_space<vmem>>
      %dma_start3A_1019 = tpu.memref_squeeze %dma_start3A_1018 : memref<1x32x128xf32, #tpu.memory_space<vmem>> -> memref<32x128xf32, #tpu.memory_space<vmem>>
      %dma_start3A_1020 = arith.constant 0 : i32
      %dma_start3A_1021 = tpu.memref_slice %arg5[%dma_start3A_1020, %multiple_of3A_991] : memref<32x1000000xf32, #tpu.memory_space<hbm>> -> memref<32x128xf32, #tpu.memory_space<hbm>>
      tpu.enqueue_dma source(%dma_start3A_1021 : memref<32x128xf32, #tpu.memory_space<hbm>>) target(%dma_start3A_1019 : memref<32x128xf32, #tpu.memory_space<vmem>>) target_semaphore(%arg12 : memref<!tpu.dma_semaphore, #tpu.memory_space<semaphore_mem>>)
      %slice3A_1022 = vector.extract_strided_slice %and3A_22 {offsets = [13], sizes = [1], strides = [1]} : vector<16xi32> to vector<1xi32>
      %squeeze3A_1023 = vector.extract %slice3A_1022[0] : i32 from vector<1xi32>
      %multiple_of3A_1024 = tpu.assume_multiple %squeeze3A_1023, 128 : i32
      %slice3A_1025 = vector.extract_strided_slice %and3A_25 {offsets = [13], sizes = [1], strides = [1]} : vector<16xi32> to vector<1xi32>
      %squeeze3A_1026 = vector.extract %slice3A_1025[0] : i32 from vector<1xi32>
      %multiple_of3A_1027 = tpu.assume_multiple %squeeze3A_1026, 128 : i32
      %slice3A_1028 = vector.extract_strided_slice %sub3A {offsets = [13], sizes = [1], strides = [1]} : vector<16xi32> to vector<1xi32>
      %squeeze3A_1029 = vector.extract %slice3A_1028[0] : i32 from vector<1xi32>
      %slice3A_1030 = vector.extract_strided_slice %sub3A_26 {offsets = [13], sizes = [1], strides = [1]} : vector<16xi32> to vector<1xi32>
      %squeeze3A_1031 = vector.extract %slice3A_1030[0] : i32 from vector<1xi32>
      %dma_start3A_1032 = arith.constant 5 : i32
      %dma_start3A_1033 = arith.constant 0 : i32
      %dma_start3A_1034 = arith.constant 0 : i32
      %dma_start3A_1035 = tpu.memref_slice %arg9[%dma_start3A_1032, %dma_start3A_1033, %dma_start3A_1034] : memref<8x32x128xf32, #tpu.memory_space<vmem>> -> memref<1x32x128xf32, #tpu.memory_space<vmem>>
      %dma_start3A_1036 = tpu.memref_squeeze %dma_start3A_1035 : memref<1x32x128xf32, #tpu.memory_space<vmem>> -> memref<32x128xf32, #tpu.memory_space<vmem>>
      %dma_start3A_1037 = arith.constant 0 : i32
      %dma_start3A_1038 = tpu.memref_slice %arg4[%dma_start3A_1037, %multiple_of3A_1024] : memref<32x1000000xf32, #tpu.memory_space<hbm>> -> memref<32x128xf32, #tpu.memory_space<hbm>>
      %dma_start3A_1039 = arith.constant 0 : i32
      %dma_start3A_1040 = arith.constant 0 : i32
      %dma_start3A_1041 = tpu.memref_slice %arg9[%dma_start3A_1032, %dma_start3A_1039, %dma_start3A_1040] : memref<8x32x128xf32, #tpu.memory_space<vmem>> -> memref<1x32x128xf32, #tpu.memory_space<vmem>>
      %dma_start3A_1042 = tpu.memref_squeeze %dma_start3A_1041 : memref<1x32x128xf32, #tpu.memory_space<vmem>> -> memref<32x128xf32, #tpu.memory_space<vmem>>
      %dma_start3A_1043 = arith.constant 0 : i32
      %dma_start3A_1044 = tpu.memref_slice %arg4[%dma_start3A_1043, %multiple_of3A_1024] : memref<32x1000000xf32, #tpu.memory_space<hbm>> -> memref<32x128xf32, #tpu.memory_space<hbm>>
      tpu.enqueue_dma source(%dma_start3A_1044 : memref<32x128xf32, #tpu.memory_space<hbm>>) target(%dma_start3A_1042 : memref<32x128xf32, #tpu.memory_space<vmem>>) target_semaphore(%arg12 : memref<!tpu.dma_semaphore, #tpu.memory_space<semaphore_mem>>)
      %dma_start3A_1045 = arith.constant 5 : i32
      %dma_start3A_1046 = arith.constant 0 : i32
      %dma_start3A_1047 = arith.constant 0 : i32
      %dma_start3A_1048 = tpu.memref_slice %arg10[%dma_start3A_1045, %dma_start3A_1046, %dma_start3A_1047] : memref<8x32x128xf32, #tpu.memory_space<vmem>> -> memref<1x32x128xf32, #tpu.memory_space<vmem>>
      %dma_start3A_1049 = tpu.memref_squeeze %dma_start3A_1048 : memref<1x32x128xf32, #tpu.memory_space<vmem>> -> memref<32x128xf32, #tpu.memory_space<vmem>>
      %dma_start3A_1050 = arith.constant 0 : i32
      %dma_start3A_1051 = tpu.memref_slice %arg5[%dma_start3A_1050, %multiple_of3A_1027] : memref<32x1000000xf32, #tpu.memory_space<hbm>> -> memref<32x128xf32, #tpu.memory_space<hbm>>
      %dma_start3A_1052 = arith.constant 0 : i32
      %dma_start3A_1053 = arith.constant 0 : i32
      %dma_start3A_1054 = tpu.memref_slice %arg10[%dma_start3A_1045, %dma_start3A_1052, %dma_start3A_1053] : memref<8x32x128xf32, #tpu.memory_space<vmem>> -> memref<1x32x128xf32, #tpu.memory_space<vmem>>
      %dma_start3A_1055 = tpu.memref_squeeze %dma_start3A_1054 : memref<1x32x128xf32, #tpu.memory_space<vmem>> -> memref<32x128xf32, #tpu.memory_space<vmem>>
      %dma_start3A_1056 = arith.constant 0 : i32
      %dma_start3A_1057 = tpu.memref_slice %arg5[%dma_start3A_1056, %multiple_of3A_1027] : memref<32x1000000xf32, #tpu.memory_space<hbm>> -> memref<32x128xf32, #tpu.memory_space<hbm>>
      tpu.enqueue_dma source(%dma_start3A_1057 : memref<32x128xf32, #tpu.memory_space<hbm>>) target(%dma_start3A_1055 : memref<32x128xf32, #tpu.memory_space<vmem>>) target_semaphore(%arg12 : memref<!tpu.dma_semaphore, #tpu.memory_space<semaphore_mem>>)
      %slice3A_1058 = vector.extract_strided_slice %and3A_22 {offsets = [14], sizes = [1], strides = [1]} : vector<16xi32> to vector<1xi32>
      %squeeze3A_1059 = vector.extract %slice3A_1058[0] : i32 from vector<1xi32>
      %multiple_of3A_1060 = tpu.assume_multiple %squeeze3A_1059, 128 : i32
      %slice3A_1061 = vector.extract_strided_slice %and3A_25 {offsets = [14], sizes = [1], strides = [1]} : vector<16xi32> to vector<1xi32>
      %squeeze3A_1062 = vector.extract %slice3A_1061[0] : i32 from vector<1xi32>
      %multiple_of3A_1063 = tpu.assume_multiple %squeeze3A_1062, 128 : i32
      %slice3A_1064 = vector.extract_strided_slice %sub3A {offsets = [14], sizes = [1], strides = [1]} : vector<16xi32> to vector<1xi32>
      %squeeze3A_1065 = vector.extract %slice3A_1064[0] : i32 from vector<1xi32>
      %slice3A_1066 = vector.extract_strided_slice %sub3A_26 {offsets = [14], sizes = [1], strides = [1]} : vector<16xi32> to vector<1xi32>
      %squeeze3A_1067 = vector.extract %slice3A_1066[0] : i32 from vector<1xi32>
      %dma_start3A_1068 = arith.constant 6 : i32
      %dma_start3A_1069 = arith.constant 0 : i32
      %dma_start3A_1070 = arith.constant 0 : i32
      %dma_start3A_1071 = tpu.memref_slice %arg9[%dma_start3A_1068, %dma_start3A_1069, %dma_start3A_1070] : memref<8x32x128xf32, #tpu.memory_space<vmem>> -> memref<1x32x128xf32, #tpu.memory_space<vmem>>
      %dma_start3A_1072 = tpu.memref_squeeze %dma_start3A_1071 : memref<1x32x128xf32, #tpu.memory_space<vmem>> -> memref<32x128xf32, #tpu.memory_space<vmem>>
      %dma_start3A_1073 = arith.constant 0 : i32
      %dma_start3A_1074 = tpu.memref_slice %arg4[%dma_start3A_1073, %multiple_of3A_1060] : memref<32x1000000xf32, #tpu.memory_space<hbm>> -> memref<32x128xf32, #tpu.memory_space<hbm>>
      %dma_start3A_1075 = arith.constant 0 : i32
      %dma_start3A_1076 = arith.constant 0 : i32
      %dma_start3A_1077 = tpu.memref_slice %arg9[%dma_start3A_1068, %dma_start3A_1075, %dma_start3A_1076] : memref<8x32x128xf32, #tpu.memory_space<vmem>> -> memref<1x32x128xf32, #tpu.memory_space<vmem>>
      %dma_start3A_1078 = tpu.memref_squeeze %dma_start3A_1077 : memref<1x32x128xf32, #tpu.memory_space<vmem>> -> memref<32x128xf32, #tpu.memory_space<vmem>>
      %dma_start3A_1079 = arith.constant 0 : i32
      %dma_start3A_1080 = tpu.memref_slice %arg4[%dma_start3A_1079, %multiple_of3A_1060] : memref<32x1000000xf32, #tpu.memory_space<hbm>> -> memref<32x128xf32, #tpu.memory_space<hbm>>
      tpu.enqueue_dma source(%dma_start3A_1080 : memref<32x128xf32, #tpu.memory_space<hbm>>) target(%dma_start3A_1078 : memref<32x128xf32, #tpu.memory_space<vmem>>) target_semaphore(%arg12 : memref<!tpu.dma_semaphore, #tpu.memory_space<semaphore_mem>>)
      %dma_start3A_1081 = arith.constant 6 : i32
      %dma_start3A_1082 = arith.constant 0 : i32
      %dma_start3A_1083 = arith.constant 0 : i32
      %dma_start3A_1084 = tpu.memref_slice %arg10[%dma_start3A_1081, %dma_start3A_1082, %dma_start3A_1083] : memref<8x32x128xf32, #tpu.memory_space<vmem>> -> memref<1x32x128xf32, #tpu.memory_space<vmem>>
      %dma_start3A_1085 = tpu.memref_squeeze %dma_start3A_1084 : memref<1x32x128xf32, #tpu.memory_space<vmem>> -> memref<32x128xf32, #tpu.memory_space<vmem>>
      %dma_start3A_1086 = arith.constant 0 : i32
      %dma_start3A_1087 = tpu.memref_slice %arg5[%dma_start3A_1086, %multiple_of3A_1063] : memref<32x1000000xf32, #tpu.memory_space<hbm>> -> memref<32x128xf32, #tpu.memory_space<hbm>>
      %dma_start3A_1088 = arith.constant 0 : i32
      %dma_start3A_1089 = arith.constant 0 : i32
      %dma_start3A_1090 = tpu.memref_slice %arg10[%dma_start3A_1081, %dma_start3A_1088, %dma_start3A_1089] : memref<8x32x128xf32, #tpu.memory_space<vmem>> -> memref<1x32x128xf32, #tpu.memory_space<vmem>>
      %dma_start3A_1091 = tpu.memref_squeeze %dma_start3A_1090 : memref<1x32x128xf32, #tpu.memory_space<vmem>> -> memref<32x128xf32, #tpu.memory_space<vmem>>
      %dma_start3A_1092 = arith.constant 0 : i32
      %dma_start3A_1093 = tpu.memref_slice %arg5[%dma_start3A_1092, %multiple_of3A_1063] : memref<32x1000000xf32, #tpu.memory_space<hbm>> -> memref<32x128xf32, #tpu.memory_space<hbm>>
      tpu.enqueue_dma source(%dma_start3A_1093 : memref<32x128xf32, #tpu.memory_space<hbm>>) target(%dma_start3A_1091 : memref<32x128xf32, #tpu.memory_space<vmem>>) target_semaphore(%arg12 : memref<!tpu.dma_semaphore, #tpu.memory_space<semaphore_mem>>)
      %slice3A_1094 = vector.extract_strided_slice %and3A_22 {offsets = [15], sizes = [1], strides = [1]} : vector<16xi32> to vector<1xi32>
      %squeeze3A_1095 = vector.extract %slice3A_1094[0] : i32 from vector<1xi32>
      %multiple_of3A_1096 = tpu.assume_multiple %squeeze3A_1095, 128 : i32
      %slice3A_1097 = vector.extract_strided_slice %and3A_25 {offsets = [15], sizes = [1], strides = [1]} : vector<16xi32> to vector<1xi32>
      %squeeze3A_1098 = vector.extract %slice3A_1097[0] : i32 from vector<1xi32>
      %multiple_of3A_1099 = tpu.assume_multiple %squeeze3A_1098, 128 : i32
      %slice3A_1100 = vector.extract_strided_slice %sub3A {offsets = [15], sizes = [1], strides = [1]} : vector<16xi32> to vector<1xi32>
      %squeeze3A_1101 = vector.extract %slice3A_1100[0] : i32 from vector<1xi32>
      %slice3A_1102 = vector.extract_strided_slice %sub3A_26 {offsets = [15], sizes = [1], strides = [1]} : vector<16xi32> to vector<1xi32>
      %squeeze3A_1103 = vector.extract %slice3A_1102[0] : i32 from vector<1xi32>
      %dma_start3A_1104 = arith.constant 7 : i32
      %dma_start3A_1105 = arith.constant 0 : i32
      %dma_start3A_1106 = arith.constant 0 : i32
      %dma_start3A_1107 = tpu.memref_slice %arg9[%dma_start3A_1104, %dma_start3A_1105, %dma_start3A_1106] : memref<8x32x128xf32, #tpu.memory_space<vmem>> -> memref<1x32x128xf32, #tpu.memory_space<vmem>>
      %dma_start3A_1108 = tpu.memref_squeeze %dma_start3A_1107 : memref<1x32x128xf32, #tpu.memory_space<vmem>> -> memref<32x128xf32, #tpu.memory_space<vmem>>
      %dma_start3A_1109 = arith.constant 0 : i32
      %dma_start3A_1110 = tpu.memref_slice %arg4[%dma_start3A_1109, %multiple_of3A_1096] : memref<32x1000000xf32, #tpu.memory_space<hbm>> -> memref<32x128xf32, #tpu.memory_space<hbm>>
      %dma_start3A_1111 = arith.constant 0 : i32
      %dma_start3A_1112 = arith.constant 0 : i32
      %dma_start3A_1113 = tpu.memref_slice %arg9[%dma_start3A_1104, %dma_start3A_1111, %dma_start3A_1112] : memref<8x32x128xf32, #tpu.memory_space<vmem>> -> memref<1x32x128xf32, #tpu.memory_space<vmem>>
      %dma_start3A_1114 = tpu.memref_squeeze %dma_start3A_1113 : memref<1x32x128xf32, #tpu.memory_space<vmem>> -> memref<32x128xf32, #tpu.memory_space<vmem>>
      %dma_start3A_1115 = arith.constant 0 : i32
      %dma_start3A_1116 = tpu.memref_slice %arg4[%dma_start3A_1115, %multiple_of3A_1096] : memref<32x1000000xf32, #tpu.memory_space<hbm>> -> memref<32x128xf32, #tpu.memory_space<hbm>>
      tpu.enqueue_dma source(%dma_start3A_1116 : memref<32x128xf32, #tpu.memory_space<hbm>>) target(%dma_start3A_1114 : memref<32x128xf32, #tpu.memory_space<vmem>>) target_semaphore(%arg12 : memref<!tpu.dma_semaphore, #tpu.memory_space<semaphore_mem>>)
      %dma_start3A_1117 = arith.constant 7 : i32
      %dma_start3A_1118 = arith.constant 0 : i32
      %dma_start3A_1119 = arith.constant 0 : i32
      %dma_start3A_1120 = tpu.memref_slice %arg10[%dma_start3A_1117, %dma_start3A_1118, %dma_start3A_1119] : memref<8x32x128xf32, #tpu.memory_space<vmem>> -> memref<1x32x128xf32, #tpu.memory_space<vmem>>
      %dma_start3A_1121 = tpu.memref_squeeze %dma_start3A_1120 : memref<1x32x128xf32, #tpu.memory_space<vmem>> -> memref<32x128xf32, #tpu.memory_space<vmem>>
      %dma_start3A_1122 = arith.constant 0 : i32
      %dma_start3A_1123 = tpu.memref_slice %arg5[%dma_start3A_1122, %multiple_of3A_1099] : memref<32x1000000xf32, #tpu.memory_space<hbm>> -> memref<32x128xf32, #tpu.memory_space<hbm>>
      %dma_start3A_1124 = arith.constant 0 : i32
      %dma_start3A_1125 = arith.constant 0 : i32
      %dma_start3A_1126 = tpu.memref_slice %arg10[%dma_start3A_1117, %dma_start3A_1124, %dma_start3A_1125] : memref<8x32x128xf32, #tpu.memory_space<vmem>> -> memref<1x32x128xf32, #tpu.memory_space<vmem>>
      %dma_start3A_1127 = tpu.memref_squeeze %dma_start3A_1126 : memref<1x32x128xf32, #tpu.memory_space<vmem>> -> memref<32x128xf32, #tpu.memory_space<vmem>>
      %dma_start3A_1128 = arith.constant 0 : i32
      %dma_start3A_1129 = tpu.memref_slice %arg5[%dma_start3A_1128, %multiple_of3A_1099] : memref<32x1000000xf32, #tpu.memory_space<hbm>> -> memref<32x128xf32, #tpu.memory_space<hbm>>
      tpu.enqueue_dma source(%dma_start3A_1129 : memref<32x128xf32, #tpu.memory_space<hbm>>) target(%dma_start3A_1127 : memref<32x128xf32, #tpu.memory_space<vmem>>) target_semaphore(%arg12 : memref<!tpu.dma_semaphore, #tpu.memory_space<semaphore_mem>>)
      %dma_wait3A_1130 = arith.constant 0 : i32
      %dma_wait3A_1131 = arith.constant 0 : i32
      %dma_wait3A_1132 = arith.constant 0 : i32
      %dma_wait3A_1133 = tpu.memref_slice %arg9[%dma_wait3A_1130, %dma_wait3A_1131, %dma_wait3A_1132] : memref<8x32x128xf32, #tpu.memory_space<vmem>> -> memref<1x32x128xf32, #tpu.memory_space<vmem>>
      %dma_wait3A_1134 = tpu.memref_squeeze %dma_wait3A_1133 : memref<1x32x128xf32, #tpu.memory_space<vmem>> -> memref<32x128xf32, #tpu.memory_space<vmem>>
      %dma_wait3A_1135 = arith.constant 0 : i32
      %dma_wait3A_1136 = tpu.memref_slice %arg4[%dma_wait3A_1135, %multiple_of3A_844] : memref<32x1000000xf32, #tpu.memory_space<hbm>> -> memref<32x128xf32, #tpu.memory_space<hbm>>
      %dma_wait3A_1137 = arith.constant 0 : i32
      %dma_wait3A_1138 = arith.constant 0 : i32
      %dma_wait3A_1139 = tpu.memref_slice %arg9[%dma_wait3A_1130, %dma_wait3A_1137, %dma_wait3A_1138] : memref<8x32x128xf32, #tpu.memory_space<vmem>> -> memref<1x32x128xf32, #tpu.memory_space<vmem>>
      %dma_wait3A_1140 = tpu.memref_squeeze %dma_wait3A_1139 : memref<1x32x128xf32, #tpu.memory_space<vmem>> -> memref<32x128xf32, #tpu.memory_space<vmem>>
      %dma_wait3A_1141 = arith.constant 0 : i32
      %dma_wait3A_1142 = tpu.memref_slice %arg4[%dma_wait3A_1141, %multiple_of3A_844] : memref<32x1000000xf32, #tpu.memory_space<hbm>> -> memref<32x128xf32, #tpu.memory_space<hbm>>
      tpu.wait_dma2 semaphore(%arg12 : memref<!tpu.dma_semaphore, #tpu.memory_space<semaphore_mem>>) src(%dma_wait3A_1142 : memref<32x128xf32, #tpu.memory_space<hbm>>) dst(%dma_wait3A_1140 : memref<32x128xf32, #tpu.memory_space<vmem>>)
      %dma_wait3A_1143 = arith.constant 0 : i32
      %dma_wait3A_1144 = arith.constant 0 : i32
      %dma_wait3A_1145 = arith.constant 0 : i32
      %dma_wait3A_1146 = tpu.memref_slice %arg10[%dma_wait3A_1143, %dma_wait3A_1144, %dma_wait3A_1145] : memref<8x32x128xf32, #tpu.memory_space<vmem>> -> memref<1x32x128xf32, #tpu.memory_space<vmem>>
      %dma_wait3A_1147 = tpu.memref_squeeze %dma_wait3A_1146 : memref<1x32x128xf32, #tpu.memory_space<vmem>> -> memref<32x128xf32, #tpu.memory_space<vmem>>
      %dma_wait3A_1148 = arith.constant 0 : i32
      %dma_wait3A_1149 = tpu.memref_slice %arg5[%dma_wait3A_1148, %multiple_of3A_847] : memref<32x1000000xf32, #tpu.memory_space<hbm>> -> memref<32x128xf32, #tpu.memory_space<hbm>>
      %dma_wait3A_1150 = arith.constant 0 : i32
      %dma_wait3A_1151 = arith.constant 0 : i32
      %dma_wait3A_1152 = tpu.memref_slice %arg10[%dma_wait3A_1143, %dma_wait3A_1150, %dma_wait3A_1151] : memref<8x32x128xf32, #tpu.memory_space<vmem>> -> memref<1x32x128xf32, #tpu.memory_space<vmem>>
      %dma_wait3A_1153 = tpu.memref_squeeze %dma_wait3A_1152 : memref<1x32x128xf32, #tpu.memory_space<vmem>> -> memref<32x128xf32, #tpu.memory_space<vmem>>
      %dma_wait3A_1154 = arith.constant 0 : i32
      %dma_wait3A_1155 = tpu.memref_slice %arg5[%dma_wait3A_1154, %multiple_of3A_847] : memref<32x1000000xf32, #tpu.memory_space<hbm>> -> memref<32x128xf32, #tpu.memory_space<hbm>>
      tpu.wait_dma2 semaphore(%arg12 : memref<!tpu.dma_semaphore, #tpu.memory_space<semaphore_mem>>) src(%dma_wait3A_1155 : memref<32x128xf32, #tpu.memory_space<hbm>>) dst(%dma_wait3A_1153 : memref<32x128xf32, #tpu.memory_space<vmem>>)
      %dma_wait3A_1156 = arith.constant 1 : i32
      %dma_wait3A_1157 = arith.constant 0 : i32
      %dma_wait3A_1158 = arith.constant 0 : i32
      %dma_wait3A_1159 = tpu.memref_slice %arg9[%dma_wait3A_1156, %dma_wait3A_1157, %dma_wait3A_1158] : memref<8x32x128xf32, #tpu.memory_space<vmem>> -> memref<1x32x128xf32, #tpu.memory_space<vmem>>
      %dma_wait3A_1160 = tpu.memref_squeeze %dma_wait3A_1159 : memref<1x32x128xf32, #tpu.memory_space<vmem>> -> memref<32x128xf32, #tpu.memory_space<vmem>>
      %dma_wait3A_1161 = arith.constant 0 : i32
      %dma_wait3A_1162 = tpu.memref_slice %arg4[%dma_wait3A_1161, %multiple_of3A_880] : memref<32x1000000xf32, #tpu.memory_space<hbm>> -> memref<32x128xf32, #tpu.memory_space<hbm>>
      %dma_wait3A_1163 = arith.constant 0 : i32
      %dma_wait3A_1164 = arith.constant 0 : i32
      %dma_wait3A_1165 = tpu.memref_slice %arg9[%dma_wait3A_1156, %dma_wait3A_1163, %dma_wait3A_1164] : memref<8x32x128xf32, #tpu.memory_space<vmem>> -> memref<1x32x128xf32, #tpu.memory_space<vmem>>
      %dma_wait3A_1166 = tpu.memref_squeeze %dma_wait3A_1165 : memref<1x32x128xf32, #tpu.memory_space<vmem>> -> memref<32x128xf32, #tpu.memory_space<vmem>>
      %dma_wait3A_1167 = arith.constant 0 : i32
      %dma_wait3A_1168 = tpu.memref_slice %arg4[%dma_wait3A_1167, %multiple_of3A_880] : memref<32x1000000xf32, #tpu.memory_space<hbm>> -> memref<32x128xf32, #tpu.memory_space<hbm>>
      tpu.wait_dma2 semaphore(%arg12 : memref<!tpu.dma_semaphore, #tpu.memory_space<semaphore_mem>>) src(%dma_wait3A_1168 : memref<32x128xf32, #tpu.memory_space<hbm>>) dst(%dma_wait3A_1166 : memref<32x128xf32, #tpu.memory_space<vmem>>)
      %dma_wait3A_1169 = arith.constant 1 : i32
      %dma_wait3A_1170 = arith.constant 0 : i32
      %dma_wait3A_1171 = arith.constant 0 : i32
      %dma_wait3A_1172 = tpu.memref_slice %arg10[%dma_wait3A_1169, %dma_wait3A_1170, %dma_wait3A_1171] : memref<8x32x128xf32, #tpu.memory_space<vmem>> -> memref<1x32x128xf32, #tpu.memory_space<vmem>>
      %dma_wait3A_1173 = tpu.memref_squeeze %dma_wait3A_1172 : memref<1x32x128xf32, #tpu.memory_space<vmem>> -> memref<32x128xf32, #tpu.memory_space<vmem>>
      %dma_wait3A_1174 = arith.constant 0 : i32
      %dma_wait3A_1175 = tpu.memref_slice %arg5[%dma_wait3A_1174, %multiple_of3A_883] : memref<32x1000000xf32, #tpu.memory_space<hbm>> -> memref<32x128xf32, #tpu.memory_space<hbm>>
      %dma_wait3A_1176 = arith.constant 0 : i32
      %dma_wait3A_1177 = arith.constant 0 : i32
      %dma_wait3A_1178 = tpu.memref_slice %arg10[%dma_wait3A_1169, %dma_wait3A_1176, %dma_wait3A_1177] : memref<8x32x128xf32, #tpu.memory_space<vmem>> -> memref<1x32x128xf32, #tpu.memory_space<vmem>>
      %dma_wait3A_1179 = tpu.memref_squeeze %dma_wait3A_1178 : memref<1x32x128xf32, #tpu.memory_space<vmem>> -> memref<32x128xf32, #tpu.memory_space<vmem>>
      %dma_wait3A_1180 = arith.constant 0 : i32
      %dma_wait3A_1181 = tpu.memref_slice %arg5[%dma_wait3A_1180, %multiple_of3A_883] : memref<32x1000000xf32, #tpu.memory_space<hbm>> -> memref<32x128xf32, #tpu.memory_space<hbm>>
      tpu.wait_dma2 semaphore(%arg12 : memref<!tpu.dma_semaphore, #tpu.memory_space<semaphore_mem>>) src(%dma_wait3A_1181 : memref<32x128xf32, #tpu.memory_space<hbm>>) dst(%dma_wait3A_1179 : memref<32x128xf32, #tpu.memory_space<vmem>>)
      %dma_wait3A_1182 = arith.constant 2 : i32
      %dma_wait3A_1183 = arith.constant 0 : i32
      %dma_wait3A_1184 = arith.constant 0 : i32
      %dma_wait3A_1185 = tpu.memref_slice %arg9[%dma_wait3A_1182, %dma_wait3A_1183, %dma_wait3A_1184] : memref<8x32x128xf32, #tpu.memory_space<vmem>> -> memref<1x32x128xf32, #tpu.memory_space<vmem>>
      %dma_wait3A_1186 = tpu.memref_squeeze %dma_wait3A_1185 : memref<1x32x128xf32, #tpu.memory_space<vmem>> -> memref<32x128xf32, #tpu.memory_space<vmem>>
      %dma_wait3A_1187 = arith.constant 0 : i32
      %dma_wait3A_1188 = tpu.memref_slice %arg4[%dma_wait3A_1187, %multiple_of3A_916] : memref<32x1000000xf32, #tpu.memory_space<hbm>> -> memref<32x128xf32, #tpu.memory_space<hbm>>
      %dma_wait3A_1189 = arith.constant 0 : i32
      %dma_wait3A_1190 = arith.constant 0 : i32
      %dma_wait3A_1191 = tpu.memref_slice %arg9[%dma_wait3A_1182, %dma_wait3A_1189, %dma_wait3A_1190] : memref<8x32x128xf32, #tpu.memory_space<vmem>> -> memref<1x32x128xf32, #tpu.memory_space<vmem>>
      %dma_wait3A_1192 = tpu.memref_squeeze %dma_wait3A_1191 : memref<1x32x128xf32, #tpu.memory_space<vmem>> -> memref<32x128xf32, #tpu.memory_space<vmem>>
      %dma_wait3A_1193 = arith.constant 0 : i32
      %dma_wait3A_1194 = tpu.memref_slice %arg4[%dma_wait3A_1193, %multiple_of3A_916] : memref<32x1000000xf32, #tpu.memory_space<hbm>> -> memref<32x128xf32, #tpu.memory_space<hbm>>
      tpu.wait_dma2 semaphore(%arg12 : memref<!tpu.dma_semaphore, #tpu.memory_space<semaphore_mem>>) src(%dma_wait3A_1194 : memref<32x128xf32, #tpu.memory_space<hbm>>) dst(%dma_wait3A_1192 : memref<32x128xf32, #tpu.memory_space<vmem>>)
      %dma_wait3A_1195 = arith.constant 2 : i32
      %dma_wait3A_1196 = arith.constant 0 : i32
      %dma_wait3A_1197 = arith.constant 0 : i32
      %dma_wait3A_1198 = tpu.memref_slice %arg10[%dma_wait3A_1195, %dma_wait3A_1196, %dma_wait3A_1197] : memref<8x32x128xf32, #tpu.memory_space<vmem>> -> memref<1x32x128xf32, #tpu.memory_space<vmem>>
      %dma_wait3A_1199 = tpu.memref_squeeze %dma_wait3A_1198 : memref<1x32x128xf32, #tpu.memory_space<vmem>> -> memref<32x128xf32, #tpu.memory_space<vmem>>
      %dma_wait3A_1200 = arith.constant 0 : i32
      %dma_wait3A_1201 = tpu.memref_slice %arg5[%dma_wait3A_1200, %multiple_of3A_919] : memref<32x1000000xf32, #tpu.memory_space<hbm>> -> memref<32x128xf32, #tpu.memory_space<hbm>>
      %dma_wait3A_1202 = arith.constant 0 : i32
      %dma_wait3A_1203 = arith.constant 0 : i32
      %dma_wait3A_1204 = tpu.memref_slice %arg10[%dma_wait3A_1195, %dma_wait3A_1202, %dma_wait3A_1203] : memref<8x32x128xf32, #tpu.memory_space<vmem>> -> memref<1x32x128xf32, #tpu.memory_space<vmem>>
      %dma_wait3A_1205 = tpu.memref_squeeze %dma_wait3A_1204 : memref<1x32x128xf32, #tpu.memory_space<vmem>> -> memref<32x128xf32, #tpu.memory_space<vmem>>
      %dma_wait3A_1206 = arith.constant 0 : i32
      %dma_wait3A_1207 = tpu.memref_slice %arg5[%dma_wait3A_1206, %multiple_of3A_919] : memref<32x1000000xf32, #tpu.memory_space<hbm>> -> memref<32x128xf32, #tpu.memory_space<hbm>>
      tpu.wait_dma2 semaphore(%arg12 : memref<!tpu.dma_semaphore, #tpu.memory_space<semaphore_mem>>) src(%dma_wait3A_1207 : memref<32x128xf32, #tpu.memory_space<hbm>>) dst(%dma_wait3A_1205 : memref<32x128xf32, #tpu.memory_space<vmem>>)
      %dma_wait3A_1208 = arith.constant 3 : i32
      %dma_wait3A_1209 = arith.constant 0 : i32
      %dma_wait3A_1210 = arith.constant 0 : i32
      %dma_wait3A_1211 = tpu.memref_slice %arg9[%dma_wait3A_1208, %dma_wait3A_1209, %dma_wait3A_1210] : memref<8x32x128xf32, #tpu.memory_space<vmem>> -> memref<1x32x128xf32, #tpu.memory_space<vmem>>
      %dma_wait3A_1212 = tpu.memref_squeeze %dma_wait3A_1211 : memref<1x32x128xf32, #tpu.memory_space<vmem>> -> memref<32x128xf32, #tpu.memory_space<vmem>>
      %dma_wait3A_1213 = arith.constant 0 : i32
      %dma_wait3A_1214 = tpu.memref_slice %arg4[%dma_wait3A_1213, %multiple_of3A_952] : memref<32x1000000xf32, #tpu.memory_space<hbm>> -> memref<32x128xf32, #tpu.memory_space<hbm>>
      %dma_wait3A_1215 = arith.constant 0 : i32
      %dma_wait3A_1216 = arith.constant 0 : i32
      %dma_wait3A_1217 = tpu.memref_slice %arg9[%dma_wait3A_1208, %dma_wait3A_1215, %dma_wait3A_1216] : memref<8x32x128xf32, #tpu.memory_space<vmem>> -> memref<1x32x128xf32, #tpu.memory_space<vmem>>
      %dma_wait3A_1218 = tpu.memref_squeeze %dma_wait3A_1217 : memref<1x32x128xf32, #tpu.memory_space<vmem>> -> memref<32x128xf32, #tpu.memory_space<vmem>>
      %dma_wait3A_1219 = arith.constant 0 : i32
      %dma_wait3A_1220 = tpu.memref_slice %arg4[%dma_wait3A_1219, %multiple_of3A_952] : memref<32x1000000xf32, #tpu.memory_space<hbm>> -> memref<32x128xf32, #tpu.memory_space<hbm>>
      tpu.wait_dma2 semaphore(%arg12 : memref<!tpu.dma_semaphore, #tpu.memory_space<semaphore_mem>>) src(%dma_wait3A_1220 : memref<32x128xf32, #tpu.memory_space<hbm>>) dst(%dma_wait3A_1218 : memref<32x128xf32, #tpu.memory_space<vmem>>)
      %dma_wait3A_1221 = arith.constant 3 : i32
      %dma_wait3A_1222 = arith.constant 0 : i32
      %dma_wait3A_1223 = arith.constant 0 : i32
      %dma_wait3A_1224 = tpu.memref_slice %arg10[%dma_wait3A_1221, %dma_wait3A_1222, %dma_wait3A_1223] : memref<8x32x128xf32, #tpu.memory_space<vmem>> -> memref<1x32x128xf32, #tpu.memory_space<vmem>>
      %dma_wait3A_1225 = tpu.memref_squeeze %dma_wait3A_1224 : memref<1x32x128xf32, #tpu.memory_space<vmem>> -> memref<32x128xf32, #tpu.memory_space<vmem>>
      %dma_wait3A_1226 = arith.constant 0 : i32
      %dma_wait3A_1227 = tpu.memref_slice %arg5[%dma_wait3A_1226, %multiple_of3A_955] : memref<32x1000000xf32, #tpu.memory_space<hbm>> -> memref<32x128xf32, #tpu.memory_space<hbm>>
      %dma_wait3A_1228 = arith.constant 0 : i32
      %dma_wait3A_1229 = arith.constant 0 : i32
      %dma_wait3A_1230 = tpu.memref_slice %arg10[%dma_wait3A_1221, %dma_wait3A_1228, %dma_wait3A_1229] : memref<8x32x128xf32, #tpu.memory_space<vmem>> -> memref<1x32x128xf32, #tpu.memory_space<vmem>>
      %dma_wait3A_1231 = tpu.memref_squeeze %dma_wait3A_1230 : memref<1x32x128xf32, #tpu.memory_space<vmem>> -> memref<32x128xf32, #tpu.memory_space<vmem>>
      %dma_wait3A_1232 = arith.constant 0 : i32
      %dma_wait3A_1233 = tpu.memref_slice %arg5[%dma_wait3A_1232, %multiple_of3A_955] : memref<32x1000000xf32, #tpu.memory_space<hbm>> -> memref<32x128xf32, #tpu.memory_space<hbm>>
      tpu.wait_dma2 semaphore(%arg12 : memref<!tpu.dma_semaphore, #tpu.memory_space<semaphore_mem>>) src(%dma_wait3A_1233 : memref<32x128xf32, #tpu.memory_space<hbm>>) dst(%dma_wait3A_1231 : memref<32x128xf32, #tpu.memory_space<vmem>>)
      %dma_wait3A_1234 = arith.constant 4 : i32
      %dma_wait3A_1235 = arith.constant 0 : i32
      %dma_wait3A_1236 = arith.constant 0 : i32
      %dma_wait3A_1237 = tpu.memref_slice %arg9[%dma_wait3A_1234, %dma_wait3A_1235, %dma_wait3A_1236] : memref<8x32x128xf32, #tpu.memory_space<vmem>> -> memref<1x32x128xf32, #tpu.memory_space<vmem>>
      %dma_wait3A_1238 = tpu.memref_squeeze %dma_wait3A_1237 : memref<1x32x128xf32, #tpu.memory_space<vmem>> -> memref<32x128xf32, #tpu.memory_space<vmem>>
      %dma_wait3A_1239 = arith.constant 0 : i32
      %dma_wait3A_1240 = tpu.memref_slice %arg4[%dma_wait3A_1239, %multiple_of3A_988] : memref<32x1000000xf32, #tpu.memory_space<hbm>> -> memref<32x128xf32, #tpu.memory_space<hbm>>
      %dma_wait3A_1241 = arith.constant 0 : i32
      %dma_wait3A_1242 = arith.constant 0 : i32
      %dma_wait3A_1243 = tpu.memref_slice %arg9[%dma_wait3A_1234, %dma_wait3A_1241, %dma_wait3A_1242] : memref<8x32x128xf32, #tpu.memory_space<vmem>> -> memref<1x32x128xf32, #tpu.memory_space<vmem>>
      %dma_wait3A_1244 = tpu.memref_squeeze %dma_wait3A_1243 : memref<1x32x128xf32, #tpu.memory_space<vmem>> -> memref<32x128xf32, #tpu.memory_space<vmem>>
      %dma_wait3A_1245 = arith.constant 0 : i32
      %dma_wait3A_1246 = tpu.memref_slice %arg4[%dma_wait3A_1245, %multiple_of3A_988] : memref<32x1000000xf32, #tpu.memory_space<hbm>> -> memref<32x128xf32, #tpu.memory_space<hbm>>
      tpu.wait_dma2 semaphore(%arg12 : memref<!tpu.dma_semaphore, #tpu.memory_space<semaphore_mem>>) src(%dma_wait3A_1246 : memref<32x128xf32, #tpu.memory_space<hbm>>) dst(%dma_wait3A_1244 : memref<32x128xf32, #tpu.memory_space<vmem>>)
      %dma_wait3A_1247 = arith.constant 4 : i32
      %dma_wait3A_1248 = arith.constant 0 : i32
      %dma_wait3A_1249 = arith.constant 0 : i32
      %dma_wait3A_1250 = tpu.memref_slice %arg10[%dma_wait3A_1247, %dma_wait3A_1248, %dma_wait3A_1249] : memref<8x32x128xf32, #tpu.memory_space<vmem>> -> memref<1x32x128xf32, #tpu.memory_space<vmem>>
      %dma_wait3A_1251 = tpu.memref_squeeze %dma_wait3A_1250 : memref<1x32x128xf32, #tpu.memory_space<vmem>> -> memref<32x128xf32, #tpu.memory_space<vmem>>
      %dma_wait3A_1252 = arith.constant 0 : i32
      %dma_wait3A_1253 = tpu.memref_slice %arg5[%dma_wait3A_1252, %multiple_of3A_991] : memref<32x1000000xf32, #tpu.memory_space<hbm>> -> memref<32x128xf32, #tpu.memory_space<hbm>>
      %dma_wait3A_1254 = arith.constant 0 : i32
      %dma_wait3A_1255 = arith.constant 0 : i32
      %dma_wait3A_1256 = tpu.memref_slice %arg10[%dma_wait3A_1247, %dma_wait3A_1254, %dma_wait3A_1255] : memref<8x32x128xf32, #tpu.memory_space<vmem>> -> memref<1x32x128xf32, #tpu.memory_space<vmem>>
      %dma_wait3A_1257 = tpu.memref_squeeze %dma_wait3A_1256 : memref<1x32x128xf32, #tpu.memory_space<vmem>> -> memref<32x128xf32, #tpu.memory_space<vmem>>
      %dma_wait3A_1258 = arith.constant 0 : i32
      %dma_wait3A_1259 = tpu.memref_slice %arg5[%dma_wait3A_1258, %multiple_of3A_991] : memref<32x1000000xf32, #tpu.memory_space<hbm>> -> memref<32x128xf32, #tpu.memory_space<hbm>>
      tpu.wait_dma2 semaphore(%arg12 : memref<!tpu.dma_semaphore, #tpu.memory_space<semaphore_mem>>) src(%dma_wait3A_1259 : memref<32x128xf32, #tpu.memory_space<hbm>>) dst(%dma_wait3A_1257 : memref<32x128xf32, #tpu.memory_space<vmem>>)
      %dma_wait3A_1260 = arith.constant 5 : i32
      %dma_wait3A_1261 = arith.constant 0 : i32
      %dma_wait3A_1262 = arith.constant 0 : i32
      %dma_wait3A_1263 = tpu.memref_slice %arg9[%dma_wait3A_1260, %dma_wait3A_1261, %dma_wait3A_1262] : memref<8x32x128xf32, #tpu.memory_space<vmem>> -> memref<1x32x128xf32, #tpu.memory_space<vmem>>
      %dma_wait3A_1264 = tpu.memref_squeeze %dma_wait3A_1263 : memref<1x32x128xf32, #tpu.memory_space<vmem>> -> memref<32x128xf32, #tpu.memory_space<vmem>>
      %dma_wait3A_1265 = arith.constant 0 : i32
      %dma_wait3A_1266 = tpu.memref_slice %arg4[%dma_wait3A_1265, %multiple_of3A_1024] : memref<32x1000000xf32, #tpu.memory_space<hbm>> -> memref<32x128xf32, #tpu.memory_space<hbm>>
      %dma_wait3A_1267 = arith.constant 0 : i32
      %dma_wait3A_1268 = arith.constant 0 : i32
      %dma_wait3A_1269 = tpu.memref_slice %arg9[%dma_wait3A_1260, %dma_wait3A_1267, %dma_wait3A_1268] : memref<8x32x128xf32, #tpu.memory_space<vmem>> -> memref<1x32x128xf32, #tpu.memory_space<vmem>>
      %dma_wait3A_1270 = tpu.memref_squeeze %dma_wait3A_1269 : memref<1x32x128xf32, #tpu.memory_space<vmem>> -> memref<32x128xf32, #tpu.memory_space<vmem>>
      %dma_wait3A_1271 = arith.constant 0 : i32
      %dma_wait3A_1272 = tpu.memref_slice %arg4[%dma_wait3A_1271, %multiple_of3A_1024] : memref<32x1000000xf32, #tpu.memory_space<hbm>> -> memref<32x128xf32, #tpu.memory_space<hbm>>
      tpu.wait_dma2 semaphore(%arg12 : memref<!tpu.dma_semaphore, #tpu.memory_space<semaphore_mem>>) src(%dma_wait3A_1272 : memref<32x128xf32, #tpu.memory_space<hbm>>) dst(%dma_wait3A_1270 : memref<32x128xf32, #tpu.memory_space<vmem>>)
      %dma_wait3A_1273 = arith.constant 5 : i32
      %dma_wait3A_1274 = arith.constant 0 : i32
      %dma_wait3A_1275 = arith.constant 0 : i32
      %dma_wait3A_1276 = tpu.memref_slice %arg10[%dma_wait3A_1273, %dma_wait3A_1274, %dma_wait3A_1275] : memref<8x32x128xf32, #tpu.memory_space<vmem>> -> memref<1x32x128xf32, #tpu.memory_space<vmem>>
      %dma_wait3A_1277 = tpu.memref_squeeze %dma_wait3A_1276 : memref<1x32x128xf32, #tpu.memory_space<vmem>> -> memref<32x128xf32, #tpu.memory_space<vmem>>
      %dma_wait3A_1278 = arith.constant 0 : i32
      %dma_wait3A_1279 = tpu.memref_slice %arg5[%dma_wait3A_1278, %multiple_of3A_1027] : memref<32x1000000xf32, #tpu.memory_space<hbm>> -> memref<32x128xf32, #tpu.memory_space<hbm>>
      %dma_wait3A_1280 = arith.constant 0 : i32
      %dma_wait3A_1281 = arith.constant 0 : i32
      %dma_wait3A_1282 = tpu.memref_slice %arg10[%dma_wait3A_1273, %dma_wait3A_1280, %dma_wait3A_1281] : memref<8x32x128xf32, #tpu.memory_space<vmem>> -> memref<1x32x128xf32, #tpu.memory_space<vmem>>
      %dma_wait3A_1283 = tpu.memref_squeeze %dma_wait3A_1282 : memref<1x32x128xf32, #tpu.memory_space<vmem>> -> memref<32x128xf32, #tpu.memory_space<vmem>>
      %dma_wait3A_1284 = arith.constant 0 : i32
      %dma_wait3A_1285 = tpu.memref_slice %arg5[%dma_wait3A_1284, %multiple_of3A_1027] : memref<32x1000000xf32, #tpu.memory_space<hbm>> -> memref<32x128xf32, #tpu.memory_space<hbm>>
      tpu.wait_dma2 semaphore(%arg12 : memref<!tpu.dma_semaphore, #tpu.memory_space<semaphore_mem>>) src(%dma_wait3A_1285 : memref<32x128xf32, #tpu.memory_space<hbm>>) dst(%dma_wait3A_1283 : memref<32x128xf32, #tpu.memory_space<vmem>>)
      %dma_wait3A_1286 = arith.constant 6 : i32
      %dma_wait3A_1287 = arith.constant 0 : i32
      %dma_wait3A_1288 = arith.constant 0 : i32
      %dma_wait3A_1289 = tpu.memref_slice %arg9[%dma_wait3A_1286, %dma_wait3A_1287, %dma_wait3A_1288] : memref<8x32x128xf32, #tpu.memory_space<vmem>> -> memref<1x32x128xf32, #tpu.memory_space<vmem>>
      %dma_wait3A_1290 = tpu.memref_squeeze %dma_wait3A_1289 : memref<1x32x128xf32, #tpu.memory_space<vmem>> -> memref<32x128xf32, #tpu.memory_space<vmem>>
      %dma_wait3A_1291 = arith.constant 0 : i32
      %dma_wait3A_1292 = tpu.memref_slice %arg4[%dma_wait3A_1291, %multiple_of3A_1060] : memref<32x1000000xf32, #tpu.memory_space<hbm>> -> memref<32x128xf32, #tpu.memory_space<hbm>>
      %dma_wait3A_1293 = arith.constant 0 : i32
      %dma_wait3A_1294 = arith.constant 0 : i32
      %dma_wait3A_1295 = tpu.memref_slice %arg9[%dma_wait3A_1286, %dma_wait3A_1293, %dma_wait3A_1294] : memref<8x32x128xf32, #tpu.memory_space<vmem>> -> memref<1x32x128xf32, #tpu.memory_space<vmem>>
      %dma_wait3A_1296 = tpu.memref_squeeze %dma_wait3A_1295 : memref<1x32x128xf32, #tpu.memory_space<vmem>> -> memref<32x128xf32, #tpu.memory_space<vmem>>
      %dma_wait3A_1297 = arith.constant 0 : i32
      %dma_wait3A_1298 = tpu.memref_slice %arg4[%dma_wait3A_1297, %multiple_of3A_1060] : memref<32x1000000xf32, #tpu.memory_space<hbm>> -> memref<32x128xf32, #tpu.memory_space<hbm>>
      tpu.wait_dma2 semaphore(%arg12 : memref<!tpu.dma_semaphore, #tpu.memory_space<semaphore_mem>>) src(%dma_wait3A_1298 : memref<32x128xf32, #tpu.memory_space<hbm>>) dst(%dma_wait3A_1296 : memref<32x128xf32, #tpu.memory_space<vmem>>)
      %dma_wait3A_1299 = arith.constant 6 : i32
      %dma_wait3A_1300 = arith.constant 0 : i32
      %dma_wait3A_1301 = arith.constant 0 : i32
      %dma_wait3A_1302 = tpu.memref_slice %arg10[%dma_wait3A_1299, %dma_wait3A_1300, %dma_wait3A_1301] : memref<8x32x128xf32, #tpu.memory_space<vmem>> -> memref<1x32x128xf32, #tpu.memory_space<vmem>>
      %dma_wait3A_1303 = tpu.memref_squeeze %dma_wait3A_1302 : memref<1x32x128xf32, #tpu.memory_space<vmem>> -> memref<32x128xf32, #tpu.memory_space<vmem>>
      %dma_wait3A_1304 = arith.constant 0 : i32
      %dma_wait3A_1305 = tpu.memref_slice %arg5[%dma_wait3A_1304, %multiple_of3A_1063] : memref<32x1000000xf32, #tpu.memory_space<hbm>> -> memref<32x128xf32, #tpu.memory_space<hbm>>
      %dma_wait3A_1306 = arith.constant 0 : i32
      %dma_wait3A_1307 = arith.constant 0 : i32
      %dma_wait3A_1308 = tpu.memref_slice %arg10[%dma_wait3A_1299, %dma_wait3A_1306, %dma_wait3A_1307] : memref<8x32x128xf32, #tpu.memory_space<vmem>> -> memref<1x32x128xf32, #tpu.memory_space<vmem>>
      %dma_wait3A_1309 = tpu.memref_squeeze %dma_wait3A_1308 : memref<1x32x128xf32, #tpu.memory_space<vmem>> -> memref<32x128xf32, #tpu.memory_space<vmem>>
      %dma_wait3A_1310 = arith.constant 0 : i32
      %dma_wait3A_1311 = tpu.memref_slice %arg5[%dma_wait3A_1310, %multiple_of3A_1063] : memref<32x1000000xf32, #tpu.memory_space<hbm>> -> memref<32x128xf32, #tpu.memory_space<hbm>>
      tpu.wait_dma2 semaphore(%arg12 : memref<!tpu.dma_semaphore, #tpu.memory_space<semaphore_mem>>) src(%dma_wait3A_1311 : memref<32x128xf32, #tpu.memory_space<hbm>>) dst(%dma_wait3A_1309 : memref<32x128xf32, #tpu.memory_space<vmem>>)
      %dma_wait3A_1312 = arith.constant 7 : i32
      %dma_wait3A_1313 = arith.constant 0 : i32
      %dma_wait3A_1314 = arith.constant 0 : i32
      %dma_wait3A_1315 = tpu.memref_slice %arg9[%dma_wait3A_1312, %dma_wait3A_1313, %dma_wait3A_1314] : memref<8x32x128xf32, #tpu.memory_space<vmem>> -> memref<1x32x128xf32, #tpu.memory_space<vmem>>
      %dma_wait3A_1316 = tpu.memref_squeeze %dma_wait3A_1315 : memref<1x32x128xf32, #tpu.memory_space<vmem>> -> memref<32x128xf32, #tpu.memory_space<vmem>>
      %dma_wait3A_1317 = arith.constant 0 : i32
      %dma_wait3A_1318 = tpu.memref_slice %arg4[%dma_wait3A_1317, %multiple_of3A_1096] : memref<32x1000000xf32, #tpu.memory_space<hbm>> -> memref<32x128xf32, #tpu.memory_space<hbm>>
      %dma_wait3A_1319 = arith.constant 0 : i32
      %dma_wait3A_1320 = arith.constant 0 : i32
      %dma_wait3A_1321 = tpu.memref_slice %arg9[%dma_wait3A_1312, %dma_wait3A_1319, %dma_wait3A_1320] : memref<8x32x128xf32, #tpu.memory_space<vmem>> -> memref<1x32x128xf32, #tpu.memory_space<vmem>>
      %dma_wait3A_1322 = tpu.memref_squeeze %dma_wait3A_1321 : memref<1x32x128xf32, #tpu.memory_space<vmem>> -> memref<32x128xf32, #tpu.memory_space<vmem>>
      %dma_wait3A_1323 = arith.constant 0 : i32
      %dma_wait3A_1324 = tpu.memref_slice %arg4[%dma_wait3A_1323, %multiple_of3A_1096] : memref<32x1000000xf32, #tpu.memory_space<hbm>> -> memref<32x128xf32, #tpu.memory_space<hbm>>
      tpu.wait_dma2 semaphore(%arg12 : memref<!tpu.dma_semaphore, #tpu.memory_space<semaphore_mem>>) src(%dma_wait3A_1324 : memref<32x128xf32, #tpu.memory_space<hbm>>) dst(%dma_wait3A_1322 : memref<32x128xf32, #tpu.memory_space<vmem>>)
      %dma_wait3A_1325 = arith.constant 7 : i32
      %dma_wait3A_1326 = arith.constant 0 : i32
      %dma_wait3A_1327 = arith.constant 0 : i32
      %dma_wait3A_1328 = tpu.memref_slice %arg10[%dma_wait3A_1325, %dma_wait3A_1326, %dma_wait3A_1327] : memref<8x32x128xf32, #tpu.memory_space<vmem>> -> memref<1x32x128xf32, #tpu.memory_space<vmem>>
      %dma_wait3A_1329 = tpu.memref_squeeze %dma_wait3A_1328 : memref<1x32x128xf32, #tpu.memory_space<vmem>> -> memref<32x128xf32, #tpu.memory_space<vmem>>
      %dma_wait3A_1330 = arith.constant 0 : i32
      %dma_wait3A_1331 = tpu.memref_slice %arg5[%dma_wait3A_1330, %multiple_of3A_1099] : memref<32x1000000xf32, #tpu.memory_space<hbm>> -> memref<32x128xf32, #tpu.memory_space<hbm>>
      %dma_wait3A_1332 = arith.constant 0 : i32
      %dma_wait3A_1333 = arith.constant 0 : i32
      %dma_wait3A_1334 = tpu.memref_slice %arg10[%dma_wait3A_1325, %dma_wait3A_1332, %dma_wait3A_1333] : memref<8x32x128xf32, #tpu.memory_space<vmem>> -> memref<1x32x128xf32, #tpu.memory_space<vmem>>
      %dma_wait3A_1335 = tpu.memref_squeeze %dma_wait3A_1334 : memref<1x32x128xf32, #tpu.memory_space<vmem>> -> memref<32x128xf32, #tpu.memory_space<vmem>>
      %dma_wait3A_1336 = arith.constant 0 : i32
      %dma_wait3A_1337 = tpu.memref_slice %arg5[%dma_wait3A_1336, %multiple_of3A_1099] : memref<32x1000000xf32, #tpu.memory_space<hbm>> -> memref<32x128xf32, #tpu.memory_space<hbm>>
      tpu.wait_dma2 semaphore(%arg12 : memref<!tpu.dma_semaphore, #tpu.memory_space<semaphore_mem>>) src(%dma_wait3A_1337 : memref<32x128xf32, #tpu.memory_space<hbm>>) dst(%dma_wait3A_1335 : memref<32x128xf32, #tpu.memory_space<vmem>>)
      %broadcast_in_dim3A_1338 = vector.broadcast %squeeze3A_849 : i32 to vector<16xi32>
      %broadcast_in_dim3A_1339 = vector.broadcast %squeeze3A_851 : i32 to vector<16xi32>
      %gather3A_1340 = arith.constant 0 : i32
      %gather3A_1341 = arith.constant 0 : i32
      %gather3A_1342 = arith.constant 0 : i32
      %gather3A_1343 = tpu.memref_slice %arg9[%gather3A_1340, %gather3A_1341, %gather3A_1342] : memref<8x32x128xf32, #tpu.memory_space<vmem>> -> memref<1x32x128xf32, #tpu.memory_space<vmem>>
      %gather3A_1344 = tpu.memref_squeeze %gather3A_1343 : memref<1x32x128xf32, #tpu.memory_space<vmem>> -> memref<32x128xf32, #tpu.memory_space<vmem>>
      %gather3A_1345 = tpu.vector_load_idx %gather3A_1344[%iota3A, %broadcast_in_dim3A_1338] : memref<32x128xf32, #tpu.memory_space<vmem>>[vector<16xi32>, vector<16xi32>], vector<16xf32>,
      %gather3A_1346 = arith.constant 0 : i32
      %gather3A_1347 = arith.constant 0 : i32
      %gather3A_1348 = arith.constant 0 : i32
      %gather3A_1349 = tpu.memref_slice %arg9[%gather3A_1346, %gather3A_1347, %gather3A_1348] : memref<8x32x128xf32, #tpu.memory_space<vmem>> -> memref<1x32x128xf32, #tpu.memory_space<vmem>>
      %gather3A_1350 = tpu.memref_squeeze %gather3A_1349 : memref<1x32x128xf32, #tpu.memory_space<vmem>> -> memref<32x128xf32, #tpu.memory_space<vmem>>
      %gather3A_1351 = tpu.vector_load_idx %gather3A_1350[%add3A_5, %broadcast_in_dim3A_1338] : memref<32x128xf32, #tpu.memory_space<vmem>>[vector<16xi32>, vector<16xi32>], vector<16xf32>,
      %gather3A_1352 = arith.constant 0 : i32
      %gather3A_1353 = arith.constant 0 : i32
      %gather3A_1354 = arith.constant 0 : i32
      %gather3A_1355 = tpu.memref_slice %arg10[%gather3A_1352, %gather3A_1353, %gather3A_1354] : memref<8x32x128xf32, #tpu.memory_space<vmem>> -> memref<1x32x128xf32, #tpu.memory_space<vmem>>
      %gather3A_1356 = tpu.memref_squeeze %gather3A_1355 : memref<1x32x128xf32, #tpu.memory_space<vmem>> -> memref<32x128xf32, #tpu.memory_space<vmem>>
      %gather3A_1357 = tpu.vector_load_idx %gather3A_1356[%iota3A, %broadcast_in_dim3A_1339] : memref<32x128xf32, #tpu.memory_space<vmem>>[vector<16xi32>, vector<16xi32>], vector<16xf32>,
      %gather3A_1358 = arith.constant 0 : i32
      %gather3A_1359 = arith.constant 0 : i32
      %gather3A_1360 = arith.constant 0 : i32
      %gather3A_1361 = tpu.memref_slice %arg10[%gather3A_1358, %gather3A_1359, %gather3A_1360] : memref<8x32x128xf32, #tpu.memory_space<vmem>> -> memref<1x32x128xf32, #tpu.memory_space<vmem>>
      %gather3A_1362 = tpu.memref_squeeze %gather3A_1361 : memref<1x32x128xf32, #tpu.memory_space<vmem>> -> memref<32x128xf32, #tpu.memory_space<vmem>>
      %gather3A_1363 = tpu.vector_load_idx %gather3A_1362[%add3A_5, %broadcast_in_dim3A_1339] : memref<32x128xf32, #tpu.memory_space<vmem>>[vector<16xi32>, vector<16xi32>], vector<16xf32>,
      %mul3A_1364 = arith.mulf %gather3A_1345, %gather3A_1357 : vector<16xf32>
      %mul3A_1365 = arith.mulf %gather3A_1351, %gather3A_1363 : vector<16xf32>
      %add3A_1366 = arith.addf %mul3A_1364, %mul3A_1365 : vector<16xf32>
      %eq3A_1367 = arith.constant 8 : i32
      %eq3A_1368 = vector.broadcast %eq3A_1367 : i32 to vector<16xi32>
      %eq3A_1369 = arith.cmpi eq, %iota3A, %eq3A_1368 : vector<16xi32>
      %reduce_sum3A_1370 = arith.constant true
      %reduce_sum3A_1371 = vector.broadcast %reduce_sum3A_1370 : i1 to vector<16xi1>
      %reduce_sum3A_1372 = tpu.scan <sum>, %add3A_1366 masked %reduce_sum3A_1371 : vector<16xf32>, vector<16xi1> -> vector<16xf32>
      %reduce_sum3A_1373 = vector.extract %reduce_sum3A_1372[15] : f32 from vector<16xf32>
      %jit3A_1374 = arith.constant 0.000000e+00 : f32
      %broadcast_in_dim3A_1375 = vector.broadcast %reduce_sum3A_1373 : f32 to vector<16xf32>
      %broadcast_in_dim3A_1376 = vector.broadcast %jit3A_1374 : f32 to vector<16xf32>
      %select_n3A_1377 = arith.select %eq3A_1369, %broadcast_in_dim3A_1375, %broadcast_in_dim3A_1376 : vector<16xi1>, vector<16xf32>
      %add3A_1378 = arith.addf %add3A_841, %select_n3A_1377 : vector<16xf32>
      %broadcast_in_dim3A_1379 = vector.broadcast %squeeze3A_885 : i32 to vector<16xi32>
      %broadcast_in_dim3A_1380 = vector.broadcast %squeeze3A_887 : i32 to vector<16xi32>
      %gather3A_1381 = arith.constant 1 : i32
      %gather3A_1382 = arith.constant 0 : i32
      %gather3A_1383 = arith.constant 0 : i32
      %gather3A_1384 = tpu.memref_slice %arg9[%gather3A_1381, %gather3A_1382, %gather3A_1383] : memref<8x32x128xf32, #tpu.memory_space<vmem>> -> memref<1x32x128xf32, #tpu.memory_space<vmem>>
      %gather3A_1385 = tpu.memref_squeeze %gather3A_1384 : memref<1x32x128xf32, #tpu.memory_space<vmem>> -> memref<32x128xf32, #tpu.memory_space<vmem>>
      %gather3A_1386 = tpu.vector_load_idx %gather3A_1385[%iota3A, %broadcast_in_dim3A_1379] : memref<32x128xf32, #tpu.memory_space<vmem>>[vector<16xi32>, vector<16xi32>], vector<16xf32>,
      %gather3A_1387 = arith.constant 1 : i32
      %gather3A_1388 = arith.constant 0 : i32
      %gather3A_1389 = arith.constant 0 : i32
      %gather3A_1390 = tpu.memref_slice %arg9[%gather3A_1387, %gather3A_1388, %gather3A_1389] : memref<8x32x128xf32, #tpu.memory_space<vmem>> -> memref<1x32x128xf32, #tpu.memory_space<vmem>>
      %gather3A_1391 = tpu.memref_squeeze %gather3A_1390 : memref<1x32x128xf32, #tpu.memory_space<vmem>> -> memref<32x128xf32, #tpu.memory_space<vmem>>
      %gather3A_1392 = tpu.vector_load_idx %gather3A_1391[%add3A_5, %broadcast_in_dim3A_1379] : memref<32x128xf32, #tpu.memory_space<vmem>>[vector<16xi32>, vector<16xi32>], vector<16xf32>,
      %gather3A_1393 = arith.constant 1 : i32
      %gather3A_1394 = arith.constant 0 : i32
      %gather3A_1395 = arith.constant 0 : i32
      %gather3A_1396 = tpu.memref_slice %arg10[%gather3A_1393, %gather3A_1394, %gather3A_1395] : memref<8x32x128xf32, #tpu.memory_space<vmem>> -> memref<1x32x128xf32, #tpu.memory_space<vmem>>
      %gather3A_1397 = tpu.memref_squeeze %gather3A_1396 : memref<1x32x128xf32, #tpu.memory_space<vmem>> -> memref<32x128xf32, #tpu.memory_space<vmem>>
      %gather3A_1398 = tpu.vector_load_idx %gather3A_1397[%iota3A, %broadcast_in_dim3A_1380] : memref<32x128xf32, #tpu.memory_space<vmem>>[vector<16xi32>, vector<16xi32>], vector<16xf32>,
      %gather3A_1399 = arith.constant 1 : i32
      %gather3A_1400 = arith.constant 0 : i32
      %gather3A_1401 = arith.constant 0 : i32
      %gather3A_1402 = tpu.memref_slice %arg10[%gather3A_1399, %gather3A_1400, %gather3A_1401] : memref<8x32x128xf32, #tpu.memory_space<vmem>> -> memref<1x32x128xf32, #tpu.memory_space<vmem>>
      %gather3A_1403 = tpu.memref_squeeze %gather3A_1402 : memref<1x32x128xf32, #tpu.memory_space<vmem>> -> memref<32x128xf32, #tpu.memory_space<vmem>>
      %gather3A_1404 = tpu.vector_load_idx %gather3A_1403[%add3A_5, %broadcast_in_dim3A_1380] : memref<32x128xf32, #tpu.memory_space<vmem>>[vector<16xi32>, vector<16xi32>], vector<16xf32>,
      %mul3A_1405 = arith.mulf %gather3A_1386, %gather3A_1398 : vector<16xf32>
      %mul3A_1406 = arith.mulf %gather3A_1392, %gather3A_1404 : vector<16xf32>
      %add3A_1407 = arith.addf %mul3A_1405, %mul3A_1406 : vector<16xf32>
      %eq3A_1408 = arith.constant 9 : i32
      %eq3A_1409 = vector.broadcast %eq3A_1408 : i32 to vector<16xi32>
      %eq3A_1410 = arith.cmpi eq, %iota3A, %eq3A_1409 : vector<16xi32>
      %reduce_sum3A_1411 = arith.constant true
      %reduce_sum3A_1412 = vector.broadcast %reduce_sum3A_1411 : i1 to vector<16xi1>
      %reduce_sum3A_1413 = tpu.scan <sum>, %add3A_1407 masked %reduce_sum3A_1412 : vector<16xf32>, vector<16xi1> -> vector<16xf32>
      %reduce_sum3A_1414 = vector.extract %reduce_sum3A_1413[15] : f32 from vector<16xf32>
      %jit3A_1415 = arith.constant 0.000000e+00 : f32
      %broadcast_in_dim3A_1416 = vector.broadcast %reduce_sum3A_1414 : f32 to vector<16xf32>
      %broadcast_in_dim3A_1417 = vector.broadcast %jit3A_1415 : f32 to vector<16xf32>
      %select_n3A_1418 = arith.select %eq3A_1410, %broadcast_in_dim3A_1416, %broadcast_in_dim3A_1417 : vector<16xi1>, vector<16xf32>
      %add3A_1419 = arith.addf %add3A_1378, %select_n3A_1418 : vector<16xf32>
      %broadcast_in_dim3A_1420 = vector.broadcast %squeeze3A_921 : i32 to vector<16xi32>
      %broadcast_in_dim3A_1421 = vector.broadcast %squeeze3A_923 : i32 to vector<16xi32>
      %gather3A_1422 = arith.constant 2 : i32
      %gather3A_1423 = arith.constant 0 : i32
      %gather3A_1424 = arith.constant 0 : i32
      %gather3A_1425 = tpu.memref_slice %arg9[%gather3A_1422, %gather3A_1423, %gather3A_1424] : memref<8x32x128xf32, #tpu.memory_space<vmem>> -> memref<1x32x128xf32, #tpu.memory_space<vmem>>
      %gather3A_1426 = tpu.memref_squeeze %gather3A_1425 : memref<1x32x128xf32, #tpu.memory_space<vmem>> -> memref<32x128xf32, #tpu.memory_space<vmem>>
      %gather3A_1427 = tpu.vector_load_idx %gather3A_1426[%iota3A, %broadcast_in_dim3A_1420] : memref<32x128xf32, #tpu.memory_space<vmem>>[vector<16xi32>, vector<16xi32>], vector<16xf32>,
      %gather3A_1428 = arith.constant 2 : i32
      %gather3A_1429 = arith.constant 0 : i32
      %gather3A_1430 = arith.constant 0 : i32
      %gather3A_1431 = tpu.memref_slice %arg9[%gather3A_1428, %gather3A_1429, %gather3A_1430] : memref<8x32x128xf32, #tpu.memory_space<vmem>> -> memref<1x32x128xf32, #tpu.memory_space<vmem>>
      %gather3A_1432 = tpu.memref_squeeze %gather3A_1431 : memref<1x32x128xf32, #tpu.memory_space<vmem>> -> memref<32x128xf32, #tpu.memory_space<vmem>>
      %gather3A_1433 = tpu.vector_load_idx %gather3A_1432[%add3A_5, %broadcast_in_dim3A_1420] : memref<32x128xf32, #tpu.memory_space<vmem>>[vector<16xi32>, vector<16xi32>], vector<16xf32>,
      %gather3A_1434 = arith.constant 2 : i32
      %gather3A_1435 = arith.constant 0 : i32
      %gather3A_1436 = arith.constant 0 : i32
      %gather3A_1437 = tpu.memref_slice %arg10[%gather3A_1434, %gather3A_1435, %gather3A_1436] : memref<8x32x128xf32, #tpu.memory_space<vmem>> -> memref<1x32x128xf32, #tpu.memory_space<vmem>>
      %gather3A_1438 = tpu.memref_squeeze %gather3A_1437 : memref<1x32x128xf32, #tpu.memory_space<vmem>> -> memref<32x128xf32, #tpu.memory_space<vmem>>
      %gather3A_1439 = tpu.vector_load_idx %gather3A_1438[%iota3A, %broadcast_in_dim3A_1421] : memref<32x128xf32, #tpu.memory_space<vmem>>[vector<16xi32>, vector<16xi32>], vector<16xf32>,
      %gather3A_1440 = arith.constant 2 : i32
      %gather3A_1441 = arith.constant 0 : i32
      %gather3A_1442 = arith.constant 0 : i32
      %gather3A_1443 = tpu.memref_slice %arg10[%gather3A_1440, %gather3A_1441, %gather3A_1442] : memref<8x32x128xf32, #tpu.memory_space<vmem>> -> memref<1x32x128xf32, #tpu.memory_space<vmem>>
      %gather3A_1444 = tpu.memref_squeeze %gather3A_1443 : memref<1x32x128xf32, #tpu.memory_space<vmem>> -> memref<32x128xf32, #tpu.memory_space<vmem>>
      %gather3A_1445 = tpu.vector_load_idx %gather3A_1444[%add3A_5, %broadcast_in_dim3A_1421] : memref<32x128xf32, #tpu.memory_space<vmem>>[vector<16xi32>, vector<16xi32>], vector<16xf32>,
      %mul3A_1446 = arith.mulf %gather3A_1427, %gather3A_1439 : vector<16xf32>
      %mul3A_1447 = arith.mulf %gather3A_1433, %gather3A_1445 : vector<16xf32>
      %add3A_1448 = arith.addf %mul3A_1446, %mul3A_1447 : vector<16xf32>
      %eq3A_1449 = arith.constant 10 : i32
      %eq3A_1450 = vector.broadcast %eq3A_1449 : i32 to vector<16xi32>
      %eq3A_1451 = arith.cmpi eq, %iota3A, %eq3A_1450 : vector<16xi32>
      %reduce_sum3A_1452 = arith.constant true
      %reduce_sum3A_1453 = vector.broadcast %reduce_sum3A_1452 : i1 to vector<16xi1>
      %reduce_sum3A_1454 = tpu.scan <sum>, %add3A_1448 masked %reduce_sum3A_1453 : vector<16xf32>, vector<16xi1> -> vector<16xf32>
      %reduce_sum3A_1455 = vector.extract %reduce_sum3A_1454[15] : f32 from vector<16xf32>
      %jit3A_1456 = arith.constant 0.000000e+00 : f32
      %broadcast_in_dim3A_1457 = vector.broadcast %reduce_sum3A_1455 : f32 to vector<16xf32>
      %broadcast_in_dim3A_1458 = vector.broadcast %jit3A_1456 : f32 to vector<16xf32>
      %select_n3A_1459 = arith.select %eq3A_1451, %broadcast_in_dim3A_1457, %broadcast_in_dim3A_1458 : vector<16xi1>, vector<16xf32>
      %add3A_1460 = arith.addf %add3A_1419, %select_n3A_1459 : vector<16xf32>
      %broadcast_in_dim3A_1461 = vector.broadcast %squeeze3A_957 : i32 to vector<16xi32>
      %broadcast_in_dim3A_1462 = vector.broadcast %squeeze3A_959 : i32 to vector<16xi32>
      %gather3A_1463 = arith.constant 3 : i32
      %gather3A_1464 = arith.constant 0 : i32
      %gather3A_1465 = arith.constant 0 : i32
      %gather3A_1466 = tpu.memref_slice %arg9[%gather3A_1463, %gather3A_1464, %gather3A_1465] : memref<8x32x128xf32, #tpu.memory_space<vmem>> -> memref<1x32x128xf32, #tpu.memory_space<vmem>>
      %gather3A_1467 = tpu.memref_squeeze %gather3A_1466 : memref<1x32x128xf32, #tpu.memory_space<vmem>> -> memref<32x128xf32, #tpu.memory_space<vmem>>
      %gather3A_1468 = tpu.vector_load_idx %gather3A_1467[%iota3A, %broadcast_in_dim3A_1461] : memref<32x128xf32, #tpu.memory_space<vmem>>[vector<16xi32>, vector<16xi32>], vector<16xf32>,
      %gather3A_1469 = arith.constant 3 : i32
      %gather3A_1470 = arith.constant 0 : i32
      %gather3A_1471 = arith.constant 0 : i32
      %gather3A_1472 = tpu.memref_slice %arg9[%gather3A_1469, %gather3A_1470, %gather3A_1471] : memref<8x32x128xf32, #tpu.memory_space<vmem>> -> memref<1x32x128xf32, #tpu.memory_space<vmem>>
      %gather3A_1473 = tpu.memref_squeeze %gather3A_1472 : memref<1x32x128xf32, #tpu.memory_space<vmem>> -> memref<32x128xf32, #tpu.memory_space<vmem>>
      %gather3A_1474 = tpu.vector_load_idx %gather3A_1473[%add3A_5, %broadcast_in_dim3A_1461] : memref<32x128xf32, #tpu.memory_space<vmem>>[vector<16xi32>, vector<16xi32>], vector<16xf32>,
      %gather3A_1475 = arith.constant 3 : i32
      %gather3A_1476 = arith.constant 0 : i32
      %gather3A_1477 = arith.constant 0 : i32
      %gather3A_1478 = tpu.memref_slice %arg10[%gather3A_1475, %gather3A_1476, %gather3A_1477] : memref<8x32x128xf32, #tpu.memory_space<vmem>> -> memref<1x32x128xf32, #tpu.memory_space<vmem>>
      %gather3A_1479 = tpu.memref_squeeze %gather3A_1478 : memref<1x32x128xf32, #tpu.memory_space<vmem>> -> memref<32x128xf32, #tpu.memory_space<vmem>>
      %gather3A_1480 = tpu.vector_load_idx %gather3A_1479[%iota3A, %broadcast_in_dim3A_1462] : memref<32x128xf32, #tpu.memory_space<vmem>>[vector<16xi32>, vector<16xi32>], vector<16xf32>,
      %gather3A_1481 = arith.constant 3 : i32
      %gather3A_1482 = arith.constant 0 : i32
      %gather3A_1483 = arith.constant 0 : i32
      %gather3A_1484 = tpu.memref_slice %arg10[%gather3A_1481, %gather3A_1482, %gather3A_1483] : memref<8x32x128xf32, #tpu.memory_space<vmem>> -> memref<1x32x128xf32, #tpu.memory_space<vmem>>
      %gather3A_1485 = tpu.memref_squeeze %gather3A_1484 : memref<1x32x128xf32, #tpu.memory_space<vmem>> -> memref<32x128xf32, #tpu.memory_space<vmem>>
      %gather3A_1486 = tpu.vector_load_idx %gather3A_1485[%add3A_5, %broadcast_in_dim3A_1462] : memref<32x128xf32, #tpu.memory_space<vmem>>[vector<16xi32>, vector<16xi32>], vector<16xf32>,
      %mul3A_1487 = arith.mulf %gather3A_1468, %gather3A_1480 : vector<16xf32>
      %mul3A_1488 = arith.mulf %gather3A_1474, %gather3A_1486 : vector<16xf32>
      %add3A_1489 = arith.addf %mul3A_1487, %mul3A_1488 : vector<16xf32>
      %eq3A_1490 = arith.constant 11 : i32
      %eq3A_1491 = vector.broadcast %eq3A_1490 : i32 to vector<16xi32>
      %eq3A_1492 = arith.cmpi eq, %iota3A, %eq3A_1491 : vector<16xi32>
      %reduce_sum3A_1493 = arith.constant true
      %reduce_sum3A_1494 = vector.broadcast %reduce_sum3A_1493 : i1 to vector<16xi1>
      %reduce_sum3A_1495 = tpu.scan <sum>, %add3A_1489 masked %reduce_sum3A_1494 : vector<16xf32>, vector<16xi1> -> vector<16xf32>
      %reduce_sum3A_1496 = vector.extract %reduce_sum3A_1495[15] : f32 from vector<16xf32>
      %jit3A_1497 = arith.constant 0.000000e+00 : f32
      %broadcast_in_dim3A_1498 = vector.broadcast %reduce_sum3A_1496 : f32 to vector<16xf32>
      %broadcast_in_dim3A_1499 = vector.broadcast %jit3A_1497 : f32 to vector<16xf32>
      %select_n3A_1500 = arith.select %eq3A_1492, %broadcast_in_dim3A_1498, %broadcast_in_dim3A_1499 : vector<16xi1>, vector<16xf32>
      %add3A_1501 = arith.addf %add3A_1460, %select_n3A_1500 : vector<16xf32>
      %broadcast_in_dim3A_1502 = vector.broadcast %squeeze3A_993 : i32 to vector<16xi32>
      %broadcast_in_dim3A_1503 = vector.broadcast %squeeze3A_995 : i32 to vector<16xi32>
      %gather3A_1504 = arith.constant 4 : i32
      %gather3A_1505 = arith.constant 0 : i32
      %gather3A_1506 = arith.constant 0 : i32
      %gather3A_1507 = tpu.memref_slice %arg9[%gather3A_1504, %gather3A_1505, %gather3A_1506] : memref<8x32x128xf32, #tpu.memory_space<vmem>> -> memref<1x32x128xf32, #tpu.memory_space<vmem>>
      %gather3A_1508 = tpu.memref_squeeze %gather3A_1507 : memref<1x32x128xf32, #tpu.memory_space<vmem>> -> memref<32x128xf32, #tpu.memory_space<vmem>>
      %gather3A_1509 = tpu.vector_load_idx %gather3A_1508[%iota3A, %broadcast_in_dim3A_1502] : memref<32x128xf32, #tpu.memory_space<vmem>>[vector<16xi32>, vector<16xi32>], vector<16xf32>,
      %gather3A_1510 = arith.constant 4 : i32
      %gather3A_1511 = arith.constant 0 : i32
      %gather3A_1512 = arith.constant 0 : i32
      %gather3A_1513 = tpu.memref_slice %arg9[%gather3A_1510, %gather3A_1511, %gather3A_1512] : memref<8x32x128xf32, #tpu.memory_space<vmem>> -> memref<1x32x128xf32, #tpu.memory_space<vmem>>
      %gather3A_1514 = tpu.memref_squeeze %gather3A_1513 : memref<1x32x128xf32, #tpu.memory_space<vmem>> -> memref<32x128xf32, #tpu.memory_space<vmem>>
      %gather3A_1515 = tpu.vector_load_idx %gather3A_1514[%add3A_5, %broadcast_in_dim3A_1502] : memref<32x128xf32, #tpu.memory_space<vmem>>[vector<16xi32>, vector<16xi32>], vector<16xf32>,
      %gather3A_1516 = arith.constant 4 : i32
      %gather3A_1517 = arith.constant 0 : i32
      %gather3A_1518 = arith.constant 0 : i32
      %gather3A_1519 = tpu.memref_slice %arg10[%gather3A_1516, %gather3A_1517, %gather3A_1518] : memref<8x32x128xf32, #tpu.memory_space<vmem>> -> memref<1x32x128xf32, #tpu.memory_space<vmem>>
      %gather3A_1520 = tpu.memref_squeeze %gather3A_1519 : memref<1x32x128xf32, #tpu.memory_space<vmem>> -> memref<32x128xf32, #tpu.memory_space<vmem>>
      %gather3A_1521 = tpu.vector_load_idx %gather3A_1520[%iota3A, %broadcast_in_dim3A_1503] : memref<32x128xf32, #tpu.memory_space<vmem>>[vector<16xi32>, vector<16xi32>], vector<16xf32>,
      %gather3A_1522 = arith.constant 4 : i32
      %gather3A_1523 = arith.constant 0 : i32
      %gather3A_1524 = arith.constant 0 : i32
      %gather3A_1525 = tpu.memref_slice %arg10[%gather3A_1522, %gather3A_1523, %gather3A_1524] : memref<8x32x128xf32, #tpu.memory_space<vmem>> -> memref<1x32x128xf32, #tpu.memory_space<vmem>>
      %gather3A_1526 = tpu.memref_squeeze %gather3A_1525 : memref<1x32x128xf32, #tpu.memory_space<vmem>> -> memref<32x128xf32, #tpu.memory_space<vmem>>
      %gather3A_1527 = tpu.vector_load_idx %gather3A_1526[%add3A_5, %broadcast_in_dim3A_1503] : memref<32x128xf32, #tpu.memory_space<vmem>>[vector<16xi32>, vector<16xi32>], vector<16xf32>,
      %mul3A_1528 = arith.mulf %gather3A_1509, %gather3A_1521 : vector<16xf32>
      %mul3A_1529 = arith.mulf %gather3A_1515, %gather3A_1527 : vector<16xf32>
      %add3A_1530 = arith.addf %mul3A_1528, %mul3A_1529 : vector<16xf32>
      %eq3A_1531 = arith.constant 12 : i32
      %eq3A_1532 = vector.broadcast %eq3A_1531 : i32 to vector<16xi32>
      %eq3A_1533 = arith.cmpi eq, %iota3A, %eq3A_1532 : vector<16xi32>
      %reduce_sum3A_1534 = arith.constant true
      %reduce_sum3A_1535 = vector.broadcast %reduce_sum3A_1534 : i1 to vector<16xi1>
      %reduce_sum3A_1536 = tpu.scan <sum>, %add3A_1530 masked %reduce_sum3A_1535 : vector<16xf32>, vector<16xi1> -> vector<16xf32>
      %reduce_sum3A_1537 = vector.extract %reduce_sum3A_1536[15] : f32 from vector<16xf32>
      %jit3A_1538 = arith.constant 0.000000e+00 : f32
      %broadcast_in_dim3A_1539 = vector.broadcast %reduce_sum3A_1537 : f32 to vector<16xf32>
      %broadcast_in_dim3A_1540 = vector.broadcast %jit3A_1538 : f32 to vector<16xf32>
      %select_n3A_1541 = arith.select %eq3A_1533, %broadcast_in_dim3A_1539, %broadcast_in_dim3A_1540 : vector<16xi1>, vector<16xf32>
      %add3A_1542 = arith.addf %add3A_1501, %select_n3A_1541 : vector<16xf32>
      %broadcast_in_dim3A_1543 = vector.broadcast %squeeze3A_1029 : i32 to vector<16xi32>
      %broadcast_in_dim3A_1544 = vector.broadcast %squeeze3A_1031 : i32 to vector<16xi32>
      %gather3A_1545 = arith.constant 5 : i32
      %gather3A_1546 = arith.constant 0 : i32
      %gather3A_1547 = arith.constant 0 : i32
      %gather3A_1548 = tpu.memref_slice %arg9[%gather3A_1545, %gather3A_1546, %gather3A_1547] : memref<8x32x128xf32, #tpu.memory_space<vmem>> -> memref<1x32x128xf32, #tpu.memory_space<vmem>>
      %gather3A_1549 = tpu.memref_squeeze %gather3A_1548 : memref<1x32x128xf32, #tpu.memory_space<vmem>> -> memref<32x128xf32, #tpu.memory_space<vmem>>
      %gather3A_1550 = tpu.vector_load_idx %gather3A_1549[%iota3A, %broadcast_in_dim3A_1543] : memref<32x128xf32, #tpu.memory_space<vmem>>[vector<16xi32>, vector<16xi32>], vector<16xf32>,
      %gather3A_1551 = arith.constant 5 : i32
      %gather3A_1552 = arith.constant 0 : i32
      %gather3A_1553 = arith.constant 0 : i32
      %gather3A_1554 = tpu.memref_slice %arg9[%gather3A_1551, %gather3A_1552, %gather3A_1553] : memref<8x32x128xf32, #tpu.memory_space<vmem>> -> memref<1x32x128xf32, #tpu.memory_space<vmem>>
      %gather3A_1555 = tpu.memref_squeeze %gather3A_1554 : memref<1x32x128xf32, #tpu.memory_space<vmem>> -> memref<32x128xf32, #tpu.memory_space<vmem>>
      %gather3A_1556 = tpu.vector_load_idx %gather3A_1555[%add3A_5, %broadcast_in_dim3A_1543] : memref<32x128xf32, #tpu.memory_space<vmem>>[vector<16xi32>, vector<16xi32>], vector<16xf32>,
      %gather3A_1557 = arith.constant 5 : i32
      %gather3A_1558 = arith.constant 0 : i32
      %gather3A_1559 = arith.constant 0 : i32
      %gather3A_1560 = tpu.memref_slice %arg10[%gather3A_1557, %gather3A_1558, %gather3A_1559] : memref<8x32x128xf32, #tpu.memory_space<vmem>> -> memref<1x32x128xf32, #tpu.memory_space<vmem>>
      %gather3A_1561 = tpu.memref_squeeze %gather3A_1560 : memref<1x32x128xf32, #tpu.memory_space<vmem>> -> memref<32x128xf32, #tpu.memory_space<vmem>>
      %gather3A_1562 = tpu.vector_load_idx %gather3A_1561[%iota3A, %broadcast_in_dim3A_1544] : memref<32x128xf32, #tpu.memory_space<vmem>>[vector<16xi32>, vector<16xi32>], vector<16xf32>,
      %gather3A_1563 = arith.constant 5 : i32
      %gather3A_1564 = arith.constant 0 : i32
      %gather3A_1565 = arith.constant 0 : i32
      %gather3A_1566 = tpu.memref_slice %arg10[%gather3A_1563, %gather3A_1564, %gather3A_1565] : memref<8x32x128xf32, #tpu.memory_space<vmem>> -> memref<1x32x128xf32, #tpu.memory_space<vmem>>
      %gather3A_1567 = tpu.memref_squeeze %gather3A_1566 : memref<1x32x128xf32, #tpu.memory_space<vmem>> -> memref<32x128xf32, #tpu.memory_space<vmem>>
      %gather3A_1568 = tpu.vector_load_idx %gather3A_1567[%add3A_5, %broadcast_in_dim3A_1544] : memref<32x128xf32, #tpu.memory_space<vmem>>[vector<16xi32>, vector<16xi32>], vector<16xf32>,
      %mul3A_1569 = arith.mulf %gather3A_1550, %gather3A_1562 : vector<16xf32>
      %mul3A_1570 = arith.mulf %gather3A_1556, %gather3A_1568 : vector<16xf32>
      %add3A_1571 = arith.addf %mul3A_1569, %mul3A_1570 : vector<16xf32>
      %eq3A_1572 = arith.constant 13 : i32
      %eq3A_1573 = vector.broadcast %eq3A_1572 : i32 to vector<16xi32>
      %eq3A_1574 = arith.cmpi eq, %iota3A, %eq3A_1573 : vector<16xi32>
      %reduce_sum3A_1575 = arith.constant true
      %reduce_sum3A_1576 = vector.broadcast %reduce_sum3A_1575 : i1 to vector<16xi1>
      %reduce_sum3A_1577 = tpu.scan <sum>, %add3A_1571 masked %reduce_sum3A_1576 : vector<16xf32>, vector<16xi1> -> vector<16xf32>
      %reduce_sum3A_1578 = vector.extract %reduce_sum3A_1577[15] : f32 from vector<16xf32>
      %jit3A_1579 = arith.constant 0.000000e+00 : f32
      %broadcast_in_dim3A_1580 = vector.broadcast %reduce_sum3A_1578 : f32 to vector<16xf32>
      %broadcast_in_dim3A_1581 = vector.broadcast %jit3A_1579 : f32 to vector<16xf32>
      %select_n3A_1582 = arith.select %eq3A_1574, %broadcast_in_dim3A_1580, %broadcast_in_dim3A_1581 : vector<16xi1>, vector<16xf32>
      %add3A_1583 = arith.addf %add3A_1542, %select_n3A_1582 : vector<16xf32>
      %broadcast_in_dim3A_1584 = vector.broadcast %squeeze3A_1065 : i32 to vector<16xi32>
      %broadcast_in_dim3A_1585 = vector.broadcast %squeeze3A_1067 : i32 to vector<16xi32>
      %gather3A_1586 = arith.constant 6 : i32
      %gather3A_1587 = arith.constant 0 : i32
      %gather3A_1588 = arith.constant 0 : i32
      %gather3A_1589 = tpu.memref_slice %arg9[%gather3A_1586, %gather3A_1587, %gather3A_1588] : memref<8x32x128xf32, #tpu.memory_space<vmem>> -> memref<1x32x128xf32, #tpu.memory_space<vmem>>
      %gather3A_1590 = tpu.memref_squeeze %gather3A_1589 : memref<1x32x128xf32, #tpu.memory_space<vmem>> -> memref<32x128xf32, #tpu.memory_space<vmem>>
      %gather3A_1591 = tpu.vector_load_idx %gather3A_1590[%iota3A, %broadcast_in_dim3A_1584] : memref<32x128xf32, #tpu.memory_space<vmem>>[vector<16xi32>, vector<16xi32>], vector<16xf32>,
      %gather3A_1592 = arith.constant 6 : i32
      %gather3A_1593 = arith.constant 0 : i32
      %gather3A_1594 = arith.constant 0 : i32
      %gather3A_1595 = tpu.memref_slice %arg9[%gather3A_1592, %gather3A_1593, %gather3A_1594] : memref<8x32x128xf32, #tpu.memory_space<vmem>> -> memref<1x32x128xf32, #tpu.memory_space<vmem>>
      %gather3A_1596 = tpu.memref_squeeze %gather3A_1595 : memref<1x32x128xf32, #tpu.memory_space<vmem>> -> memref<32x128xf32, #tpu.memory_space<vmem>>
      %gather3A_1597 = tpu.vector_load_idx %gather3A_1596[%add3A_5, %broadcast_in_dim3A_1584] : memref<32x128xf32, #tpu.memory_space<vmem>>[vector<16xi32>, vector<16xi32>], vector<16xf32>,
      %gather3A_1598 = arith.constant 6 : i32
      %gather3A_1599 = arith.constant 0 : i32
      %gather3A_1600 = arith.constant 0 : i32
      %gather3A_1601 = tpu.memref_slice %arg10[%gather3A_1598, %gather3A_1599, %gather3A_1600] : memref<8x32x128xf32, #tpu.memory_space<vmem>> -> memref<1x32x128xf32, #tpu.memory_space<vmem>>
      %gather3A_1602 = tpu.memref_squeeze %gather3A_1601 : memref<1x32x128xf32, #tpu.memory_space<vmem>> -> memref<32x128xf32, #tpu.memory_space<vmem>>
      %gather3A_1603 = tpu.vector_load_idx %gather3A_1602[%iota3A, %broadcast_in_dim3A_1585] : memref<32x128xf32, #tpu.memory_space<vmem>>[vector<16xi32>, vector<16xi32>], vector<16xf32>,
      %gather3A_1604 = arith.constant 6 : i32
      %gather3A_1605 = arith.constant 0 : i32
      %gather3A_1606 = arith.constant 0 : i32
      %gather3A_1607 = tpu.memref_slice %arg10[%gather3A_1604, %gather3A_1605, %gather3A_1606] : memref<8x32x128xf32, #tpu.memory_space<vmem>> -> memref<1x32x128xf32, #tpu.memory_space<vmem>>
      %gather3A_1608 = tpu.memref_squeeze %gather3A_1607 : memref<1x32x128xf32, #tpu.memory_space<vmem>> -> memref<32x128xf32, #tpu.memory_space<vmem>>
      %gather3A_1609 = tpu.vector_load_idx %gather3A_1608[%add3A_5, %broadcast_in_dim3A_1585] : memref<32x128xf32, #tpu.memory_space<vmem>>[vector<16xi32>, vector<16xi32>], vector<16xf32>,
      %mul3A_1610 = arith.mulf %gather3A_1591, %gather3A_1603 : vector<16xf32>
      %mul3A_1611 = arith.mulf %gather3A_1597, %gather3A_1609 : vector<16xf32>
      %add3A_1612 = arith.addf %mul3A_1610, %mul3A_1611 : vector<16xf32>
      %eq3A_1613 = arith.constant 14 : i32
      %eq3A_1614 = vector.broadcast %eq3A_1613 : i32 to vector<16xi32>
      %eq3A_1615 = arith.cmpi eq, %iota3A, %eq3A_1614 : vector<16xi32>
      %reduce_sum3A_1616 = arith.constant true
      %reduce_sum3A_1617 = vector.broadcast %reduce_sum3A_1616 : i1 to vector<16xi1>
      %reduce_sum3A_1618 = tpu.scan <sum>, %add3A_1612 masked %reduce_sum3A_1617 : vector<16xf32>, vector<16xi1> -> vector<16xf32>
      %reduce_sum3A_1619 = vector.extract %reduce_sum3A_1618[15] : f32 from vector<16xf32>
      %jit3A_1620 = arith.constant 0.000000e+00 : f32
      %broadcast_in_dim3A_1621 = vector.broadcast %reduce_sum3A_1619 : f32 to vector<16xf32>
      %broadcast_in_dim3A_1622 = vector.broadcast %jit3A_1620 : f32 to vector<16xf32>
      %select_n3A_1623 = arith.select %eq3A_1615, %broadcast_in_dim3A_1621, %broadcast_in_dim3A_1622 : vector<16xi1>, vector<16xf32>
      %add3A_1624 = arith.addf %add3A_1583, %select_n3A_1623 : vector<16xf32>
      %broadcast_in_dim3A_1625 = vector.broadcast %squeeze3A_1101 : i32 to vector<16xi32>
      %broadcast_in_dim3A_1626 = vector.broadcast %squeeze3A_1103 : i32 to vector<16xi32>
      %gather3A_1627 = arith.constant 7 : i32
      %gather3A_1628 = arith.constant 0 : i32
      %gather3A_1629 = arith.constant 0 : i32
      %gather3A_1630 = tpu.memref_slice %arg9[%gather3A_1627, %gather3A_1628, %gather3A_1629] : memref<8x32x128xf32, #tpu.memory_space<vmem>> -> memref<1x32x128xf32, #tpu.memory_space<vmem>>
      %gather3A_1631 = tpu.memref_squeeze %gather3A_1630 : memref<1x32x128xf32, #tpu.memory_space<vmem>> -> memref<32x128xf32, #tpu.memory_space<vmem>>
      %gather3A_1632 = tpu.vector_load_idx %gather3A_1631[%iota3A, %broadcast_in_dim3A_1625] : memref<32x128xf32, #tpu.memory_space<vmem>>[vector<16xi32>, vector<16xi32>], vector<16xf32>,
      %gather3A_1633 = arith.constant 7 : i32
      %gather3A_1634 = arith.constant 0 : i32
      %gather3A_1635 = arith.constant 0 : i32
      %gather3A_1636 = tpu.memref_slice %arg9[%gather3A_1633, %gather3A_1634, %gather3A_1635] : memref<8x32x128xf32, #tpu.memory_space<vmem>> -> memref<1x32x128xf32, #tpu.memory_space<vmem>>
      %gather3A_1637 = tpu.memref_squeeze %gather3A_1636 : memref<1x32x128xf32, #tpu.memory_space<vmem>> -> memref<32x128xf32, #tpu.memory_space<vmem>>
      %gather3A_1638 = tpu.vector_load_idx %gather3A_1637[%add3A_5, %broadcast_in_dim3A_1625] : memref<32x128xf32, #tpu.memory_space<vmem>>[vector<16xi32>, vector<16xi32>], vector<16xf32>,
      %gather3A_1639 = arith.constant 7 : i32
      %gather3A_1640 = arith.constant 0 : i32
      %gather3A_1641 = arith.constant 0 : i32
      %gather3A_1642 = tpu.memref_slice %arg10[%gather3A_1639, %gather3A_1640, %gather3A_1641] : memref<8x32x128xf32, #tpu.memory_space<vmem>> -> memref<1x32x128xf32, #tpu.memory_space<vmem>>
      %gather3A_1643 = tpu.memref_squeeze %gather3A_1642 : memref<1x32x128xf32, #tpu.memory_space<vmem>> -> memref<32x128xf32, #tpu.memory_space<vmem>>
      %gather3A_1644 = tpu.vector_load_idx %gather3A_1643[%iota3A, %broadcast_in_dim3A_1626] : memref<32x128xf32, #tpu.memory_space<vmem>>[vector<16xi32>, vector<16xi32>], vector<16xf32>,
      %gather3A_1645 = arith.constant 7 : i32
      %gather3A_1646 = arith.constant 0 : i32
      %gather3A_1647 = arith.constant 0 : i32
      %gather3A_1648 = tpu.memref_slice %arg10[%gather3A_1645, %gather3A_1646, %gather3A_1647] : memref<8x32x128xf32, #tpu.memory_space<vmem>> -> memref<1x32x128xf32, #tpu.memory_space<vmem>>
      %gather3A_1649 = tpu.memref_squeeze %gather3A_1648 : memref<1x32x128xf32, #tpu.memory_space<vmem>> -> memref<32x128xf32, #tpu.memory_space<vmem>>
      %gather3A_1650 = tpu.vector_load_idx %gather3A_1649[%add3A_5, %broadcast_in_dim3A_1626] : memref<32x128xf32, #tpu.memory_space<vmem>>[vector<16xi32>, vector<16xi32>], vector<16xf32>,
      %mul3A_1651 = arith.mulf %gather3A_1632, %gather3A_1644 : vector<16xf32>
      %mul3A_1652 = arith.mulf %gather3A_1638, %gather3A_1650 : vector<16xf32>
      %add3A_1653 = arith.addf %mul3A_1651, %mul3A_1652 : vector<16xf32>
      %eq3A_1654 = arith.constant 15 : i32
      %eq3A_1655 = vector.broadcast %eq3A_1654 : i32 to vector<16xi32>
      %eq3A_1656 = arith.cmpi eq, %iota3A, %eq3A_1655 : vector<16xi32>
      %reduce_sum3A_1657 = arith.constant true
      %reduce_sum3A_1658 = vector.broadcast %reduce_sum3A_1657 : i1 to vector<16xi1>
      %reduce_sum3A_1659 = tpu.scan <sum>, %add3A_1653 masked %reduce_sum3A_1658 : vector<16xf32>, vector<16xi1> -> vector<16xf32>
      %reduce_sum3A_1660 = vector.extract %reduce_sum3A_1659[15] : f32 from vector<16xf32>
      %jit3A_1661 = arith.constant 0.000000e+00 : f32
      %broadcast_in_dim3A_1662 = vector.broadcast %reduce_sum3A_1660 : f32 to vector<16xf32>
      %broadcast_in_dim3A_1663 = vector.broadcast %jit3A_1661 : f32 to vector<16xf32>
      %select_n3A_1664 = arith.select %eq3A_1656, %broadcast_in_dim3A_1662, %broadcast_in_dim3A_1663 : vector<16xi1>, vector<16xf32>
      %add3A_1665 = arith.addf %add3A_1624, %select_n3A_1664 : vector<16xf32>
      %neg3A = arith.constant 0.000000e+00 : f32
      %neg3A_1666 = vector.broadcast %neg3A : f32 to vector<16xf32>
      %neg3A_1667 = arith.subf %neg3A_1666, %add3A_1665 : vector<16xf32>
      %exp3A = math.exp %neg3A_1667 : vector<16xf32>
      %add3A_1668 = arith.constant 1.000000e+00 : f32
      %add3A_1669 = vector.broadcast %add3A_1668 : f32 to vector<16xf32>
      %add3A_1670 = arith.addf %add3A_1669, %exp3A : vector<16xf32>
      %div3A = arith.constant 1.000000e+00 : f32
      %div3A_1671 = vector.broadcast %div3A : f32 to vector<16xf32>
      %div3A_1672 = arith.divf %div3A_1671, %add3A_1670 : vector<16xf32>
      %mul3A_1673 = arith.constant 16 : i32
      %mul3A_1674 = arith.muli %scan3A_12, %mul3A_1673 : i32
      %swap3A = arith.index_cast %mul3A_1674 : i32 to index
      %swap3A_1675 = tpu.vector_load %arg11[%swap3A] {strides = array<i32>} : memref<512xf32, #tpu.memory_space<vmem>>, vector<16xf32>,
      tpu.vector_store %arg11[%swap3A], %div3A_1672 {strides = array<i32>} : memref<512xf32, #tpu.memory_space<vmem>>, vector<16xf32>,
      %scan3A_1676 = arith.constant 0 : i32
      scf.yield %scan3A_1676 : i32
    }
    %scan3A_11 = arith.constant 32 : i32
    "tpu.region"() ({
      %run_scoped3A = tpu.sem_alloc : memref<!tpu.dma_semaphore, #tpu.memory_space<semaphore_mem>>
      %dma_start3A = tpu.memref_slice %arg6[%mul3A_2] : memref<16384xf32, #tpu.memory_space<hbm>> -> memref<512xf32, #tpu.memory_space<hbm>>
      %dma_start3A_12 = tpu.memref_slice %arg6[%mul3A_2] : memref<16384xf32, #tpu.memory_space<hbm>> -> memref<512xf32, #tpu.memory_space<hbm>>
      tpu.enqueue_dma source(%arg11 : memref<512xf32, #tpu.memory_space<vmem>>) target(%dma_start3A_12 : memref<512xf32, #tpu.memory_space<hbm>>) target_semaphore(%run_scoped3A : memref<!tpu.dma_semaphore, #tpu.memory_space<semaphore_mem>>)
      %dma_wait3A = tpu.memref_slice %arg6[%mul3A_2] : memref<16384xf32, #tpu.memory_space<hbm>> -> memref<512xf32, #tpu.memory_space<hbm>>
      %dma_wait3A_13 = tpu.memref_slice %arg6[%mul3A_2] : memref<16384xf32, #tpu.memory_space<hbm>> -> memref<512xf32, #tpu.memory_space<hbm>>
      tpu.wait_dma2 semaphore(%run_scoped3A : memref<!tpu.dma_semaphore, #tpu.memory_space<semaphore_mem>>) src(%arg11 : memref<512xf32, #tpu.memory_space<vmem>>) dst(%dma_wait3A_13 : memref<512xf32, #tpu.memory_space<hbm>>)
      tpu.yield
    }) : () -> ()
    return
  }
}

</mosaic_0001>

<sc_bundles>
// kernel: kernel.3.cloned.1.call-start
scs
__scs_entry_jumppad:
0x0: {  	(pc) =	sbr.rel $0x88, $3  }
0x1: {  	(tag) =	ssettag $0x0;
	lr =	simm.s32 $0x1  }
0x2: {  	[smem:$0x3F9D] =	sst lr;
	_ =	strace $0xD0000000  }
0x3: {  	_ = 	snop  }
0x4: {  	_ = 	snop  }
0x5: {  	_ = 	snop  }
0x6: {  	_ = 	snop  }
0x7: {  	_ = 	snop  }
__scs_overlays_trampoline_lowered:
0x8: {  	[smem:$0x3FAC] =	sst s0  }
0x9: {  	[smem:$0x3FAD] =	sst s1  }
0xa: {  	[smem:$0x3FAE] =	sst s2  }
0xb: {  	[smem:$0x3FAF] =	sst s3  }
0xc: {  	[smem:$0x3FB0] =	sst s4  }
0xd: {  	[smem:$0x3FB1] =	sst s5  }
0xe: {  	[smem:$0x3FB2] =	sst s6  }
0xf: {  	[smem:$0x3FB3] =	sst s7  }
0x10: {  	[smem:$0x3FB4] =	sst s8  }
0x11: {  	[smem:$0x3FB5] =	sst s9;
	s0 =	simm.s32 @!p0 $0x0  }
0x12: {  	s1 =	sld [smem:$0x3F9B];
	s0 =	simm.s32 @p0 $0x1  }
0x13: {  	[smem:$0x3FB6] =	sst s0;
	s0 =	simm.s32 @!p1 $0x0  }
0x14: {  	s2 =	sld [smem:$0x3F9A];
	s0 =	simm.s32 @p1 $0x1  }
0x15: {  	[smem:$0x3FB7] =	sst s0;
	s0 =	simm.s32 @!p2 $0x0  }
0x16: {  	s3 =	sld [smem:$0x3FDB];
	s0 =	simm.s32 @p2 $0x1  }
0x17: {  	s4 =	simm.s32 $0x1BF5;
	[smem:$0x3FB9] =	sst s0  }
0x18: {  	s0 =	sld [smem:$0x3F9C];
	_ =	swait.ge [sflag:s4], $0x0  }
0x19: {  	s7 =	sld [smem:$0x3F9D]  }
0x1a: {  	s8 =	sadd.s32 $0xFFFFE003, lr  }
0x1b: {  	s9 =	sadd.s32 $0xFFFFFEF7, lr;
	s5 =	simm.s32 $0xFFFFFFFF;
	p2 =	slt.u32 s8, $0xFFFFF086  }
0x1c: {  	p1 =	slt.u32 s9, $0xF7A;
	s5 =	simm.s32 @!p2 $0x0  }
0x1d: {  	s5 =	simm.s32 @p1 $0x1;
	p0 =	seq.s32 s7, s2  }
0x1e: {  	s7 =	smul.u32 @!p0 $0xF7A, s2;
	p2 =	seq.s32 @!p0 s5, $0x0  }
0x1f: {  	s9 =	smul.u32 $0xF7A, s1;
	s8 =	simm.s32 @!p0 $0x1BF5;
	p2 =	por !p2, p0  }
0x20: {  	[sflag:s8] =	ssyncset.s32 @!p0 $0xFFFFF086;
	s6 =	sadd.s32 @!p0 s3, s7;
	s7 =	simm.s32 @!p0 $0x108  }
0x21: {  	s3 =	sadd.s32 s3, s9;
	s6 =	sadd.s32 @!p0 $0x88, s6;
	s7 =	simm.s32 @p2 $0x1082  }
0x22: {  	[simem:s7], [sflag:s8] =	dma.local @!p0 [hbm:s6], $0xF7A  }
0x23: {  	s9 =	sor.u32 $0xD0000000, s2;
	s6 =	simm.s32 $0x108;
	_ =	swait.ge @!p0 [sflag:s8], $0x0  }
0x24: {  	s3 =	sadd.s32 $0x88, s3;
	s6 =	simm.s32 @!p1 $0x1082;
	[sflag:s4] =	ssyncset.s32 $0xFFFFF086  }
0x25: {  	[simem:s6], [sflag:s4] =	dma.local [hbm:s3], $0xF7A  }
0x26: {  	[smem:$0x3F9D] =	sst s1;
	(tag) =	ssettag s2;
	_ =	strace s9  }
0x27: {  	s1 =	sld [smem:$0x3FAD]  }
0x28: {  	s2 =	sld [smem:$0x3FAE]  }
0x29: {  	s4 =	sld [smem:$0x3FB0]  }
0x2a: {  	p0 =	seq.s32 s5, $0x0;
	s5 =	sld [smem:$0x3FB1]  }
0x2b: {  	s6 =	sld [smem:$0x3FB2]  }
0x2c: {  	s7 =	sld [smem:$0x3FB3]  }
0x2d: {  	s3 =	simm.s32 $0x108;
	s8 =	sld [smem:$0x3FB4]  }
0x2e: {  	s3 =	simm.s32 @!p0 $0x1082;
	s9 =	sld [smem:$0x3FB5]  }
0x2f: {  	lr =	sadd.s32 s0, s3;
	s0 =	sld [smem:$0x3FAC]  }
0x30: {  	s3 =	sld [smem:$0x3FAF]  }
0x31: {  	[smem:$0x3FB8] =	sst s10  }
0x32: {  	s10 =	sld [smem:$0x3FB6];
	_ =	sdelay $0x3  }
0x33: {  	p0 =	seq.s32 s10, $0x1;
	s10 =	sld [smem:$0x3FB8];
	_ =	sdelay $0x3  }
0x34: {  	[smem:$0x3FB8] =	sst s10  }
0x35: {  	s10 =	sld [smem:$0x3FB7];
	_ =	sdelay $0x3  }
0x36: {  	p1 =	seq.s32 s10, $0x1;
	s10 =	sld [smem:$0x3FB8];
	_ =	sdelay $0x3  }
0x37: {  	[smem:$0x3FB8] =	sst s10  }
0x38: {  	s10 =	sld [smem:$0x3FB9]  }
0x39: {  	_ = 	snop;
	(pc) =	sbr.ind lr, $3  }
0x3a: {  	_ = 	snop  }
0x3b: {  	_ = 	snop  }
0x3c: {  	p2 =	seq.s32 s10, $0x1;
	s10 =	sld [smem:$0x3FB8]  }
0x3d: {  	_ =	shalt  }
0x3e: {  	_ =	shalt  }
0x3f: {  	_ =	shalt  }
0x40: {  	_ =	shalt  }
0x41: {  	_ =	shalt  }
0x42: {  	_ =	shalt  }
0x43: {  	_ =	shalt  }
0x44: {  	_ =	shalt  }
0x45: {  	_ =	shalt  }
0x46: {  	_ =	shalt  }
0x47: {  	_ =	shalt  }
0x48: {  	_ =	shalt  }
0x49: {  	_ =	shalt  }
0x4a: {  	_ =	shalt  }
0x4b: {  	_ =	shalt  }
0x4c: {  	_ =	shalt  }
0x4d: {  	_ =	shalt  }
0x4e: {  	_ =	shalt  }
0x4f: {  	_ =	shalt  }
0x50: {  	_ =	shalt  }
0x51: {  	_ =	shalt  }
0x52: {  	_ =	shalt  }
0x53: {  	_ =	shalt  }
0x54: {  	_ =	shalt  }
0x55: {  	_ =	shalt  }
0x56: {  	_ =	shalt  }
0x57: {  	_ =	shalt  }
0x58: {  	_ =	shalt  }
0x59: {  	_ =	shalt  }
0x5a: {  	_ =	shalt  }
0x5b: {  	_ =	shalt  }
0x5c: {  	_ =	shalt  }
0x5d: {  	_ =	shalt  }
0x5e: {  	_ =	shalt  }
0x5f: {  	_ =	shalt  }
0x60: {  	_ =	shalt  }
0x61: {  	_ =	shalt  }
0x62: {  	_ =	shalt  }
0x63: {  	_ =	shalt  }
0x64: {  	_ =	shalt  }
0x65: {  	_ =	shalt  }
0x66: {  	_ =	shalt  }
0x67: {  	_ =	shalt  }
0x68: {  	_ =	shalt  }
0x69: {  	_ =	shalt  }
0x6a: {  	_ =	shalt  }
0x6b: {  	_ =	shalt  }
0x6c: {  	_ =	shalt  }
0x6d: {  	_ =	shalt  }
0x6e: {  	_ =	shalt  }
0x6f: {  	_ =	shalt  }
0x70: {  	_ =	shalt  }
0x71: {  	_ =	shalt  }
0x72: {  	_ =	shalt  }
0x73: {  	_ =	shalt  }
0x74: {  	_ =	shalt  }
0x75: {  	_ =	shalt  }
0x76: {  	_ =	shalt  }
0x77: {  	_ =	shalt  }
0x78: {  	_ =	shalt  }
0x79: {  	_ =	shalt  }
0x7a: {  	_ =	shalt  }
0x7b: {  	_ =	shalt  }
0x7c: {  	_ =	shalt  }
0x7d: {  	_ =	shalt  }
0x7e: {  	_ =	shalt  }
0x7f: {  	_ =	shalt  }
0x80: {  	_ =	shalt  }
0x81: {  	_ =	shalt  }
0x82: {  	_ =	shalt  }
0x83: {  	_ =	shalt  }
0x84: {  	_ =	shalt  }
0x85: {  	_ =	shalt  }
0x86: {  	_ =	shalt  }
0x87: {  	_ =	shalt  }
.Lfunc_end0:
.L_simem_size_0:
called_computation_lowered:
.L_overlay_start_0:
0x88: {  	s2 =	sld [smem:$0x3FD9]  }
0x89: {  	s3 =	sld [smem:$0x3FFE];
	_ =	sdelay $0x1  }
0x8a: {  	s1 =	srdreg.scid  }
0x8b: {  	s0 =	sand.u32 $0x1, s1  }
0x8c: {  	s18 =	sshll.u32 s0, $0xA;
	s2 =	sadd.s32 s3, s2  }
0x8d: {  	s2 =	sadd.s32 s2, s18  }
0x8e: {  	[smem:$0x3FC4] =	sst s2  }
0x8f: {  	_ = 	snop  }
0x90: {  	s2 =	sld [smem:$0x3FC9]  }
0x91: {  	s19 =	sld [smem:$0x3FC8]  }
0x92: {  	s4 =	sld [smem:$0x3FC7]  }
0x93: {  	s5 =	sld [smem:$0x3FC6]  }
0x94: {  	s6 =	sld [smem:$0x3FD0];
	(tm) =	ssettm $0x1  }
0x95: {  	s7 =	sld [smem:$0x3FFB];
	_ =	sdelay $0x3  }
0x96: {  	_ =	strace s7  }
0x97: {  	s7 =	sld [smem:$0x3FFC];
	_ =	sdelay $0x3  }
0x98: {  	_ =	strace s7  }
0x99: {  	s7 =	sld [smem:$0x3FFD];
	_ =	sdelay $0x3  }
0x9a: {  	_ =	strace s7  }
0x9b: {  	_ =	strace $0x8FFFFFFF  }
0x9c: {  	s20 =	sld [smem:$0x3FDB];
	_ =	sdelay $0x1  }
0x9d: {  	s8 =	simm.s32 $_scs_section_size  }
0x9e: {  	s9 =	simm.s32 $_size__tile_overlayer_lowered;
	s10 =	simm.s32 $_tile_overlayer_lowered  }
0x9f: {  	s23 =	simm.s32 $0x1BFF;
	s22 =	sshll.u32 s10, $0x1;
	s7 =	sadd.s32 s8, s20  }
0xa0: {  	s11 =	simm.s32 $0x0;
	s21 =	sshll.u32 s9, $0x1;
	s9 =	sadd.s32 s22, s7  }
0xa1: {  	[timem:s11], [sflag:s23] =	dma.local [hbm:s9], s21  }
0xa2: {  	_ =	swait.ge [sflag:s23], s21  }
0xa3: {  	s8 =	ssub.s32 $0x0, s21;
	[sflag:s23] =	ssyncset.done $0x0  }
0xa4: {  	[sflag:s23] =	ssyncadd.s32 s8;
	_ =	sdelay $0x1  }
0xa5: {  	s24 =	simm.s32 $0x1B8B  }
0xa6: {  	_ =	swait.ge [sflag:s24], $0x1  }
0xa7: {  	[sflag:s24] =	ssyncset.done $0x0  }
0xa8: {  	s25 =	simm.s32 $0x1B8E;
	[sflag:s24] =	ssyncadd.s32 $0xFFFFFFFF  }
0xa9: {  	s26 =	simm.s32 $execute0_lowered;
	[smem:$0x3FD2] =	sst s25  }
0xaa: {  	s8 =	sshll.u32 s26, $0x1;
	_ =	strace $0x80000046;
	[dreg:$0x1] =	wrdreg $0xFFFFFFFF  }
0xab: {  	s28 =	simm.s32 $_size_execute0_lowered;
	s7 =	sadd.s32 s7, s8;
	[dreg:$0x0] =	wrdreg $0x0  }
0xac: {  	s8 =	sshll.u32 s28, $0x1;
	[dreg:$0x2] =	wrdreg s7  }
0xad: {  	[dreg:$0x3] =	wrdreg s8  }
0xae: {  	[dreg:$0x4] =	wrdreg $0xC0  }
0xaf: {  	_ =	task [dreg:s11], $0x5FFFF  }
0xb0: {  	[dreg:$0x1] =	wrdreg $0xFFFFFFFF  }
0xb1: {  	[dreg:$0x0] =	wrdreg $0x60  }
0xb2: {  	[dreg:$0x2] =	wrdreg s2  }
0xb3: {  	[dreg:$0x3] =	wrdreg s19  }
0xb4: {  	[dreg:$0x4] =	wrdreg s4  }
0xb5: {  	[dreg:$0x5] =	wrdreg s5  }
0xb6: {  	[dreg:$0x6] =	wrdreg s6  }
0xb7: {  	[dreg:$0x7] =	wrdreg $0x9  }
0xb8: {  	_ =	task.clear_ibuf [dreg:s11], $0x8FFFF;
	_ =	strace $0x90000046  }
0xb9: {  	s29 =	simm.s32 $0x9;
	_ =	strace $0x80000048  }
0xba: {  	_ =	swait.ge [sflag:s29], $0x1  }
0xbb: {  	[sflag:s29] =	ssyncadd.s32 $0xFFFFFFFF  }
0xbc: {  	_ =	strace $0x90000048  }
0xbd: {  	_ =	sfence  }
0xbe: {  	s30 =	sld [smem:$0x0];
	_ =	sdelay $0x2  }
0xbf: {  	s31 =	sshll.u32 s1, $0xD;
	s1 =	sshrl.u32 s1, $0x2  }
0xc0: {  	s3 =	sand.u32 $0x4000, s31;
	s1 =	sadd.s32 s1, s30  }
0xc1: {  	s0 =	sor.u32 s3, s0;
	s1 =	sshll.u32 s1, $0x11  }
0xc2: {  	s0 =	sor.u32 s1, s0  }
0xc3: {  	s0 =	sadd.s32 $0x8F2B, s0  }
0xc4: {  	[sflag:s0] =	ssyncadd.remote.s32 $0x1  }
0xc5: {  	_ =	sfence.sel $0xFFFF  }
0xc6: {  	[dreg:$0x0] =	wrdreg $0xFFFFFFFF;
	(pc) =	sbr.abs _section_cstart, $3  }
0xc7: {  	[dreg:$0x1] =	wrdreg $0xFFFFFFFF  }
0xc8: {  	_ =	task.clear_ibuf [dreg:s11], $0x2FFFF;
	_ =	strace $0x9FFFFFFF  }
0xc9: {  	(tm) =	ssettm $0x7FFFFFFF  }
tec
execute0_lowered:
.L_overlay_start_1:
0x0: {  	(tag) =	ssettag $0x1  }
0x1: {  	s3 =	rddreg [dreg:$0x0]  }
0x2: {  	s4 =	rddreg [dreg:$0x1]  }
0x3: {  	s0 =	rddreg [dreg:$0x2]  }
0x4: {  	s30 =	rddreg [dreg:$0x3]  }
0x5: {  	s5 =	rddreg [dreg:$0x4];
	s2 =	simm.s32 $0x0  }
0x6: {  	s6 =	srdreg.scid;
	s31 =	stileid.u32;
	s10 =	simm.s32 $0x400  }
0x7: {  	s11 =	simm.s32 $0x8400;
	s12 =	simm.s32 $0x1400;
	s13 =	simm.s32 $0x9400  }
0x8: {  	s14 =	simm.s32 $0x2400;
	s15 =	simm.s32 $0xA400;
	s16 =	simm.s32 $0x3400  }
0x9: {  	s17 =	simm.s32 $0xB400;
	s18 =	simm.s32 $0x4400;
	s19 =	simm.s32 $0xC400  }
0xa: {  	s20 =	simm.s32 $0x5400;
	s21 =	simm.s32 $0xD400;
	s22 =	simm.s32 $0x6400  }
0xb: {  	s23 =	simm.s32 $0xE400;
	s24 =	simm.s32 $0x7400;
	s25 =	simm.s32 $0xF400  }
0xc: {  	v0 =	vlaneseq.u32;
	s26 =	simm.s32 $0x1;
	s28 =	simm.s32 $0x10400;
	[dreg:$0x6] =	wrdreg s0  }
0xd: {  	vm0 =	vmmov $0x1;
	vm1 =	vcmask $0x704;
	vm2 =	vcmask $0xB08;
	s29 =	simm.s32 $0x0;
	[dreg:$0x7] =	wrdreg s30;
	s6 =	sand.u32 $0x1, s6  }
0xe: {  	vm3 =	vcmask $0xF0C;
	vm4 =	vcmask $0x1310;
	vm5 =	vcmask $0x1714;
	[smem:$0x7FF] =	sst s2;
	s8 =	sshll.u32 s31, $0x7;
	s7 =	ssub.s32 $0x2, s6  }
0xf: {  	vm6 =	vcmask $0x1B18;
	vm7 =	vcmask $0x1F1C;
	vm8 =	vcmask $0x2320;
	s6 =	sshll.u32 s6, $0x6;
	_ =	strace $0x80000047;
	s9 =	sshrl.u32 s7, $0x1  }
0x10: {  	vm9 =	vcmask $0x2724;
	vm10 =	vcmask $0x2B28;
	v0 =	vmul.u32 $0x80, v0;
	s6 =	sor.u32 s6, s8;
	s8 =	simm.s32 $0x200;
	s7 =	ssub.s32 s7, s9  }
0x11: {  	vm11 =	vcmask $0x2F2C;
	vm12 =	vcmask $0x3330;
	vm13 =	vcmask $0x3734;
	s3 =	sadd.s32 s3, s6;
	s4 =	sadd.s32 s4, s6;
	s5 =	sadd.s32 s5, s6  }
0x12: {  	vm14 =	vcmask $0x3B38;
	vm15 =	vmmov $0x7fff;
	v1 =	vor.u32 $0x800, v0;
	s9 =	simm.s32 $0x7A1400;
	s6 =	smax.u32 s7, $0x1;
	s7 =	simm.s32 $0x2  }
.LBB2_1:
0x13: {  	[tilespmem:s2], [sflag:$0x2] =	stream.linear.gather [hbm4b:s3+s2], $0x200, $0x38;
	[tilespmem:$0x10600] =	vst v63  }
0x14: {  	_ =	swait.ge [sflag:s7], $0x200  }
0x15: {  	[sflag:s7] =	ssyncset.done $0x0  }
0x16: {  	[sflag:s7] =	ssyncadd.s32 $0xFFFFFE00  }
0x17: {  	[tilespmem:s8], [sflag:$0x2] =	stream.linear.gather [hbm4b:s4+s2], $0x200, $0x38;
	[tilespmem:$0x10600] =	vst v63  }
0x18: {  	_ =	swait.ge [sflag:s7], $0x200  }
0x19: {  	[sflag:s7] =	ssyncset.done $0x0  }
0x1a: {  	s30 =	simm.s32 $0x0;
	[sflag:s7] =	ssyncadd.s32 $0xFFFFFE00  }
.LBB2_2:
0x1b: {  	s31 =	sshra.s32 s30, $0x2  }
0x1c: {  	v2 =	vld [tilespmem:s31+$0x0];
	_ =	sdelay $0x1  }
0x1d: {  	v6 =	vld [tilespmem:s31+$0x200];
	_ =	sdelay $0x2  }
0x1e: {  	s0 =	rddreg [dreg:$0x6];
	v3 =	vand.u32 $0xFFFFFF80, v2  }
0x1f: {  	v5 =	vadd.s32 s0, v3  }
0x20: {  	s1 =	rddreg [dreg:$0x7];
	v3 =	vand.u32 $0xFFFFFF80, v6;
	(v2sf) =	vpush v5, $0x0  }
0x21: {  	v4 =	vadd.s32 s1, v3  }
0x22: {  	(v2sf) =	vpush v4, $0x0;
	_ =	sdelay $0x1  }
0x23: {  	(v2sf) =	vpush v5, $0x1;
	_ =	sdelay $0x1  }
0x24: {  	(v2sf) =	vpush v4, $0x1;
	_ =	sdelay $0x1  }
0x25: {  	(v2sf) =	vpush v5, $0x2;
	_ =	sdelay $0x1  }
0x26: {  	(v2sf) =	vpush v4, $0x2;
	_ =	sdelay $0x1  }
0x27: {  	(v2sf) =	vpush v5, $0x3;
	_ =	sdelay $0x1  }
0x28: {  	(v2sf) =	vpush v4, $0x3  }
0x29: {  	s1 =	spop (v2sf)  }
0x2a: {  	(v2sf) =	vpush v5, $0x4;
	[tilespmem:s10], [sflag:$0x1] =	stream.strided.gather [hbm4b:s1+s10], $0x1000, s9, s10, $0x38;
	[tilespmem:$0x10600] =	vst v63  }
0x2b: {  	s1 =	spop (v2sf)  }
0x2c: {  	(v2sf) =	vpush v4, $0x4;
	[tilespmem:s11], [sflag:$0x1] =	stream.strided.gather [hbm4b:s1+s10], $0x1000, s9, s10, $0x38;
	[tilespmem:$0x10600] =	vst v63  }
0x2d: {  	s1 =	spop (v2sf)  }
0x2e: {  	(v2sf) =	vpush v5, $0x5;
	[tilespmem:s12], [sflag:$0x1] =	stream.strided.gather [hbm4b:s1+s10], $0x1000, s9, s10, $0x38;
	[tilespmem:$0x10600] =	vst v63  }
0x2f: {  	s1 =	spop (v2sf)  }
0x30: {  	(v2sf) =	vpush v4, $0x5;
	[tilespmem:s13], [sflag:$0x1] =	stream.strided.gather [hbm4b:s1+s10], $0x1000, s9, s10, $0x38;
	[tilespmem:$0x10600] =	vst v63  }
0x31: {  	s1 =	spop (v2sf)  }
0x32: {  	(v2sf) =	vpush v5, $0x6;
	[tilespmem:s14], [sflag:$0x1] =	stream.strided.gather [hbm4b:s1+s10], $0x1000, s9, s10, $0x38;
	[tilespmem:$0x10600] =	vst v63  }
0x33: {  	s1 =	spop (v2sf)  }
0x34: {  	(v2sf) =	vpush v4, $0x6;
	[tilespmem:s15], [sflag:$0x1] =	stream.strided.gather [hbm4b:s1+s10], $0x1000, s9, s10, $0x38;
	[tilespmem:$0x10600] =	vst v63  }
0x35: {  	s1 =	spop (v2sf)  }
0x36: {  	(v2sf) =	vpush v5, $0x7;
	[tilespmem:s16], [sflag:$0x1] =	stream.strided.gather [hbm4b:s1+s10], $0x1000, s9, s10, $0x38;
	[tilespmem:$0x10600] =	vst v63  }
0x37: {  	s1 =	spop (v2sf)  }
0x38: {  	(v2sf) =	vpush v4, $0x7;
	[tilespmem:s17], [sflag:$0x1] =	stream.strided.gather [hbm4b:s1+s10], $0x1000, s9, s10, $0x38;
	[tilespmem:$0x10600] =	vst v63  }
0x39: {  	s1 =	spop (v2sf)  }
0x3a: {  	[tilespmem:s18], [sflag:$0x1] =	stream.strided.gather [hbm4b:s1+s10], $0x1000, s9, s10, $0x38;
	[tilespmem:$0x10600] =	vst v63  }
0x3b: {  	s1 =	spop (v2sf)  }
0x3c: {  	[tilespmem:s19], [sflag:$0x1] =	stream.strided.gather [hbm4b:s1+s10], $0x1000, s9, s10, $0x38;
	[tilespmem:$0x10600] =	vst v63  }
0x3d: {  	s1 =	spop (v2sf)  }
0x3e: {  	[tilespmem:s20], [sflag:$0x1] =	stream.strided.gather [hbm4b:s1+s10], $0x1000, s9, s10, $0x38;
	[tilespmem:$0x10600] =	vst v63  }
0x3f: {  	s1 =	spop (v2sf)  }
0x40: {  	[tilespmem:s21], [sflag:$0x1] =	stream.strided.gather [hbm4b:s1+s10], $0x1000, s9, s10, $0x38;
	[tilespmem:$0x10600] =	vst v63  }
0x41: {  	s1 =	spop (v2sf)  }
0x42: {  	[tilespmem:s22], [sflag:$0x1] =	stream.strided.gather [hbm4b:s1+s10], $0x1000, s9, s10, $0x38;
	[tilespmem:$0x10600] =	vst v63  }
0x43: {  	s1 =	spop (v2sf)  }
0x44: {  	[tilespmem:s23], [sflag:$0x1] =	stream.strided.gather [hbm4b:s1+s10], $0x1000, s9, s10, $0x38;
	[tilespmem:$0x10600] =	vst v63  }
0x45: {  	s1 =	spop (v2sf)  }
0x46: {  	[tilespmem:s24], [sflag:$0x1] =	stream.strided.gather [hbm4b:s1+s10], $0x1000, s9, s10, $0x38;
	[tilespmem:$0x10600] =	vst v63  }
0x47: {  	s1 =	spop (v2sf)  }
0x48: {  	[tilespmem:s25], [sflag:$0x1] =	stream.strided.gather [hbm4b:s1+s10], $0x1000, s9, s10, $0x38;
	[tilespmem:$0x10600] =	vst v63  }
0x49: {  	_ =	swait.ge [sflag:s26], $0x1000  }
0x4a: {  	[sflag:s26] =	ssyncset.done $0x0  }
0x4b: {  	[sflag:s26] =	ssyncadd.s32 $0xFFFFF000  }
0x4c: {  	_ =	swait.ge [sflag:s26], $0x1000  }
0x4d: {  	[sflag:s26] =	ssyncset.done $0x0  }
0x4e: {  	[sflag:s26] =	ssyncadd.s32 $0xFFFFF000  }
0x4f: {  	_ =	swait.ge [sflag:s26], $0x1000  }
0x50: {  	[sflag:s26] =	ssyncset.done $0x0  }
0x51: {  	[sflag:s26] =	ssyncadd.s32 $0xFFFFF000  }
0x52: {  	_ =	swait.ge [sflag:s26], $0x1000  }
0x53: {  	[sflag:s26] =	ssyncset.done $0x0  }
0x54: {  	[sflag:s26] =	ssyncadd.s32 $0xFFFFF000  }
0x55: {  	_ =	swait.ge [sflag:s26], $0x1000  }
0x56: {  	[sflag:s26] =	ssyncset.done $0x0  }
0x57: {  	[sflag:s26] =	ssyncadd.s32 $0xFFFFF000  }
0x58: {  	_ =	swait.ge [sflag:s26], $0x1000  }
0x59: {  	[sflag:s26] =	ssyncset.done $0x0  }
0x5a: {  	[sflag:s26] =	ssyncadd.s32 $0xFFFFF000  }
0x5b: {  	_ =	swait.ge [sflag:s26], $0x1000  }
0x5c: {  	[sflag:s26] =	ssyncset.done $0x0  }
0x5d: {  	[sflag:s26] =	ssyncadd.s32 $0xFFFFF000  }
0x5e: {  	_ =	swait.ge [sflag:s26], $0x1000  }
0x5f: {  	[sflag:s26] =	ssyncset.done $0x0  }
0x60: {  	[sflag:s26] =	ssyncadd.s32 $0xFFFFF000  }
0x61: {  	_ =	swait.ge [sflag:s26], $0x1000  }
0x62: {  	[sflag:s26] =	ssyncset.done $0x0  }
0x63: {  	[sflag:s26] =	ssyncadd.s32 $0xFFFFF000  }
0x64: {  	_ =	swait.ge [sflag:s26], $0x1000  }
0x65: {  	[sflag:s26] =	ssyncset.done $0x0  }
0x66: {  	[sflag:s26] =	ssyncadd.s32 $0xFFFFF000  }
0x67: {  	_ =	swait.ge [sflag:s26], $0x1000  }
0x68: {  	[sflag:s26] =	ssyncset.done $0x0  }
0x69: {  	[sflag:s26] =	ssyncadd.s32 $0xFFFFF000  }
0x6a: {  	_ =	swait.ge [sflag:s26], $0x1000  }
0x6b: {  	[sflag:s26] =	ssyncset.done $0x0  }
0x6c: {  	[sflag:s26] =	ssyncadd.s32 $0xFFFFF000  }
0x6d: {  	_ =	swait.ge [sflag:s26], $0x1000  }
0x6e: {  	[sflag:s26] =	ssyncset.done $0x0  }
0x6f: {  	[sflag:s26] =	ssyncadd.s32 $0xFFFFF000  }
0x70: {  	_ =	swait.ge [sflag:s26], $0x1000  }
0x71: {  	v3 =	vand.u32 $0x7F, v2;
	[sflag:s26] =	ssyncset.done $0x0  }
0x72: {  	v7 =	vbroadcast v3, $0x0;
	[sflag:s26] =	ssyncadd.s32 $0xFFFFF000  }
0x73: {  	v2 =	vand.u32 $0x7F, v6;
	_ =	swait.ge [sflag:s26], $0x1000  }
0x74: {  	v6 =	vbroadcast v2, $0x0;
	v8 =	vor.u32 v0, v7;
	[sflag:s26] =	ssyncset.done $0x0  }
0x75: {  	v7 =	vor.u32 v1, v7;
	[sflag:s26] =	ssyncadd.s32 $0xFFFFF000  }
0x76: {  	v10 =	vbroadcast v3, $0x1;
	v9 =	vor.u32 v0, v6;
	_ =	swait.ge [sflag:s26], $0x1000  }
0x77: {  	v6 =	vor.u32 v1, v6;
	[sflag:s26] =	ssyncset.done $0x0  }
0x78: {  	v11 =	vbroadcast v2, $0x1;
	v12 =	vor.u32 v0, v10;
	[sflag:s26] =	ssyncadd.s32 $0xFFFFF000  }
0x79: {  	v10 =	vor.u32 v1, v10;
	v8 =	vld.idx.msk [tilespmem:v8+s10+$0x0], $0xffff  }
0x7a: {  	v14 =	vbroadcast v3, $0x2;
	v13 =	vor.u32 v0, v11;
	v7 =	vld.idx.msk [tilespmem:v7+s10+$0x0], $0xffff  }
0x7b: {  	v11 =	vor.u32 v1, v11;
	v9 =	vld.idx.msk [tilespmem:v9+s11+$0x0], $0xffff  }
0x7c: {  	v15 =	vbroadcast v2, $0x2;
	v16 =	vor.u32 v0, v14;
	v6 =	vld.idx.msk [tilespmem:v6+s11+$0x0], $0xffff  }
0x7d: {  	v14 =	vor.u32 v1, v14;
	v12 =	vld.idx.msk [tilespmem:v12+s12+$0x0], $0xffff  }
0x7e: {  	v18 =	vbroadcast v3, $0x3;
	v17 =	vor.u32 v0, v15;
	v10 =	vld.idx.msk [tilespmem:v10+s12+$0x0], $0xffff  }
0x7f: {  	v15 =	vor.u32 v1, v15;
	v13 =	vld.idx.msk [tilespmem:v13+s13+$0x0], $0xffff  }
0x80: {  	v19 =	vbroadcast v2, $0x3;
	v20 =	vor.u32 v0, v18;
	v11 =	vld.idx.msk [tilespmem:v11+s13+$0x0], $0xffff  }
0x81: {  	v18 =	vor.u32 v1, v18;
	v16 =	vld.idx.msk [tilespmem:v16+s14+$0x0], $0xffff  }
0x82: {  	v22 =	vbroadcast v3, $0x4;
	v21 =	vor.u32 v0, v19;
	v14 =	vld.idx.msk [tilespmem:v14+s14+$0x0], $0xffff  }
0x83: {  	v19 =	vor.u32 v1, v19;
	v17 =	vld.idx.msk [tilespmem:v17+s15+$0x0], $0xffff  }
0x84: {  	v23 =	vbroadcast v2, $0x4;
	v24 =	vor.u32 v0, v22;
	v15 =	vld.idx.msk [tilespmem:v15+s15+$0x0], $0xffff  }
0x85: {  	v22 =	vor.u32 v1, v22;
	v20 =	vld.idx.msk [tilespmem:v20+s16+$0x0], $0xffff  }
0x86: {  	v26 =	vbroadcast v3, $0x5;
	v25 =	vor.u32 v0, v23;
	v18 =	vld.idx.msk [tilespmem:v18+s16+$0x0], $0xffff  }
0x87: {  	v23 =	vor.u32 v1, v23;
	v21 =	vld.idx.msk [tilespmem:v21+s17+$0x0], $0xffff  }
0x88: {  	v27 =	vbroadcast v2, $0x5;
	v28 =	vor.u32 v0, v26;
	(v2sf) =	vpush v5, $0x8;
	v19 =	vld.idx.msk [tilespmem:v19+s17+$0x0], $0xffff  }
0x89: {  	v26 =	vor.u32 v1, v26;
	v24 =	vld.idx.msk [tilespmem:v24+s18+$0x0], $0xffff  }
0x8a: {  	v30 =	vbroadcast v3, $0x6;
	v29 =	vor.u32 v0, v27;
	(v2sf) =	vpush v4, $0x8;
	v22 =	vld.idx.msk [tilespmem:v22+s18+$0x0], $0xffff  }
0x8b: {  	v27 =	vor.u32 v1, v27;
	v25 =	vld.idx.msk [tilespmem:v25+s19+$0x0], $0xffff  }
0x8c: {  	v31 =	vbroadcast v2, $0x6;
	v32 =	vor.u32 v0, v30;
	v23 =	vld.idx.msk [tilespmem:v23+s19+$0x0], $0xffff;
	(v2sf) =	vpush v5, $0x9  }
0x8d: {  	v30 =	vor.u32 v1, v30;
	v28 =	vld.idx.msk [tilespmem:v28+s20+$0x0], $0xffff  }
0x8e: {  	v34 =	vbroadcast v3, $0x7;
	v33 =	vor.u32 v0, v31;
	v26 =	vld.idx.msk [tilespmem:v26+s20+$0x0], $0xffff;
	(v2sf) =	vpush v4, $0x9  }
0x8f: {  	v31 =	vor.u32 v1, v31;
	v29 =	vld.idx.msk [tilespmem:v29+s21+$0x0], $0xffff  }
0x90: {  	v35 =	vbroadcast v2, $0x7;
	v36 =	vor.u32 v0, v34;
	v27 =	vld.idx.msk [tilespmem:v27+s21+$0x0], $0xffff;
	(v2sf) =	vpush v5, $0xA  }
0x91: {  	v34 =	vor.u32 v1, v34;
	v32 =	vld.idx.msk [tilespmem:v32+s22+$0x0], $0xffff  }
0x92: {  	v37 =	vor.u32 v0, v35;
	v30 =	vld.idx.msk [tilespmem:v30+s22+$0x0], $0xffff;
	(v2sf) =	vpush v4, $0xA  }
0x93: {  	v35 =	vor.u32 v1, v35;
	v33 =	vld.idx.msk [tilespmem:v33+s23+$0x0], $0xffff  }
0x94: {  	v31 =	vld.idx.msk [tilespmem:v31+s23+$0x0], $0xffff;
	(v2sf) =	vpush v5, $0xB  }
0x95: {  	v36 =	vld.idx.msk [tilespmem:v36+s24+$0x0], $0xffff  }
0x96: {  	v34 =	vld.idx.msk [tilespmem:v34+s24+$0x0], $0xffff;
	(v2sf) =	vpush v4, $0xB  }
0x97: {  	v37 =	vld.idx.msk [tilespmem:v37+s25+$0x0], $0xffff;
	s1 =	spop (v2sf)  }
0x98: {  	v35 =	vld.idx.msk [tilespmem:v35+s25+$0x0], $0xffff;
	(v2sf) =	vpush v5, $0xC;
	[tilespmem:s10], [sflag:$0x1] =	stream.strided.gather [hbm4b:s1+s10], $0x1000, s9, s10, $0x38  }
0x99: {  	v8 =	vmul.f32 v9, v8;
	v6 =	vmul.f32 v6, v7;
	s1 =	spop (v2sf)  }
0x9a: {  	(v2sf) =	vpush v4, $0xC;
	[tilespmem:s11], [sflag:$0x1] =	stream.strided.gather [hbm4b:s1+s10], $0x1000, s9, s10, $0x38;
	[tilespmem:$0x10600] =	vst v63  }
0x9b: {  	v40 =	vmul.f32 v13, v12;
	v41 =	vmul.f32 v11, v10;
	v6 =	vadd.f32 v6, v8;
	s1 =	spop (v2sf)  }
0x9c: {  	(v2sf) =	vpush v5, $0xD;
	[tilespmem:s12], [sflag:$0x1] =	stream.strided.gather [hbm4b:s1+s10], $0x1000, s9, s10, $0x38;
	[tilespmem:$0x10600] =	vst v63  }
0x9d: {  	v43 =	vmul.f32 v17, v16;
	v44 =	vmul.f32 v15, v14;
	v42 =	vadd.f32 v41, v40;
	(xrf2) =	vadd.scan.msk.f32 $0xffff, v6;
	s1 =	spop (v2sf)  }
0x9e: {  	(v2sf) =	vpush v4, $0xD;
	[tilespmem:s13], [sflag:$0x1] =	stream.strided.gather [hbm4b:s1+s10], $0x1000, s9, s10, $0x38;
	[tilespmem:$0x10600] =	vst v63  }
0x9f: {  	v46 =	vmul.f32 v21, v20;
	v47 =	vmul.f32 v19, v18;
	v45 =	vadd.f32 v44, v43;
	(xrf2) =	vadd.scan.msk.f32 $0xffff, v42;
	s1 =	spop (v2sf)  }
0xa0: {  	(v2sf) =	vpush v5, $0xE;
	[tilespmem:s14], [sflag:$0x1] =	stream.strided.gather [hbm4b:s1+s10], $0x1000, s9, s10, $0x38;
	[tilespmem:$0x10600] =	vst v63  }
0xa1: {  	v49 =	vmul.f32 v25, v24;
	v50 =	vmul.f32 v23, v22;
	v48 =	vadd.f32 v47, v46;
	(xrf2) =	vadd.scan.msk.f32 $0xffff, v45;
	s1 =	spop (v2sf)  }
0xa2: {  	(v2sf) =	vpush v4, $0xE;
	[tilespmem:s15], [sflag:$0x1] =	stream.strided.gather [hbm4b:s1+s10], $0x1000, s9, s10, $0x38;
	[tilespmem:$0x10600] =	vst v63  }
0xa3: {  	v52 =	vmul.f32 v29, v28;
	v53 =	vmul.f32 v27, v26;
	v51 =	vadd.f32 v50, v49;
	(xrf2) =	vadd.scan.msk.f32 $0xffff, v48;
	s1 =	spop (v2sf)  }
0xa4: {  	(v2sf) =	vpush v5, $0xF;
	[tilespmem:s16], [sflag:$0x1] =	stream.strided.gather [hbm4b:s1+s10], $0x1000, s9, s10, $0x38;
	[tilespmem:$0x10600] =	vst v63  }
0xa5: {  	v55 =	vmul.f32 v33, v32;
	v56 =	vmul.f32 v31, v30;
	v54 =	vadd.f32 v53, v52;
	(xrf2) =	vadd.scan.msk.f32 $0xffff, v51;
	s1 =	spop (v2sf)  }
0xa6: {  	(v2sf) =	vpush v4, $0xF;
	[tilespmem:s17], [sflag:$0x1] =	stream.strided.gather [hbm4b:s1+s10], $0x1000, s9, s10, $0x38;
	[tilespmem:$0x10600] =	vst v63  }
0xa7: {  	v58 =	vmul.f32 v37, v36;
	v59 =	vmul.f32 v35, v34;
	v57 =	vadd.f32 v56, v55;
	(xrf2) =	vadd.scan.msk.f32 $0xffff, v54;
	s1 =	spop (v2sf)  }
0xa8: {  	[tilespmem:s18], [sflag:$0x1] =	stream.strided.gather [hbm4b:s1+s10], $0x1000, s9, s10, $0x38;
	[tilespmem:$0x10600] =	vst v63  }
0xa9: {  	v60 =	vadd.f32 v59, v58;
	(xrf2) =	vadd.scan.msk.f32 $0xffff, v57;
	s1 =	spop (v2sf)  }
0xaa: {  	[tilespmem:s19], [sflag:$0x1] =	stream.strided.gather [hbm4b:s1+s10], $0x1000, s9, s10, $0x38;
	[tilespmem:$0x10600] =	vst v63  }
0xab: {  	(xrf2) =	vadd.scan.msk.f32 $0xffff, v60;
	s1 =	spop (v2sf)  }
0xac: {  	[tilespmem:s20], [sflag:$0x1] =	stream.strided.gather [hbm4b:s1+s10], $0x1000, s9, s10, $0x38;
	[tilespmem:$0x10600] =	vst v63  }
0xad: {  	s1 =	spop (v2sf)  }
0xae: {  	[tilespmem:s21], [sflag:$0x1] =	stream.strided.gather [hbm4b:s1+s10], $0x1000, s9, s10, $0x38;
	[tilespmem:$0x10600] =	vst v63  }
0xaf: {  	v61, _, _ =	vpop (xrf2);
	s1 =	spop (v2sf)  }
0xb0: {  	v62, _, _ =	vpop (xrf2);
	[tilespmem:s22], [sflag:$0x1] =	stream.strided.gather [hbm4b:s1+s10], $0x1000, s9, s10, $0x38;
	[tilespmem:$0x10600] =	vst v63  }
0xb1: {  	v63, _, _ =	vpop (xrf2);
	s1 =	spop (v2sf)  }
0xb2: {  	v8, _, _ =	vpop (xrf2);
	[tilespmem:s23], [sflag:$0x1] =	stream.strided.gather [hbm4b:s1+s10], $0x1000, s9, s10, $0x38;
	[tilespmem:$0x10600] =	vst v63  }
0xb3: {  	v7, _, _ =	vpop (xrf2);
	s1 =	spop (v2sf)  }
0xb4: {  	v6, _, _ =	vpop (xrf2);
	[tilespmem:s24], [sflag:$0x1] =	stream.strided.gather [hbm4b:s1+s10], $0x1000, s9, s10, $0x38;
	[tilespmem:$0x10600] =	vst v63  }
0xb5: {  	v5, _, _ =	vpop (xrf2);
	s1 =	spop (v2sf)  }
0xb6: {  	v4, _, _ =	vpop (xrf2);
	[tilespmem:s25], [sflag:$0x1] =	stream.strided.gather [hbm4b:s1+s10], $0x1000, s9, s10, $0x38;
	[tilespmem:$0x10600] =	vst v63  }
0xb7: {  	_ =	swait.ge [sflag:s26], $0x1000  }
0xb8: {  	[sflag:s26] =	ssyncset.done $0x0  }
0xb9: {  	[sflag:s26] =	ssyncadd.s32 $0xFFFFF000  }
0xba: {  	_ =	swait.ge [sflag:s26], $0x1000  }
0xbb: {  	[sflag:s26] =	ssyncset.done $0x0  }
0xbc: {  	[sflag:s26] =	ssyncadd.s32 $0xFFFFF000  }
0xbd: {  	_ =	swait.ge [sflag:s26], $0x1000  }
0xbe: {  	[sflag:s26] =	ssyncset.done $0x0  }
0xbf: {  	[sflag:s26] =	ssyncadd.s32 $0xFFFFF000  }
0xc0: {  	_ =	swait.ge [sflag:s26], $0x1000  }
0xc1: {  	[sflag:s26] =	ssyncset.done $0x0  }
0xc2: {  	[sflag:s26] =	ssyncadd.s32 $0xFFFFF000  }
0xc3: {  	_ =	swait.ge [sflag:s26], $0x1000  }
0xc4: {  	[sflag:s26] =	ssyncset.done $0x0  }
0xc5: {  	[sflag:s26] =	ssyncadd.s32 $0xFFFFF000  }
0xc6: {  	_ =	swait.ge [sflag:s26], $0x1000  }
0xc7: {  	[sflag:s26] =	ssyncset.done $0x0  }
0xc8: {  	[sflag:s26] =	ssyncadd.s32 $0xFFFFF000  }
0xc9: {  	_ =	swait.ge [sflag:s26], $0x1000  }
0xca: {  	[sflag:s26] =	ssyncset.done $0x0  }
0xcb: {  	[sflag:s26] =	ssyncadd.s32 $0xFFFFF000  }
0xcc: {  	_ =	swait.ge [sflag:s26], $0x1000  }
0xcd: {  	[sflag:s26] =	ssyncset.done $0x0  }
0xce: {  	[sflag:s26] =	ssyncadd.s32 $0xFFFFF000  }
0xcf: {  	_ =	swait.ge [sflag:s26], $0x1000  }
0xd0: {  	[sflag:s26] =	ssyncset.done $0x0  }
0xd1: {  	[sflag:s26] =	ssyncadd.s32 $0xFFFFF000  }
0xd2: {  	_ =	swait.ge [sflag:s26], $0x1000  }
0xd3: {  	[sflag:s26] =	ssyncset.done $0x0  }
0xd4: {  	[sflag:s26] =	ssyncadd.s32 $0xFFFFF000  }
0xd5: {  	_ =	swait.ge [sflag:s26], $0x1000  }
0xd6: {  	[sflag:s26] =	ssyncset.done $0x0  }
0xd7: {  	[sflag:s26] =	ssyncadd.s32 $0xFFFFF000  }
0xd8: {  	_ =	swait.ge [sflag:s26], $0x1000  }
0xd9: {  	[sflag:s26] =	ssyncset.done $0x0  }
0xda: {  	[sflag:s26] =	ssyncadd.s32 $0xFFFFF000  }
0xdb: {  	_ =	swait.ge [sflag:s26], $0x1000  }
0xdc: {  	[sflag:s26] =	ssyncset.done $0x0  }
0xdd: {  	[sflag:s26] =	ssyncadd.s32 $0xFFFFF000  }
0xde: {  	_ =	swait.ge [sflag:s26], $0x1000  }
0xdf: {  	[sflag:s26] =	ssyncset.done $0x0  }
0xe0: {  	v22 =	vbroadcast v3, $0x8;
	[sflag:s26] =	ssyncadd.s32 $0xFFFFF000  }
0xe1: {  	_ =	swait.ge [sflag:s26], $0x1000  }
0xe2: {  	v23 =	vbroadcast v2, $0x8;
	v24 =	vor.u32 v0, v22;
	[sflag:s26] =	ssyncset.done $0x0  }
0xe3: {  	v12 =	vor.u32 v1, v22;
	[sflag:s26] =	ssyncadd.s32 $0xFFFFF000  }
0xe4: {  	v26 =	vbroadcast v3, $0x9;
	v25 =	vor.u32 v0, v23;
	_ =	swait.ge [sflag:s26], $0x1000  }
0xe5: {  	v13 =	vor.u32 v1, v23;
	[sflag:s26] =	ssyncset.done $0x0  }
0xe6: {  	v27 =	vbroadcast v2, $0x9;
	v28 =	vor.u32 v0, v26;
	[sflag:s26] =	ssyncadd.s32 $0xFFFFF000  }
0xe7: {  	v16 =	vor.u32 v1, v26;
	v14 =	vld.idx.msk [tilespmem:v24+s10+$0x0], $0xffff  }
0xe8: {  	v30 =	vbroadcast v3, $0xA;
	v29 =	vor.u32 v0, v27;
	v12 =	vld.idx.msk [tilespmem:v12+s10+$0x0], $0xffff  }
0xe9: {  	v17 =	vor.u32 v1, v27;
	v15 =	vld.idx.msk [tilespmem:v25+s11+$0x0], $0xffff  }
0xea: {  	v31 =	vbroadcast v2, $0xA;
	v32 =	vor.u32 v0, v30;
	v13 =	vld.idx.msk [tilespmem:v13+s11+$0x0], $0xffff  }
0xeb: {  	v20 =	vor.u32 v1, v30;
	v18 =	vld.idx.msk [tilespmem:v28+s12+$0x0], $0xffff  }
0xec: {  	v34 =	vbroadcast v3, $0xB;
	v33 =	vor.u32 v0, v31;
	v16 =	vld.idx.msk [tilespmem:v16+s12+$0x0], $0xffff  }
0xed: {  	v35 =	vbroadcast v2, $0xB;
	v21 =	vor.u32 v1, v31;
	v19 =	vld.idx.msk [tilespmem:v29+s13+$0x0], $0xffff  }
0xee: {  	v38 =	vbroadcast v3, $0xC;
	v36 =	vor.u32 v0, v34;
	v17 =	vld.idx.msk [tilespmem:v17+s13+$0x0], $0xffff  }
0xef: {  	v39 =	vbroadcast v2, $0xC;
	v37 =	vor.u32 v0, v35;
	v22 =	vld.idx.msk [tilespmem:v32+s14+$0x0], $0xffff  }
0xf0: {  	v40 =	vor.u32 v0, v38;
	v42 =	vbroadcast v3, $0xD;
	v20 =	vld.idx.msk [tilespmem:v20+s14+$0x0], $0xffff  }
0xf1: {  	v41 =	vor.u32 v0, v39;
	v23 =	vld.idx.msk [tilespmem:v33+s15+$0x0], $0xffff  }
0xf2: {  	v43 =	vbroadcast v2, $0xD;
	v44 =	vor.u32 v0, v42;
	v21 =	vld.idx.msk [tilespmem:v21+s15+$0x0], $0xffff  }
0xf3: {  	v47 =	vor.u32 v1, v42;
	v26 =	vld.idx.msk [tilespmem:v36+s16+$0x0], $0xffff  }
0xf4: {  	v50 =	vbroadcast v3, $0xE;
	v49 =	vor.u32 v0, v43;
	v27 =	vld.idx.msk [tilespmem:v37+s17+$0x0], $0xffff  }
0xf5: {  	v52 =	vor.u32 v1, v43;
	v46 =	vld.idx.msk [tilespmem:v40+s18+$0x0], $0xffff  }
0xf6: {  	v55 =	vor.u32 v0, v50;
	v51 =	vld.idx.msk [tilespmem:v41+s19+$0x0], $0xffff  }
0xf7: {  	v58 =	vor.u32 v1, v50;
	v54 =	vbroadcast v2, $0xE;
	v24 =	vor.u32 v1, v34;
	v57 =	vld.idx.msk [tilespmem:v44+s20+$0x0], $0xffff  }
0xf8: {  	v3 =	vbroadcast v3, $0xF;
	v2 =	vbroadcast v2, $0xF;
	v25 =	vor.u32 v1, v35;
	v59 =	vld.idx.msk [tilespmem:v47+s20+$0x0], $0xffff  }
0xf9: {  	v60 =	vor.u32 v0, v54;
	v9 =	vbroadcast v61, $0xF;
	v28 =	vor.u32 v1, v38;
	v61 =	vld.idx.msk [tilespmem:v49+s21+$0x0], $0xffff  }
0xfa: {  	v10 =	vbroadcast v62, $0xF;
	v45 =	vbroadcast v63, $0xF;
	v29 =	vor.u32 v1, v39;
	v63 =	vld.idx.msk [tilespmem:v52+s21+$0x0], $0xffff  }
0xfb: {  	v62 =	vor.u32 v1, v54;
	v9 =	vnsel vm0, $0x0, v9;
	v8 =	vbroadcast v8, $0xF;
	v35 =	vld.idx.msk [tilespmem:v55+s22+$0x0], $0xffff  }
0xfc: {  	v9 =	vadd.f32 $0.0e+00, v9;
	v24 =	vld.idx.msk [tilespmem:v24+s16+$0x0], $0xffff;
	v14 =	vmul.f32 v15, v14;
	v12 =	vmul.f32 v13, v12  }
0xfd: {  	v10 =	vnsel vm1, $0x0, v10;
	v25 =	vld.idx.msk [tilespmem:v25+s17+$0x0], $0xffff;
	v56 =	vmul.f32 v19, v18;
	v16 =	vmul.f32 v17, v16  }
0xfe: {  	v7 =	vbroadcast v7, $0xF;
	v9 =	vadd.f32 v10, v9;
	v48 =	vld.idx.msk [tilespmem:v28+s18+$0x0], $0xffff;
	v12 =	vadd.f32 v12, v14  }
0xff: {  	v32 =	vor.u32 v0, v3;
	v3 =	vor.u32 v1, v3;
	v53 =	vld.idx.msk [tilespmem:v29+s19+$0x0], $0xffff;
	v14 =	vadd.f32 v16, v56  }
0x100: {  	v10 =	vnsel vm2, $0x0, v45;
	v38 =	vld.idx.msk [tilespmem:v60+s23+$0x0], $0xffff;
	v22 =	vmul.f32 v23, v22;
	v20 =	vmul.f32 v21, v20;
	(xrf2) =	vadd.scan.msk.f32 $0xffff, v12  }
0x101: {  	v8 =	vnsel vm3, $0x0, v8;
	v9 =	vadd.f32 v10, v9;
	v37 =	vor.u32 v0, v2;
	v40 =	vld.idx.msk [tilespmem:v62+s23+$0x0], $0xffff;
	(xrf2) =	vadd.scan.msk.f32 $0xffff, v14  }
0x102: {  	v36 =	vmul.f32 v27, v26;
	v19 =	vld.idx.msk [tilespmem:v58+s22+$0x0], $0xffff;
	v34 =	vadd.f32 v20, v22;
	v24 =	vmul.f32 v25, v24  }
0x103: {  	v8 =	vadd.f32 v8, v9;
	v2 =	vor.u32 v1, v2;
	v39 =	vmul.f32 v51, v46  }
0x104: {  	v7 =	vnsel vm4, $0x0, v7;
	v42 =	vld.idx.msk [tilespmem:v32+s24+$0x0], $0xffff;
	v10 =	vmul.f32 v53, v48;
	(xrf2) =	vadd.scan.msk.f32 $0xffff, v34;
	v41 =	vadd.f32 v24, v36  }
0x105: {  	v6 =	vbroadcast v6, $0xF;
	v5 =	vbroadcast v5, $0xF;
	v7 =	vadd.f32 v7, v8;
	v3 =	vld.idx.msk [tilespmem:v3+s24+$0x0], $0xffff  }
0x106: {  	v44 =	vmul.f32 v61, v57;
	v45 =	vmul.f32 v63, v59;
	v43 =	vadd.f32 v10, v39;
	(xrf2) =	vadd.scan.msk.f32 $0xffff, v41  }
0x107: {  	v6 =	vnsel vm5, $0x0, v6;
	v46 =	vld.idx.msk [tilespmem:v37+s25+$0x0], $0xffff;
	v48 =	vmul.f32 v38, v35;
	v49 =	vmul.f32 v40, v19  }
0x108: {  	v6 =	vadd.f32 v6, v7;
	v2 =	vld.idx.msk [tilespmem:v2+s25+$0x0], $0xffff;
	v47 =	vadd.f32 v45, v44;
	(xrf2) =	vadd.scan.msk.f32 $0xffff, v43  }
0x109: {  	v4 =	vbroadcast v4, $0xF;
	v5 =	vnsel vm6, $0x0, v5;
	v51 =	vadd.f32 v49, v48  }
0x10a: {  	v5 =	vadd.f32 v5, v6;
	v50, _, _ =	vpop (xrf2);
	(xrf2) =	vadd.scan.msk.f32 $0xffff, v47  }
0x10b: {  	v4 =	vnsel vm7, $0x0, v4;
	v6 =	vbroadcast v50, $0xF;
	v52, _, _ =	vpop (xrf2);
	(xrf2) =	vadd.scan.msk.f32 $0xffff, v51  }
0x10c: {  	v4 =	vadd.f32 v4, v5;
	v53 =	vmul.f32 v46, v42  }
0x10d: {  	v2 =	vmul.f32 v2, v3;
	v5 =	vbroadcast v52, $0xF;
	v3 =	vnsel vm8, $0x0, v6  }
0x10e: {  	v54, _, _ =	vpop (xrf2);
	v3 =	vadd.f32 v3, v4  }
0x10f: {  	v2 =	vadd.f32 v2, v53;
	v56 =	vbroadcast v54, $0xF;
	v55 =	vnsel vm9, $0x0, v5  }
0x110: {  	v57, _, _ =	vpop (xrf2);
	v3 =	vadd.f32 v55, v3  }
0x111: {  	(xrf2) =	vadd.scan.msk.f32 $0xffff, v2;
	v2 =	vnsel vm10, $0x0, v56;
	v4 =	vbroadcast v57, $0xF  }
0x112: {  	v58, _, _ =	vpop (xrf2);
	v2 =	vadd.f32 v2, v3  }
0x113: {  	v59 =	vbroadcast v58, $0xF;
	v3 =	vnsel vm11, $0x0, v4  }
0x114: {  	v60, _, _ =	vpop (xrf2);
	v2 =	vadd.f32 v3, v2  }
0x115: {  	v3 =	vnsel vm12, $0x0, v59;
	v61 =	vbroadcast v60, $0xF;
	v62, _, _ =	vpop (xrf2)  }
0x116: {  	v2 =	vadd.f32 v3, v2;
	v63 =	vbroadcast v62, $0xF  }
0x117: {  	v3 =	vnsel vm13, $0x0, v61  }
0x118: {  	v2 =	vadd.f32 v3, v2;
	v3 =	vnsel vm14, $0x0, v63;
	_ =	sdelay $0x2  }
0x119: {  	v2 =	vadd.f32 v3, v2;
	v3, _, _ =	vpop (xrf2)  }
0x11a: {  	v3 =	vsel vm15, $0x0, v3  }
0x11b: {  	v2 =	vadd.f32 v3, v2;
	_ =	sdelay $0x1  }
0x11c: {  	v2 =	vsub.f32 $0.0e+00, v2;
	_ =	sdelay $0x1  }
0x11d: {  	v2 =	vmul.f32 $1.442695020e+00, v2;
	_ =	sdelay $0x1  }
0x11e: {  	(erf) = vpow2.f32 v2;
	_ =	sdelay $0x8  }
0x11f: {  	v2 =	vpop (erf)  }
0x120: {  	v2 =	vadd.f32 $1.000000000e+00, v2;
	_ =	sdelay $0x1  }
0x121: {  	(erf) = vrcp.f32 v2;
	_ =	sdelay $0x4  }
0x122: {  	p0 =	sne.s32 s30, $0x7C0  }
.Ltmp0:
0x123: {  	_ = 	snop;
	(pc) =	sbr.rel @p0 .LBB2_2-.Ltmp0, $3  }
0x124: {  	_ =	sdelay $0x1  }
0x125: {  	v2 =	vpop (erf)  }
0x126: {  	s30 =	sadd.s32 $0x40, s30;
	[tilespmem:s31+$0x10400] =	vst v2  }
0x127: {  	s29 =	sadd.s32 $0x1, s29  }
0x128: {  	p0 =	sne.s32 s29, s6  }
.Ltmp1:
0x129: {  	_ = 	snop;
	(pc) =	sbr.rel @p0 .LBB2_1-.Ltmp1, $4  }
0x12a: {  	[hbm4b:s5+s2] =	stream.linear.scatter [tilespmem:s28], [sflag:$0x2], $0x200, $0x38;
	[tilespmem:$0x10600] =	vst v63  }
0x12b: {  	_ =	swait.ge [sflag:s7], $0x200  }
0x12c: {  	[sflag:s7] =	ssyncset.done $0x0  }
0x12d: {  	[sflag:s7] =	ssyncadd.s32 $0xFFFFFE00  }
0x12e: {  	_ =	sfence.sel $0x180000  }
0x12f: {  	[bflag:$0x0] =	sbarrier.arrive $0xFFFF  }
0x130: {  	_ =	strace $0x90000047  }
0x131: {  	s0 =	stileid.u32;
	[bflag:$0x2] =	sbarrier.arrive $0xFFFF  }
0x132: {  	p0 =	sne.s32 s0, $0x0;
	s0 =	rddreg [dreg:$0x5]  }
0x133: {  	s0 =	sadd.s32 @!p0 $0x100000, s0  }
0x134: {  	[sflag:s0] =	ssyncadd.tile.s32 @!p0 $0x1;
	_ =	shalt  }
.Lfunc_end2:
_tile_overlayer_lowered:
.L_overlay_start_2:
0x135: {  	(tag) =	ssettag $0x2  }
0x136: {  	s0 =	rddreg [dreg:$0x0];
	s2 =	stileid.u32  }
0x137: {  	s1 =	rddreg [dreg:$0x1];
	p0 =	sne.s32 s2, $0x0  }
0x138: {  	s3 =	rddreg [dreg:$0x2];
	[bflag:$0x3] =	sbarrier.arrive $0xFFFF;
	s2 =	simm.s32 @!p0 $0x1C02  }
0x139: {  	[timem:s3], [sflag:s2] =	dma.local @!p0 [hbm:s0], s1  }
0x13a: {  	s0 =	simm.s32 @!p0 $0x2  }
0x13b: {  	_ =	swait.ge @!p0 [sflag:s0], s1  }
0x13c: {  	s1 =	ssub.s32 @!p0 $0x0, s1;
	[sflag:s0] =	ssyncset.done @!p0 $0x0  }
0x13d: {  	[sflag:s0] =	ssyncadd.s32 @!p0 s1  }
0x13e: {  	[bflag:$0x3] =	sbarrier.arrive $0xFFFF  }
0x13f: {  	_ =	shalt  }

</sc_bundles>
